<compile_context>
chip_gen: v7x
topology: tpu7x:2x2x1
jax: 0.10.2.dev20260603
libtpu: 0.0.44.dev20260713+nightly
codegen_flags: <defaults>
</compile_context>

<pallas_src>
import jax
import jax.numpy as jnp
from jax import lax
from jax.experimental import pallas as pl
from jax.experimental.pallas import tpu as pltpu
from jax.experimental.pallas import tpu_sc as plsc

INPUT_DIM = 1000000
PROJ_DIM = 32
BATCH = 16384

_info = plsc.get_sparse_core_info()
_NC, _NS, _L = _info.num_cores, _info.num_subcores, _info.num_lanes
_NW = _NC * _NS
_BPW = BATCH // _NW

_CHUNK = 32768
_NCHUNK = -(-INPUT_DIM // _CHUNK)
_QUART = _CHUNK // 4
_QROWS = _NCHUNK * _QUART
_PROWS = 4 * _QROWS


def _relayout_body(wwt_ref, wct_ref, pw_ref, pc_ref):
    for src, dst in ((wwt_ref, pw_ref), (wct_ref, pc_ref)):
        x = src[...]
        u = jnp.concatenate(
            [x[:, k * _QUART:(k + 1) * _QUART] for k in range(4)], axis=0)
        dst[...] = jnp.transpose(u)


def _relayout(wwt, wct):
    spec_in = pl.BlockSpec((PROJ_DIM, _CHUNK), lambda c: (0, c))
    spec_out = pl.BlockSpec((_QUART, 4 * PROJ_DIM), lambda c: (c, 0))
    oshape = jax.ShapeDtypeStruct((_QROWS, 4 * PROJ_DIM), jnp.float32)
    return pl.pallas_call(
        _relayout_body,
        grid=(_NCHUNK,),
        in_specs=[spec_in, spec_in],
        out_specs=[spec_out, spec_out],
        out_shape=[oshape, oshape],
    )(wwt, wct)


_LOG_CHUNK = _CHUNK.bit_length() - 1
_LOG_QUART = _QUART.bit_length() - 1


def _packed_idx(r):
    return (((r >> _LOG_CHUNK) << _LOG_CHUNK)
            + ((r & (_QUART - 1)) << 2) + ((r >> _LOG_QUART) & 3))


def _sc_body(x2_hbm, pw_hbm, pc_hbm, out_hbm,
             x_v, idx0_v, idx1_v, rows_w, rows_c, out_v, sem0, sem1):
    wid = lax.axis_index("s") * _NC + lax.axis_index("c")
    base = wid * _BPW

    pltpu.sync_copy(x2_hbm.at[pl.ds(wid * 4, 4), :], x_v)

    for k in range(_BPW // _L):
        t, g = divmod(k * _L, 128)
        r0 = x_v[t, pl.ds(g, _L)]
        r1 = x_v[t, pl.ds(128 + g, _L)]
        idx0_v[pl.ds(k * _L, _L)] = _packed_idx(r0)
        idx1_v[pl.ds(k * _L, _L)] = _packed_idx(r1)

    cp0 = pltpu.async_copy(pw_hbm.at[idx0_v], rows_w, sem0)
    cp1 = pltpu.async_copy(pc_hbm.at[idx1_v], rows_c, sem1)
    cp0.wait()
    cp1.wait()

    lane_iota = lax.iota(jnp.int32, _L)

    def block_body(b, _):
        row_idx = lane_iota + b * _L
        acc = jnp.zeros((_L,), jnp.float32)
        for j in range(PROJ_DIM):
            col = jnp.full((_L,), j, jnp.int32)
            gw = plsc.load_gather(rows_w, [row_idx, col])
            gc = plsc.load_gather(rows_c, [row_idx, col])
            acc = acc + gw * gc
        out_v[pl.ds(b * _L, _L)] = 1.0 / (1.0 + jnp.exp(-acc))
        return 0

    lax.fori_loop(0, _BPW // _L, block_body, 0)

    pltpu.sync_copy(out_v, out_hbm.at[pl.ds(base, _BPW)])


def _sc_gather(x2, pw, pc):
    mesh = plsc.VectorSubcoreMesh(core_axis_name="c", subcore_axis_name="s")
    f = pl.kernel(
        _sc_body,
        mesh=mesh,
        compiler_params=pltpu.CompilerParams(
            use_tc_tiling_on_sc=False, needs_layout_passes=False),
        out_type=jax.ShapeDtypeStruct((BATCH,), jnp.float32),
        scratch_types=[
            pltpu.VMEM((4, 2 * 128), jnp.int32),
            pltpu.VMEM((_BPW,), jnp.int32),
            pltpu.VMEM((_BPW,), jnp.int32),
            pltpu.VMEM((_BPW, PROJ_DIM), jnp.float32),
            pltpu.VMEM((_BPW, PROJ_DIM), jnp.float32),
            pltpu.VMEM((_BPW,), jnp.float32),
            pltpu.SemaphoreType.DMA,
            pltpu.SemaphoreType.DMA,
        ],
    )
    return f(x2, pw, pc)


@jax.jit
def _run(X, W_w, W_c):
    xt = jnp.reshape(jnp.transpose(X.astype(jnp.int32)), (2, 128, 128))
    x2 = jnp.reshape(jnp.transpose(xt, (1, 0, 2)), (128, 2 * 128))
    pw, pc = _relayout(jnp.transpose(W_w), jnp.transpose(W_c))
    out = _sc_gather(x2,
                     jnp.reshape(pw, (_PROWS, PROJ_DIM)),
                     jnp.reshape(pc, (_PROWS, PROJ_DIM)))
    return jnp.reshape(out, (BATCH, 1))


def kernel(X, W_w, W_c):
    return _run(X, W_w, W_c)

# --- scband reference (transcript-rebuilt; emitter-appended) ---
"""Pipeline reference for scband-node-context-product-15882789060692 (READ-ONLY COPY).

The authoritative reference and input builder live on the scoring server;
editing this copy changes nothing except your own understanding.
"""

import jax, jax.numpy as jnp
import numpy as np

INPUT_DIM = 1000000
PROJ_DIM = 32
BATCH = 16384


def setup_inputs(seed: int = 0) -> dict:
    key = jax.random.key(seed)
    k1, k2, k3 = jax.random.split(key, 3)
    X = jax.random.randint(k1, (BATCH, 2), 0, INPUT_DIM, dtype=jnp.int64 if jax.config.jax_enable_x64 else jnp.int32)
    # 'uniform' init in old keras: uniform(-0.05, 0.05)
    W_w = jax.random.uniform(k2, (INPUT_DIM, PROJ_DIM), dtype=jnp.float32, minval=-0.05, maxval=0.05)
    W_c = jax.random.uniform(k3, (INPUT_DIM, PROJ_DIM), dtype=jnp.float32, minval=-0.05, maxval=0.05)
    return {"X": X, "W_w": W_w, "W_c": W_c}


def reference(X, W_w, W_c):
    # gather pivot embeddings and context embeddings
    w = jnp.take(W_w, X[:, 0], axis=0)  # (B, proj_dim)
    c = jnp.take(W_c, X[:, 1], axis=0)  # (B, proj_dim)
    dot = jnp.sum(w * c, axis=1)
    dot = jnp.reshape(dot, (X.shape[0], 1))
    return jax.nn.sigmoid(dot)

if __name__ == "__main__":
    import jax
    _d = setup_inputs()
    print(jax.jit(kernel)(*tuple(_d.values())))

</pallas_src>

<mosaic_0001>
#map = affine_map<(d0, d1) -> (0, 0)>
#map1 = affine_map<(d0, d1) -> (0)>
module attributes {stable_mosaic.version = 14 : i64} {
  func.func @_sc_body(%arg0: i32, %arg1: i32, %arg2: memref<128x256xi32, #tpu.memory_space<hbm>>, %arg3: memref<1015808x32xf32, #tpu.memory_space<hbm>>, %arg4: memref<1015808x32xf32, #tpu.memory_space<hbm>>, %arg5: memref<16384xf32, #tpu.memory_space<hbm>>, %arg6: memref<4x256xi32, #tpu.memory_space<vmem>>, %arg7: memref<512xi32, #tpu.memory_space<vmem>>, %arg8: memref<512xi32, #tpu.memory_space<vmem>>, %arg9: memref<512x32xf32, #tpu.memory_space<vmem>>, %arg10: memref<512x32xf32, #tpu.memory_space<vmem>>, %arg11: memref<512xf32, #tpu.memory_space<vmem>>, %arg12: memref<!tpu.dma_semaphore, #tpu.memory_space<semaphore_mem>>, %arg13: memref<!tpu.dma_semaphore, #tpu.memory_space<semaphore_mem>>) attributes {dimension_semantics = [#tpu.dimension_semantics<core_parallel>, #tpu.dimension_semantics<subcore_parallel>], iteration_bounds = array<i64: 2, 16>, scalar_prefetch = 0 : i64, scratch_operands = 8 : i64, tpu.core_type = #tpu.core_type<sc_vector_subcore>, window_params = [{transform_indices = #map}, {transform_indices = #map}, {transform_indices = #map}, {transform_indices = #map1}]} {
    %mul3A = arith.constant 2 : i32
    %mul3A_0 = arith.muli %arg1, %mul3A : i32
    %add3A = arith.addi %mul3A_0, %arg0 : i32
    %mul3A_1 = arith.constant 512 : i32
    %mul3A_2 = arith.muli %add3A, %mul3A_1 : i32
    %mul3A_3 = arith.constant 4 : i32
    %mul3A_4 = arith.muli %add3A, %mul3A_3 : i32
    "tpu.region"() ({
      %run_scoped3A = tpu.sem_alloc : memref<!tpu.dma_semaphore, #tpu.memory_space<semaphore_mem>>
      %dma_start3A_1680 = arith.constant 0 : i32
      %dma_start3A_1681 = tpu.memref_slice %arg2[%mul3A_4, %dma_start3A_1680] : memref<128x256xi32, #tpu.memory_space<hbm>> -> memref<4x256xi32, #tpu.memory_space<hbm>>
      %dma_start3A_1682 = arith.constant 0 : i32
      %dma_start3A_1683 = tpu.memref_slice %arg2[%mul3A_4, %dma_start3A_1682] : memref<128x256xi32, #tpu.memory_space<hbm>> -> memref<4x256xi32, #tpu.memory_space<hbm>>
      tpu.enqueue_dma source(%dma_start3A_1683 : memref<4x256xi32, #tpu.memory_space<hbm>>) target(%arg6 : memref<4x256xi32, #tpu.memory_space<vmem>>) target_semaphore(%run_scoped3A : memref<!tpu.dma_semaphore, #tpu.memory_space<semaphore_mem>>)
      %dma_wait3A_1684 = arith.constant 0 : i32
      %dma_wait3A_1685 = tpu.memref_slice %arg2[%mul3A_4, %dma_wait3A_1684] : memref<128x256xi32, #tpu.memory_space<hbm>> -> memref<4x256xi32, #tpu.memory_space<hbm>>
      %dma_wait3A_1686 = arith.constant 0 : i32
      %dma_wait3A_1687 = tpu.memref_slice %arg2[%mul3A_4, %dma_wait3A_1686] : memref<128x256xi32, #tpu.memory_space<hbm>> -> memref<4x256xi32, #tpu.memory_space<hbm>>
      tpu.wait_dma2 semaphore(%run_scoped3A : memref<!tpu.dma_semaphore, #tpu.memory_space<semaphore_mem>>) src(%dma_wait3A_1687 : memref<4x256xi32, #tpu.memory_space<hbm>>) dst(%arg6 : memref<4x256xi32, #tpu.memory_space<vmem>>)
      tpu.yield
    }) : () -> ()
    %get3A = arith.constant 0 : i32
    %get3A_5 = arith.index_cast %get3A : i32 to index
    %get3A_6 = arith.constant 0 : index
    %get3A_7 = tpu.vector_load %arg6[%get3A_5, %get3A_6] {strides = array<i32>} : memref<4x256xi32, #tpu.memory_space<vmem>>, vector<16xi32>,
    %get3A_8 = arith.constant 0 : i32
    %get3A_9 = arith.index_cast %get3A_8 : i32 to index
    %get3A_10 = arith.constant 128 : index
    %get3A_11 = tpu.vector_load %arg6[%get3A_9, %get3A_10] {strides = array<i32>} : memref<4x256xi32, #tpu.memory_space<vmem>>, vector<16xi32>,
    %shift_right_arithmetic3A = arith.constant 15 : i32
    %shift_right_arithmetic3A_12 = vector.broadcast %shift_right_arithmetic3A : i32 to vector<16xi32>
    %shift_right_arithmetic3A_13 = arith.shrsi %get3A_7, %shift_right_arithmetic3A_12 : vector<16xi32>
    %shift_left3A = arith.constant 15 : i32
    %shift_left3A_14 = vector.broadcast %shift_left3A : i32 to vector<16xi32>
    %shift_left3A_15 = arith.shli %shift_right_arithmetic3A_13, %shift_left3A_14 : vector<16xi32>
    %and3A = arith.constant 8191 : i32
    %and3A_16 = vector.broadcast %and3A : i32 to vector<16xi32>
    %and3A_17 = arith.andi %get3A_7, %and3A_16 : vector<16xi32>
    %shift_left3A_18 = arith.constant 2 : i32
    %shift_left3A_19 = vector.broadcast %shift_left3A_18 : i32 to vector<16xi32>
    %shift_left3A_20 = arith.shli %and3A_17, %shift_left3A_19 : vector<16xi32>
    %add3A_21 = arith.addi %shift_left3A_15, %shift_left3A_20 : vector<16xi32>
    %shift_right_arithmetic3A_22 = arith.constant 13 : i32
    %shift_right_arithmetic3A_23 = vector.broadcast %shift_right_arithmetic3A_22 : i32 to vector<16xi32>
    %shift_right_arithmetic3A_24 = arith.shrsi %get3A_7, %shift_right_arithmetic3A_23 : vector<16xi32>
    %and3A_25 = arith.constant 3 : i32
    %and3A_26 = vector.broadcast %and3A_25 : i32 to vector<16xi32>
    %and3A_27 = arith.andi %shift_right_arithmetic3A_24, %and3A_26 : vector<16xi32>
    %add3A_28 = arith.addi %add3A_21, %and3A_27 : vector<16xi32>
    %swap3A = arith.constant 0 : index
    %swap3A_29 = tpu.vector_load %arg7[%swap3A] {strides = array<i32>} : memref<512xi32, #tpu.memory_space<vmem>>, vector<16xi32>,
    tpu.vector_store %arg7[%swap3A], %add3A_28 {strides = array<i32>} : memref<512xi32, #tpu.memory_space<vmem>>, vector<16xi32>,
    %shift_right_arithmetic3A_30 = arith.constant 15 : i32
    %shift_right_arithmetic3A_31 = vector.broadcast %shift_right_arithmetic3A_30 : i32 to vector<16xi32>
    %shift_right_arithmetic3A_32 = arith.shrsi %get3A_11, %shift_right_arithmetic3A_31 : vector<16xi32>
    %shift_left3A_33 = arith.constant 15 : i32
    %shift_left3A_34 = vector.broadcast %shift_left3A_33 : i32 to vector<16xi32>
    %shift_left3A_35 = arith.shli %shift_right_arithmetic3A_32, %shift_left3A_34 : vector<16xi32>
    %and3A_36 = arith.constant 8191 : i32
    %and3A_37 = vector.broadcast %and3A_36 : i32 to vector<16xi32>
    %and3A_38 = arith.andi %get3A_11, %and3A_37 : vector<16xi32>
    %shift_left3A_39 = arith.constant 2 : i32
    %shift_left3A_40 = vector.broadcast %shift_left3A_39 : i32 to vector<16xi32>
    %shift_left3A_41 = arith.shli %and3A_38, %shift_left3A_40 : vector<16xi32>
    %add3A_42 = arith.addi %shift_left3A_35, %shift_left3A_41 : vector<16xi32>
    %shift_right_arithmetic3A_43 = arith.constant 13 : i32
    %shift_right_arithmetic3A_44 = vector.broadcast %shift_right_arithmetic3A_43 : i32 to vector<16xi32>
    %shift_right_arithmetic3A_45 = arith.shrsi %get3A_11, %shift_right_arithmetic3A_44 : vector<16xi32>
    %and3A_46 = arith.constant 3 : i32
    %and3A_47 = vector.broadcast %and3A_46 : i32 to vector<16xi32>
    %and3A_48 = arith.andi %shift_right_arithmetic3A_45, %and3A_47 : vector<16xi32>
    %add3A_49 = arith.addi %add3A_42, %and3A_48 : vector<16xi32>
    %swap3A_50 = arith.constant 0 : index
    %swap3A_51 = tpu.vector_load %arg8[%swap3A_50] {strides = array<i32>} : memref<512xi32, #tpu.memory_space<vmem>>, vector<16xi32>,
    tpu.vector_store %arg8[%swap3A_50], %add3A_49 {strides = array<i32>} : memref<512xi32, #tpu.memory_space<vmem>>, vector<16xi32>,
    %get3A_52 = arith.constant 0 : i32
    %get3A_53 = arith.index_cast %get3A_52 : i32 to index
    %get3A_54 = arith.constant 16 : index
    %get3A_55 = tpu.vector_load %arg6[%get3A_53, %get3A_54] {strides = array<i32>} : memref<4x256xi32, #tpu.memory_space<vmem>>, vector<16xi32>,
    %get3A_56 = arith.constant 0 : i32
    %get3A_57 = arith.index_cast %get3A_56 : i32 to index
    %get3A_58 = arith.constant 144 : index
    %get3A_59 = tpu.vector_load %arg6[%get3A_57, %get3A_58] {strides = array<i32>} : memref<4x256xi32, #tpu.memory_space<vmem>>, vector<16xi32>,
    %shift_right_arithmetic3A_60 = arith.constant 15 : i32
    %shift_right_arithmetic3A_61 = vector.broadcast %shift_right_arithmetic3A_60 : i32 to vector<16xi32>
    %shift_right_arithmetic3A_62 = arith.shrsi %get3A_55, %shift_right_arithmetic3A_61 : vector<16xi32>
    %shift_left3A_63 = arith.constant 15 : i32
    %shift_left3A_64 = vector.broadcast %shift_left3A_63 : i32 to vector<16xi32>
    %shift_left3A_65 = arith.shli %shift_right_arithmetic3A_62, %shift_left3A_64 : vector<16xi32>
    %and3A_66 = arith.constant 8191 : i32
    %and3A_67 = vector.broadcast %and3A_66 : i32 to vector<16xi32>
    %and3A_68 = arith.andi %get3A_55, %and3A_67 : vector<16xi32>
    %shift_left3A_69 = arith.constant 2 : i32
    %shift_left3A_70 = vector.broadcast %shift_left3A_69 : i32 to vector<16xi32>
    %shift_left3A_71 = arith.shli %and3A_68, %shift_left3A_70 : vector<16xi32>
    %add3A_72 = arith.addi %shift_left3A_65, %shift_left3A_71 : vector<16xi32>
    %shift_right_arithmetic3A_73 = arith.constant 13 : i32
    %shift_right_arithmetic3A_74 = vector.broadcast %shift_right_arithmetic3A_73 : i32 to vector<16xi32>
    %shift_right_arithmetic3A_75 = arith.shrsi %get3A_55, %shift_right_arithmetic3A_74 : vector<16xi32>
    %and3A_76 = arith.constant 3 : i32
    %and3A_77 = vector.broadcast %and3A_76 : i32 to vector<16xi32>
    %and3A_78 = arith.andi %shift_right_arithmetic3A_75, %and3A_77 : vector<16xi32>
    %add3A_79 = arith.addi %add3A_72, %and3A_78 : vector<16xi32>
    %swap3A_80 = arith.constant 16 : index
    %swap3A_81 = tpu.vector_load %arg7[%swap3A_80] {strides = array<i32>} : memref<512xi32, #tpu.memory_space<vmem>>, vector<16xi32>,
    tpu.vector_store %arg7[%swap3A_80], %add3A_79 {strides = array<i32>} : memref<512xi32, #tpu.memory_space<vmem>>, vector<16xi32>,
    %shift_right_arithmetic3A_82 = arith.constant 15 : i32
    %shift_right_arithmetic3A_83 = vector.broadcast %shift_right_arithmetic3A_82 : i32 to vector<16xi32>
    %shift_right_arithmetic3A_84 = arith.shrsi %get3A_59, %shift_right_arithmetic3A_83 : vector<16xi32>
    %shift_left3A_85 = arith.constant 15 : i32
    %shift_left3A_86 = vector.broadcast %shift_left3A_85 : i32 to vector<16xi32>
    %shift_left3A_87 = arith.shli %shift_right_arithmetic3A_84, %shift_left3A_86 : vector<16xi32>
    %and3A_88 = arith.constant 8191 : i32
    %and3A_89 = vector.broadcast %and3A_88 : i32 to vector<16xi32>
    %and3A_90 = arith.andi %get3A_59, %and3A_89 : vector<16xi32>
    %shift_left3A_91 = arith.constant 2 : i32
    %shift_left3A_92 = vector.broadcast %shift_left3A_91 : i32 to vector<16xi32>
    %shift_left3A_93 = arith.shli %and3A_90, %shift_left3A_92 : vector<16xi32>
    %add3A_94 = arith.addi %shift_left3A_87, %shift_left3A_93 : vector<16xi32>
    %shift_right_arithmetic3A_95 = arith.constant 13 : i32
    %shift_right_arithmetic3A_96 = vector.broadcast %shift_right_arithmetic3A_95 : i32 to vector<16xi32>
    %shift_right_arithmetic3A_97 = arith.shrsi %get3A_59, %shift_right_arithmetic3A_96 : vector<16xi32>
    %and3A_98 = arith.constant 3 : i32
    %and3A_99 = vector.broadcast %and3A_98 : i32 to vector<16xi32>
    %and3A_100 = arith.andi %shift_right_arithmetic3A_97, %and3A_99 : vector<16xi32>
    %add3A_101 = arith.addi %add3A_94, %and3A_100 : vector<16xi32>
    %swap3A_102 = arith.constant 16 : index
    %swap3A_103 = tpu.vector_load %arg8[%swap3A_102] {strides = array<i32>} : memref<512xi32, #tpu.memory_space<vmem>>, vector<16xi32>,
    tpu.vector_store %arg8[%swap3A_102], %add3A_101 {strides = array<i32>} : memref<512xi32, #tpu.memory_space<vmem>>, vector<16xi32>,
    %get3A_104 = arith.constant 0 : i32
    %get3A_105 = arith.index_cast %get3A_104 : i32 to index
    %get3A_106 = arith.constant 32 : index
    %get3A_107 = tpu.vector_load %arg6[%get3A_105, %get3A_106] {strides = array<i32>} : memref<4x256xi32, #tpu.memory_space<vmem>>, vector<16xi32>,
    %get3A_108 = arith.constant 0 : i32
    %get3A_109 = arith.index_cast %get3A_108 : i32 to index
    %get3A_110 = arith.constant 160 : index
    %get3A_111 = tpu.vector_load %arg6[%get3A_109, %get3A_110] {strides = array<i32>} : memref<4x256xi32, #tpu.memory_space<vmem>>, vector<16xi32>,
    %shift_right_arithmetic3A_112 = arith.constant 15 : i32
    %shift_right_arithmetic3A_113 = vector.broadcast %shift_right_arithmetic3A_112 : i32 to vector<16xi32>
    %shift_right_arithmetic3A_114 = arith.shrsi %get3A_107, %shift_right_arithmetic3A_113 : vector<16xi32>
    %shift_left3A_115 = arith.constant 15 : i32
    %shift_left3A_116 = vector.broadcast %shift_left3A_115 : i32 to vector<16xi32>
    %shift_left3A_117 = arith.shli %shift_right_arithmetic3A_114, %shift_left3A_116 : vector<16xi32>
    %and3A_118 = arith.constant 8191 : i32
    %and3A_119 = vector.broadcast %and3A_118 : i32 to vector<16xi32>
    %and3A_120 = arith.andi %get3A_107, %and3A_119 : vector<16xi32>
    %shift_left3A_121 = arith.constant 2 : i32
    %shift_left3A_122 = vector.broadcast %shift_left3A_121 : i32 to vector<16xi32>
    %shift_left3A_123 = arith.shli %and3A_120, %shift_left3A_122 : vector<16xi32>
    %add3A_124 = arith.addi %shift_left3A_117, %shift_left3A_123 : vector<16xi32>
    %shift_right_arithmetic3A_125 = arith.constant 13 : i32
    %shift_right_arithmetic3A_126 = vector.broadcast %shift_right_arithmetic3A_125 : i32 to vector<16xi32>
    %shift_right_arithmetic3A_127 = arith.shrsi %get3A_107, %shift_right_arithmetic3A_126 : vector<16xi32>
    %and3A_128 = arith.constant 3 : i32
    %and3A_129 = vector.broadcast %and3A_128 : i32 to vector<16xi32>
    %and3A_130 = arith.andi %shift_right_arithmetic3A_127, %and3A_129 : vector<16xi32>
    %add3A_131 = arith.addi %add3A_124, %and3A_130 : vector<16xi32>
    %swap3A_132 = arith.constant 32 : index
    %swap3A_133 = tpu.vector_load %arg7[%swap3A_132] {strides = array<i32>} : memref<512xi32, #tpu.memory_space<vmem>>, vector<16xi32>,
    tpu.vector_store %arg7[%swap3A_132], %add3A_131 {strides = array<i32>} : memref<512xi32, #tpu.memory_space<vmem>>, vector<16xi32>,
    %shift_right_arithmetic3A_134 = arith.constant 15 : i32
    %shift_right_arithmetic3A_135 = vector.broadcast %shift_right_arithmetic3A_134 : i32 to vector<16xi32>
    %shift_right_arithmetic3A_136 = arith.shrsi %get3A_111, %shift_right_arithmetic3A_135 : vector<16xi32>
    %shift_left3A_137 = arith.constant 15 : i32
    %shift_left3A_138 = vector.broadcast %shift_left3A_137 : i32 to vector<16xi32>
    %shift_left3A_139 = arith.shli %shift_right_arithmetic3A_136, %shift_left3A_138 : vector<16xi32>
    %and3A_140 = arith.constant 8191 : i32
    %and3A_141 = vector.broadcast %and3A_140 : i32 to vector<16xi32>
    %and3A_142 = arith.andi %get3A_111, %and3A_141 : vector<16xi32>
    %shift_left3A_143 = arith.constant 2 : i32
    %shift_left3A_144 = vector.broadcast %shift_left3A_143 : i32 to vector<16xi32>
    %shift_left3A_145 = arith.shli %and3A_142, %shift_left3A_144 : vector<16xi32>
    %add3A_146 = arith.addi %shift_left3A_139, %shift_left3A_145 : vector<16xi32>
    %shift_right_arithmetic3A_147 = arith.constant 13 : i32
    %shift_right_arithmetic3A_148 = vector.broadcast %shift_right_arithmetic3A_147 : i32 to vector<16xi32>
    %shift_right_arithmetic3A_149 = arith.shrsi %get3A_111, %shift_right_arithmetic3A_148 : vector<16xi32>
    %and3A_150 = arith.constant 3 : i32
    %and3A_151 = vector.broadcast %and3A_150 : i32 to vector<16xi32>
    %and3A_152 = arith.andi %shift_right_arithmetic3A_149, %and3A_151 : vector<16xi32>
    %add3A_153 = arith.addi %add3A_146, %and3A_152 : vector<16xi32>
    %swap3A_154 = arith.constant 32 : index
    %swap3A_155 = tpu.vector_load %arg8[%swap3A_154] {strides = array<i32>} : memref<512xi32, #tpu.memory_space<vmem>>, vector<16xi32>,
    tpu.vector_store %arg8[%swap3A_154], %add3A_153 {strides = array<i32>} : memref<512xi32, #tpu.memory_space<vmem>>, vector<16xi32>,
    %get3A_156 = arith.constant 0 : i32
    %get3A_157 = arith.index_cast %get3A_156 : i32 to index
    %get3A_158 = arith.constant 48 : index
    %get3A_159 = tpu.vector_load %arg6[%get3A_157, %get3A_158] {strides = array<i32>} : memref<4x256xi32, #tpu.memory_space<vmem>>, vector<16xi32>,
    %get3A_160 = arith.constant 0 : i32
    %get3A_161 = arith.index_cast %get3A_160 : i32 to index
    %get3A_162 = arith.constant 176 : index
    %get3A_163 = tpu.vector_load %arg6[%get3A_161, %get3A_162] {strides = array<i32>} : memref<4x256xi32, #tpu.memory_space<vmem>>, vector<16xi32>,
    %shift_right_arithmetic3A_164 = arith.constant 15 : i32
    %shift_right_arithmetic3A_165 = vector.broadcast %shift_right_arithmetic3A_164 : i32 to vector<16xi32>
    %shift_right_arithmetic3A_166 = arith.shrsi %get3A_159, %shift_right_arithmetic3A_165 : vector<16xi32>
    %shift_left3A_167 = arith.constant 15 : i32
    %shift_left3A_168 = vector.broadcast %shift_left3A_167 : i32 to vector<16xi32>
    %shift_left3A_169 = arith.shli %shift_right_arithmetic3A_166, %shift_left3A_168 : vector<16xi32>
    %and3A_170 = arith.constant 8191 : i32
    %and3A_171 = vector.broadcast %and3A_170 : i32 to vector<16xi32>
    %and3A_172 = arith.andi %get3A_159, %and3A_171 : vector<16xi32>
    %shift_left3A_173 = arith.constant 2 : i32
    %shift_left3A_174 = vector.broadcast %shift_left3A_173 : i32 to vector<16xi32>
    %shift_left3A_175 = arith.shli %and3A_172, %shift_left3A_174 : vector<16xi32>
    %add3A_176 = arith.addi %shift_left3A_169, %shift_left3A_175 : vector<16xi32>
    %shift_right_arithmetic3A_177 = arith.constant 13 : i32
    %shift_right_arithmetic3A_178 = vector.broadcast %shift_right_arithmetic3A_177 : i32 to vector<16xi32>
    %shift_right_arithmetic3A_179 = arith.shrsi %get3A_159, %shift_right_arithmetic3A_178 : vector<16xi32>
    %and3A_180 = arith.constant 3 : i32
    %and3A_181 = vector.broadcast %and3A_180 : i32 to vector<16xi32>
    %and3A_182 = arith.andi %shift_right_arithmetic3A_179, %and3A_181 : vector<16xi32>
    %add3A_183 = arith.addi %add3A_176, %and3A_182 : vector<16xi32>
    %swap3A_184 = arith.constant 48 : index
    %swap3A_185 = tpu.vector_load %arg7[%swap3A_184] {strides = array<i32>} : memref<512xi32, #tpu.memory_space<vmem>>, vector<16xi32>,
    tpu.vector_store %arg7[%swap3A_184], %add3A_183 {strides = array<i32>} : memref<512xi32, #tpu.memory_space<vmem>>, vector<16xi32>,
    %shift_right_arithmetic3A_186 = arith.constant 15 : i32
    %shift_right_arithmetic3A_187 = vector.broadcast %shift_right_arithmetic3A_186 : i32 to vector<16xi32>
    %shift_right_arithmetic3A_188 = arith.shrsi %get3A_163, %shift_right_arithmetic3A_187 : vector<16xi32>
    %shift_left3A_189 = arith.constant 15 : i32
    %shift_left3A_190 = vector.broadcast %shift_left3A_189 : i32 to vector<16xi32>
    %shift_left3A_191 = arith.shli %shift_right_arithmetic3A_188, %shift_left3A_190 : vector<16xi32>
    %and3A_192 = arith.constant 8191 : i32
    %and3A_193 = vector.broadcast %and3A_192 : i32 to vector<16xi32>
    %and3A_194 = arith.andi %get3A_163, %and3A_193 : vector<16xi32>
    %shift_left3A_195 = arith.constant 2 : i32
    %shift_left3A_196 = vector.broadcast %shift_left3A_195 : i32 to vector<16xi32>
    %shift_left3A_197 = arith.shli %and3A_194, %shift_left3A_196 : vector<16xi32>
    %add3A_198 = arith.addi %shift_left3A_191, %shift_left3A_197 : vector<16xi32>
    %shift_right_arithmetic3A_199 = arith.constant 13 : i32
    %shift_right_arithmetic3A_200 = vector.broadcast %shift_right_arithmetic3A_199 : i32 to vector<16xi32>
    %shift_right_arithmetic3A_201 = arith.shrsi %get3A_163, %shift_right_arithmetic3A_200 : vector<16xi32>
    %and3A_202 = arith.constant 3 : i32
    %and3A_203 = vector.broadcast %and3A_202 : i32 to vector<16xi32>
    %and3A_204 = arith.andi %shift_right_arithmetic3A_201, %and3A_203 : vector<16xi32>
    %add3A_205 = arith.addi %add3A_198, %and3A_204 : vector<16xi32>
    %swap3A_206 = arith.constant 48 : index
    %swap3A_207 = tpu.vector_load %arg8[%swap3A_206] {strides = array<i32>} : memref<512xi32, #tpu.memory_space<vmem>>, vector<16xi32>,
    tpu.vector_store %arg8[%swap3A_206], %add3A_205 {strides = array<i32>} : memref<512xi32, #tpu.memory_space<vmem>>, vector<16xi32>,
    %get3A_208 = arith.constant 0 : i32
    %get3A_209 = arith.index_cast %get3A_208 : i32 to index
    %get3A_210 = arith.constant 64 : index
    %get3A_211 = tpu.vector_load %arg6[%get3A_209, %get3A_210] {strides = array<i32>} : memref<4x256xi32, #tpu.memory_space<vmem>>, vector<16xi32>,
    %get3A_212 = arith.constant 0 : i32
    %get3A_213 = arith.index_cast %get3A_212 : i32 to index
    %get3A_214 = arith.constant 192 : index
    %get3A_215 = tpu.vector_load %arg6[%get3A_213, %get3A_214] {strides = array<i32>} : memref<4x256xi32, #tpu.memory_space<vmem>>, vector<16xi32>,
    %shift_right_arithmetic3A_216 = arith.constant 15 : i32
    %shift_right_arithmetic3A_217 = vector.broadcast %shift_right_arithmetic3A_216 : i32 to vector<16xi32>
    %shift_right_arithmetic3A_218 = arith.shrsi %get3A_211, %shift_right_arithmetic3A_217 : vector<16xi32>
    %shift_left3A_219 = arith.constant 15 : i32
    %shift_left3A_220 = vector.broadcast %shift_left3A_219 : i32 to vector<16xi32>
    %shift_left3A_221 = arith.shli %shift_right_arithmetic3A_218, %shift_left3A_220 : vector<16xi32>
    %and3A_222 = arith.constant 8191 : i32
    %and3A_223 = vector.broadcast %and3A_222 : i32 to vector<16xi32>
    %and3A_224 = arith.andi %get3A_211, %and3A_223 : vector<16xi32>
    %shift_left3A_225 = arith.constant 2 : i32
    %shift_left3A_226 = vector.broadcast %shift_left3A_225 : i32 to vector<16xi32>
    %shift_left3A_227 = arith.shli %and3A_224, %shift_left3A_226 : vector<16xi32>
    %add3A_228 = arith.addi %shift_left3A_221, %shift_left3A_227 : vector<16xi32>
    %shift_right_arithmetic3A_229 = arith.constant 13 : i32
    %shift_right_arithmetic3A_230 = vector.broadcast %shift_right_arithmetic3A_229 : i32 to vector<16xi32>
    %shift_right_arithmetic3A_231 = arith.shrsi %get3A_211, %shift_right_arithmetic3A_230 : vector<16xi32>
    %and3A_232 = arith.constant 3 : i32
    %and3A_233 = vector.broadcast %and3A_232 : i32 to vector<16xi32>
    %and3A_234 = arith.andi %shift_right_arithmetic3A_231, %and3A_233 : vector<16xi32>
    %add3A_235 = arith.addi %add3A_228, %and3A_234 : vector<16xi32>
    %swap3A_236 = arith.constant 64 : index
    %swap3A_237 = tpu.vector_load %arg7[%swap3A_236] {strides = array<i32>} : memref<512xi32, #tpu.memory_space<vmem>>, vector<16xi32>,
    tpu.vector_store %arg7[%swap3A_236], %add3A_235 {strides = array<i32>} : memref<512xi32, #tpu.memory_space<vmem>>, vector<16xi32>,
    %shift_right_arithmetic3A_238 = arith.constant 15 : i32
    %shift_right_arithmetic3A_239 = vector.broadcast %shift_right_arithmetic3A_238 : i32 to vector<16xi32>
    %shift_right_arithmetic3A_240 = arith.shrsi %get3A_215, %shift_right_arithmetic3A_239 : vector<16xi32>
    %shift_left3A_241 = arith.constant 15 : i32
    %shift_left3A_242 = vector.broadcast %shift_left3A_241 : i32 to vector<16xi32>
    %shift_left3A_243 = arith.shli %shift_right_arithmetic3A_240, %shift_left3A_242 : vector<16xi32>
    %and3A_244 = arith.constant 8191 : i32
    %and3A_245 = vector.broadcast %and3A_244 : i32 to vector<16xi32>
    %and3A_246 = arith.andi %get3A_215, %and3A_245 : vector<16xi32>
    %shift_left3A_247 = arith.constant 2 : i32
    %shift_left3A_248 = vector.broadcast %shift_left3A_247 : i32 to vector<16xi32>
    %shift_left3A_249 = arith.shli %and3A_246, %shift_left3A_248 : vector<16xi32>
    %add3A_250 = arith.addi %shift_left3A_243, %shift_left3A_249 : vector<16xi32>
    %shift_right_arithmetic3A_251 = arith.constant 13 : i32
    %shift_right_arithmetic3A_252 = vector.broadcast %shift_right_arithmetic3A_251 : i32 to vector<16xi32>
    %shift_right_arithmetic3A_253 = arith.shrsi %get3A_215, %shift_right_arithmetic3A_252 : vector<16xi32>
    %and3A_254 = arith.constant 3 : i32
    %and3A_255 = vector.broadcast %and3A_254 : i32 to vector<16xi32>
    %and3A_256 = arith.andi %shift_right_arithmetic3A_253, %and3A_255 : vector<16xi32>
    %add3A_257 = arith.addi %add3A_250, %and3A_256 : vector<16xi32>
    %swap3A_258 = arith.constant 64 : index
    %swap3A_259 = tpu.vector_load %arg8[%swap3A_258] {strides = array<i32>} : memref<512xi32, #tpu.memory_space<vmem>>, vector<16xi32>,
    tpu.vector_store %arg8[%swap3A_258], %add3A_257 {strides = array<i32>} : memref<512xi32, #tpu.memory_space<vmem>>, vector<16xi32>,
    %get3A_260 = arith.constant 0 : i32
    %get3A_261 = arith.index_cast %get3A_260 : i32 to index
    %get3A_262 = arith.constant 80 : index
    %get3A_263 = tpu.vector_load %arg6[%get3A_261, %get3A_262] {strides = array<i32>} : memref<4x256xi32, #tpu.memory_space<vmem>>, vector<16xi32>,
    %get3A_264 = arith.constant 0 : i32
    %get3A_265 = arith.index_cast %get3A_264 : i32 to index
    %get3A_266 = arith.constant 208 : index
    %get3A_267 = tpu.vector_load %arg6[%get3A_265, %get3A_266] {strides = array<i32>} : memref<4x256xi32, #tpu.memory_space<vmem>>, vector<16xi32>,
    %shift_right_arithmetic3A_268 = arith.constant 15 : i32
    %shift_right_arithmetic3A_269 = vector.broadcast %shift_right_arithmetic3A_268 : i32 to vector<16xi32>
    %shift_right_arithmetic3A_270 = arith.shrsi %get3A_263, %shift_right_arithmetic3A_269 : vector<16xi32>
    %shift_left3A_271 = arith.constant 15 : i32
    %shift_left3A_272 = vector.broadcast %shift_left3A_271 : i32 to vector<16xi32>
    %shift_left3A_273 = arith.shli %shift_right_arithmetic3A_270, %shift_left3A_272 : vector<16xi32>
    %and3A_274 = arith.constant 8191 : i32
    %and3A_275 = vector.broadcast %and3A_274 : i32 to vector<16xi32>
    %and3A_276 = arith.andi %get3A_263, %and3A_275 : vector<16xi32>
    %shift_left3A_277 = arith.constant 2 : i32
    %shift_left3A_278 = vector.broadcast %shift_left3A_277 : i32 to vector<16xi32>
    %shift_left3A_279 = arith.shli %and3A_276, %shift_left3A_278 : vector<16xi32>
    %add3A_280 = arith.addi %shift_left3A_273, %shift_left3A_279 : vector<16xi32>
    %shift_right_arithmetic3A_281 = arith.constant 13 : i32
    %shift_right_arithmetic3A_282 = vector.broadcast %shift_right_arithmetic3A_281 : i32 to vector<16xi32>
    %shift_right_arithmetic3A_283 = arith.shrsi %get3A_263, %shift_right_arithmetic3A_282 : vector<16xi32>
    %and3A_284 = arith.constant 3 : i32
    %and3A_285 = vector.broadcast %and3A_284 : i32 to vector<16xi32>
    %and3A_286 = arith.andi %shift_right_arithmetic3A_283, %and3A_285 : vector<16xi32>
    %add3A_287 = arith.addi %add3A_280, %and3A_286 : vector<16xi32>
    %swap3A_288 = arith.constant 80 : index
    %swap3A_289 = tpu.vector_load %arg7[%swap3A_288] {strides = array<i32>} : memref<512xi32, #tpu.memory_space<vmem>>, vector<16xi32>,
    tpu.vector_store %arg7[%swap3A_288], %add3A_287 {strides = array<i32>} : memref<512xi32, #tpu.memory_space<vmem>>, vector<16xi32>,
    %shift_right_arithmetic3A_290 = arith.constant 15 : i32
    %shift_right_arithmetic3A_291 = vector.broadcast %shift_right_arithmetic3A_290 : i32 to vector<16xi32>
    %shift_right_arithmetic3A_292 = arith.shrsi %get3A_267, %shift_right_arithmetic3A_291 : vector<16xi32>
    %shift_left3A_293 = arith.constant 15 : i32
    %shift_left3A_294 = vector.broadcast %shift_left3A_293 : i32 to vector<16xi32>
    %shift_left3A_295 = arith.shli %shift_right_arithmetic3A_292, %shift_left3A_294 : vector<16xi32>
    %and3A_296 = arith.constant 8191 : i32
    %and3A_297 = vector.broadcast %and3A_296 : i32 to vector<16xi32>
    %and3A_298 = arith.andi %get3A_267, %and3A_297 : vector<16xi32>
    %shift_left3A_299 = arith.constant 2 : i32
    %shift_left3A_300 = vector.broadcast %shift_left3A_299 : i32 to vector<16xi32>
    %shift_left3A_301 = arith.shli %and3A_298, %shift_left3A_300 : vector<16xi32>
    %add3A_302 = arith.addi %shift_left3A_295, %shift_left3A_301 : vector<16xi32>
    %shift_right_arithmetic3A_303 = arith.constant 13 : i32
    %shift_right_arithmetic3A_304 = vector.broadcast %shift_right_arithmetic3A_303 : i32 to vector<16xi32>
    %shift_right_arithmetic3A_305 = arith.shrsi %get3A_267, %shift_right_arithmetic3A_304 : vector<16xi32>
    %and3A_306 = arith.constant 3 : i32
    %and3A_307 = vector.broadcast %and3A_306 : i32 to vector<16xi32>
    %and3A_308 = arith.andi %shift_right_arithmetic3A_305, %and3A_307 : vector<16xi32>
    %add3A_309 = arith.addi %add3A_302, %and3A_308 : vector<16xi32>
    %swap3A_310 = arith.constant 80 : index
    %swap3A_311 = tpu.vector_load %arg8[%swap3A_310] {strides = array<i32>} : memref<512xi32, #tpu.memory_space<vmem>>, vector<16xi32>,
    tpu.vector_store %arg8[%swap3A_310], %add3A_309 {strides = array<i32>} : memref<512xi32, #tpu.memory_space<vmem>>, vector<16xi32>,
    %get3A_312 = arith.constant 0 : i32
    %get3A_313 = arith.index_cast %get3A_312 : i32 to index
    %get3A_314 = arith.constant 96 : index
    %get3A_315 = tpu.vector_load %arg6[%get3A_313, %get3A_314] {strides = array<i32>} : memref<4x256xi32, #tpu.memory_space<vmem>>, vector<16xi32>,
    %get3A_316 = arith.constant 0 : i32
    %get3A_317 = arith.index_cast %get3A_316 : i32 to index
    %get3A_318 = arith.constant 224 : index
    %get3A_319 = tpu.vector_load %arg6[%get3A_317, %get3A_318] {strides = array<i32>} : memref<4x256xi32, #tpu.memory_space<vmem>>, vector<16xi32>,
    %shift_right_arithmetic3A_320 = arith.constant 15 : i32
    %shift_right_arithmetic3A_321 = vector.broadcast %shift_right_arithmetic3A_320 : i32 to vector<16xi32>
    %shift_right_arithmetic3A_322 = arith.shrsi %get3A_315, %shift_right_arithmetic3A_321 : vector<16xi32>
    %shift_left3A_323 = arith.constant 15 : i32
    %shift_left3A_324 = vector.broadcast %shift_left3A_323 : i32 to vector<16xi32>
    %shift_left3A_325 = arith.shli %shift_right_arithmetic3A_322, %shift_left3A_324 : vector<16xi32>
    %and3A_326 = arith.constant 8191 : i32
    %and3A_327 = vector.broadcast %and3A_326 : i32 to vector<16xi32>
    %and3A_328 = arith.andi %get3A_315, %and3A_327 : vector<16xi32>
    %shift_left3A_329 = arith.constant 2 : i32
    %shift_left3A_330 = vector.broadcast %shift_left3A_329 : i32 to vector<16xi32>
    %shift_left3A_331 = arith.shli %and3A_328, %shift_left3A_330 : vector<16xi32>
    %add3A_332 = arith.addi %shift_left3A_325, %shift_left3A_331 : vector<16xi32>
    %shift_right_arithmetic3A_333 = arith.constant 13 : i32
    %shift_right_arithmetic3A_334 = vector.broadcast %shift_right_arithmetic3A_333 : i32 to vector<16xi32>
    %shift_right_arithmetic3A_335 = arith.shrsi %get3A_315, %shift_right_arithmetic3A_334 : vector<16xi32>
    %and3A_336 = arith.constant 3 : i32
    %and3A_337 = vector.broadcast %and3A_336 : i32 to vector<16xi32>
    %and3A_338 = arith.andi %shift_right_arithmetic3A_335, %and3A_337 : vector<16xi32>
    %add3A_339 = arith.addi %add3A_332, %and3A_338 : vector<16xi32>
    %swap3A_340 = arith.constant 96 : index
    %swap3A_341 = tpu.vector_load %arg7[%swap3A_340] {strides = array<i32>} : memref<512xi32, #tpu.memory_space<vmem>>, vector<16xi32>,
    tpu.vector_store %arg7[%swap3A_340], %add3A_339 {strides = array<i32>} : memref<512xi32, #tpu.memory_space<vmem>>, vector<16xi32>,
    %shift_right_arithmetic3A_342 = arith.constant 15 : i32
    %shift_right_arithmetic3A_343 = vector.broadcast %shift_right_arithmetic3A_342 : i32 to vector<16xi32>
    %shift_right_arithmetic3A_344 = arith.shrsi %get3A_319, %shift_right_arithmetic3A_343 : vector<16xi32>
    %shift_left3A_345 = arith.constant 15 : i32
    %shift_left3A_346 = vector.broadcast %shift_left3A_345 : i32 to vector<16xi32>
    %shift_left3A_347 = arith.shli %shift_right_arithmetic3A_344, %shift_left3A_346 : vector<16xi32>
    %and3A_348 = arith.constant 8191 : i32
    %and3A_349 = vector.broadcast %and3A_348 : i32 to vector<16xi32>
    %and3A_350 = arith.andi %get3A_319, %and3A_349 : vector<16xi32>
    %shift_left3A_351 = arith.constant 2 : i32
    %shift_left3A_352 = vector.broadcast %shift_left3A_351 : i32 to vector<16xi32>
    %shift_left3A_353 = arith.shli %and3A_350, %shift_left3A_352 : vector<16xi32>
    %add3A_354 = arith.addi %shift_left3A_347, %shift_left3A_353 : vector<16xi32>
    %shift_right_arithmetic3A_355 = arith.constant 13 : i32
    %shift_right_arithmetic3A_356 = vector.broadcast %shift_right_arithmetic3A_355 : i32 to vector<16xi32>
    %shift_right_arithmetic3A_357 = arith.shrsi %get3A_319, %shift_right_arithmetic3A_356 : vector<16xi32>
    %and3A_358 = arith.constant 3 : i32
    %and3A_359 = vector.broadcast %and3A_358 : i32 to vector<16xi32>
    %and3A_360 = arith.andi %shift_right_arithmetic3A_357, %and3A_359 : vector<16xi32>
    %add3A_361 = arith.addi %add3A_354, %and3A_360 : vector<16xi32>
    %swap3A_362 = arith.constant 96 : index
    %swap3A_363 = tpu.vector_load %arg8[%swap3A_362] {strides = array<i32>} : memref<512xi32, #tpu.memory_space<vmem>>, vector<16xi32>,
    tpu.vector_store %arg8[%swap3A_362], %add3A_361 {strides = array<i32>} : memref<512xi32, #tpu.memory_space<vmem>>, vector<16xi32>,
    %get3A_364 = arith.constant 0 : i32
    %get3A_365 = arith.index_cast %get3A_364 : i32 to index
    %get3A_366 = arith.constant 112 : index
    %get3A_367 = tpu.vector_load %arg6[%get3A_365, %get3A_366] {strides = array<i32>} : memref<4x256xi32, #tpu.memory_space<vmem>>, vector<16xi32>,
    %get3A_368 = arith.constant 0 : i32
    %get3A_369 = arith.index_cast %get3A_368 : i32 to index
    %get3A_370 = arith.constant 240 : index
    %get3A_371 = tpu.vector_load %arg6[%get3A_369, %get3A_370] {strides = array<i32>} : memref<4x256xi32, #tpu.memory_space<vmem>>, vector<16xi32>,
    %shift_right_arithmetic3A_372 = arith.constant 15 : i32
    %shift_right_arithmetic3A_373 = vector.broadcast %shift_right_arithmetic3A_372 : i32 to vector<16xi32>
    %shift_right_arithmetic3A_374 = arith.shrsi %get3A_367, %shift_right_arithmetic3A_373 : vector<16xi32>
    %shift_left3A_375 = arith.constant 15 : i32
    %shift_left3A_376 = vector.broadcast %shift_left3A_375 : i32 to vector<16xi32>
    %shift_left3A_377 = arith.shli %shift_right_arithmetic3A_374, %shift_left3A_376 : vector<16xi32>
    %and3A_378 = arith.constant 8191 : i32
    %and3A_379 = vector.broadcast %and3A_378 : i32 to vector<16xi32>
    %and3A_380 = arith.andi %get3A_367, %and3A_379 : vector<16xi32>
    %shift_left3A_381 = arith.constant 2 : i32
    %shift_left3A_382 = vector.broadcast %shift_left3A_381 : i32 to vector<16xi32>
    %shift_left3A_383 = arith.shli %and3A_380, %shift_left3A_382 : vector<16xi32>
    %add3A_384 = arith.addi %shift_left3A_377, %shift_left3A_383 : vector<16xi32>
    %shift_right_arithmetic3A_385 = arith.constant 13 : i32
    %shift_right_arithmetic3A_386 = vector.broadcast %shift_right_arithmetic3A_385 : i32 to vector<16xi32>
    %shift_right_arithmetic3A_387 = arith.shrsi %get3A_367, %shift_right_arithmetic3A_386 : vector<16xi32>
    %and3A_388 = arith.constant 3 : i32
    %and3A_389 = vector.broadcast %and3A_388 : i32 to vector<16xi32>
    %and3A_390 = arith.andi %shift_right_arithmetic3A_387, %and3A_389 : vector<16xi32>
    %add3A_391 = arith.addi %add3A_384, %and3A_390 : vector<16xi32>
    %swap3A_392 = arith.constant 112 : index
    %swap3A_393 = tpu.vector_load %arg7[%swap3A_392] {strides = array<i32>} : memref<512xi32, #tpu.memory_space<vmem>>, vector<16xi32>,
    tpu.vector_store %arg7[%swap3A_392], %add3A_391 {strides = array<i32>} : memref<512xi32, #tpu.memory_space<vmem>>, vector<16xi32>,
    %shift_right_arithmetic3A_394 = arith.constant 15 : i32
    %shift_right_arithmetic3A_395 = vector.broadcast %shift_right_arithmetic3A_394 : i32 to vector<16xi32>
    %shift_right_arithmetic3A_396 = arith.shrsi %get3A_371, %shift_right_arithmetic3A_395 : vector<16xi32>
    %shift_left3A_397 = arith.constant 15 : i32
    %shift_left3A_398 = vector.broadcast %shift_left3A_397 : i32 to vector<16xi32>
    %shift_left3A_399 = arith.shli %shift_right_arithmetic3A_396, %shift_left3A_398 : vector<16xi32>
    %and3A_400 = arith.constant 8191 : i32
    %and3A_401 = vector.broadcast %and3A_400 : i32 to vector<16xi32>
    %and3A_402 = arith.andi %get3A_371, %and3A_401 : vector<16xi32>
    %shift_left3A_403 = arith.constant 2 : i32
    %shift_left3A_404 = vector.broadcast %shift_left3A_403 : i32 to vector<16xi32>
    %shift_left3A_405 = arith.shli %and3A_402, %shift_left3A_404 : vector<16xi32>
    %add3A_406 = arith.addi %shift_left3A_399, %shift_left3A_405 : vector<16xi32>
    %shift_right_arithmetic3A_407 = arith.constant 13 : i32
    %shift_right_arithmetic3A_408 = vector.broadcast %shift_right_arithmetic3A_407 : i32 to vector<16xi32>
    %shift_right_arithmetic3A_409 = arith.shrsi %get3A_371, %shift_right_arithmetic3A_408 : vector<16xi32>
    %and3A_410 = arith.constant 3 : i32
    %and3A_411 = vector.broadcast %and3A_410 : i32 to vector<16xi32>
    %and3A_412 = arith.andi %shift_right_arithmetic3A_409, %and3A_411 : vector<16xi32>
    %add3A_413 = arith.addi %add3A_406, %and3A_412 : vector<16xi32>
    %swap3A_414 = arith.constant 112 : index
    %swap3A_415 = tpu.vector_load %arg8[%swap3A_414] {strides = array<i32>} : memref<512xi32, #tpu.memory_space<vmem>>, vector<16xi32>,
    tpu.vector_store %arg8[%swap3A_414], %add3A_413 {strides = array<i32>} : memref<512xi32, #tpu.memory_space<vmem>>, vector<16xi32>,
    %get3A_416 = arith.constant 1 : i32
    %get3A_417 = arith.index_cast %get3A_416 : i32 to index
    %get3A_418 = arith.constant 0 : index
    %get3A_419 = tpu.vector_load %arg6[%get3A_417, %get3A_418] {strides = array<i32>} : memref<4x256xi32, #tpu.memory_space<vmem>>, vector<16xi32>,
    %get3A_420 = arith.constant 1 : i32
    %get3A_421 = arith.index_cast %get3A_420 : i32 to index
    %get3A_422 = arith.constant 128 : index
    %get3A_423 = tpu.vector_load %arg6[%get3A_421, %get3A_422] {strides = array<i32>} : memref<4x256xi32, #tpu.memory_space<vmem>>, vector<16xi32>,
    %shift_right_arithmetic3A_424 = arith.constant 15 : i32
    %shift_right_arithmetic3A_425 = vector.broadcast %shift_right_arithmetic3A_424 : i32 to vector<16xi32>
    %shift_right_arithmetic3A_426 = arith.shrsi %get3A_419, %shift_right_arithmetic3A_425 : vector<16xi32>
    %shift_left3A_427 = arith.constant 15 : i32
    %shift_left3A_428 = vector.broadcast %shift_left3A_427 : i32 to vector<16xi32>
    %shift_left3A_429 = arith.shli %shift_right_arithmetic3A_426, %shift_left3A_428 : vector<16xi32>
    %and3A_430 = arith.constant 8191 : i32
    %and3A_431 = vector.broadcast %and3A_430 : i32 to vector<16xi32>
    %and3A_432 = arith.andi %get3A_419, %and3A_431 : vector<16xi32>
    %shift_left3A_433 = arith.constant 2 : i32
    %shift_left3A_434 = vector.broadcast %shift_left3A_433 : i32 to vector<16xi32>
    %shift_left3A_435 = arith.shli %and3A_432, %shift_left3A_434 : vector<16xi32>
    %add3A_436 = arith.addi %shift_left3A_429, %shift_left3A_435 : vector<16xi32>
    %shift_right_arithmetic3A_437 = arith.constant 13 : i32
    %shift_right_arithmetic3A_438 = vector.broadcast %shift_right_arithmetic3A_437 : i32 to vector<16xi32>
    %shift_right_arithmetic3A_439 = arith.shrsi %get3A_419, %shift_right_arithmetic3A_438 : vector<16xi32>
    %and3A_440 = arith.constant 3 : i32
    %and3A_441 = vector.broadcast %and3A_440 : i32 to vector<16xi32>
    %and3A_442 = arith.andi %shift_right_arithmetic3A_439, %and3A_441 : vector<16xi32>
    %add3A_443 = arith.addi %add3A_436, %and3A_442 : vector<16xi32>
    %swap3A_444 = arith.constant 128 : index
    %swap3A_445 = tpu.vector_load %arg7[%swap3A_444] {strides = array<i32>} : memref<512xi32, #tpu.memory_space<vmem>>, vector<16xi32>,
    tpu.vector_store %arg7[%swap3A_444], %add3A_443 {strides = array<i32>} : memref<512xi32, #tpu.memory_space<vmem>>, vector<16xi32>,
    %shift_right_arithmetic3A_446 = arith.constant 15 : i32
    %shift_right_arithmetic3A_447 = vector.broadcast %shift_right_arithmetic3A_446 : i32 to vector<16xi32>
    %shift_right_arithmetic3A_448 = arith.shrsi %get3A_423, %shift_right_arithmetic3A_447 : vector<16xi32>
    %shift_left3A_449 = arith.constant 15 : i32
    %shift_left3A_450 = vector.broadcast %shift_left3A_449 : i32 to vector<16xi32>
    %shift_left3A_451 = arith.shli %shift_right_arithmetic3A_448, %shift_left3A_450 : vector<16xi32>
    %and3A_452 = arith.constant 8191 : i32
    %and3A_453 = vector.broadcast %and3A_452 : i32 to vector<16xi32>
    %and3A_454 = arith.andi %get3A_423, %and3A_453 : vector<16xi32>
    %shift_left3A_455 = arith.constant 2 : i32
    %shift_left3A_456 = vector.broadcast %shift_left3A_455 : i32 to vector<16xi32>
    %shift_left3A_457 = arith.shli %and3A_454, %shift_left3A_456 : vector<16xi32>
    %add3A_458 = arith.addi %shift_left3A_451, %shift_left3A_457 : vector<16xi32>
    %shift_right_arithmetic3A_459 = arith.constant 13 : i32
    %shift_right_arithmetic3A_460 = vector.broadcast %shift_right_arithmetic3A_459 : i32 to vector<16xi32>
    %shift_right_arithmetic3A_461 = arith.shrsi %get3A_423, %shift_right_arithmetic3A_460 : vector<16xi32>
    %and3A_462 = arith.constant 3 : i32
    %and3A_463 = vector.broadcast %and3A_462 : i32 to vector<16xi32>
    %and3A_464 = arith.andi %shift_right_arithmetic3A_461, %and3A_463 : vector<16xi32>
    %add3A_465 = arith.addi %add3A_458, %and3A_464 : vector<16xi32>
    %swap3A_466 = arith.constant 128 : index
    %swap3A_467 = tpu.vector_load %arg8[%swap3A_466] {strides = array<i32>} : memref<512xi32, #tpu.memory_space<vmem>>, vector<16xi32>,
    tpu.vector_store %arg8[%swap3A_466], %add3A_465 {strides = array<i32>} : memref<512xi32, #tpu.memory_space<vmem>>, vector<16xi32>,
    %get3A_468 = arith.constant 1 : i32
    %get3A_469 = arith.index_cast %get3A_468 : i32 to index
    %get3A_470 = arith.constant 16 : index
    %get3A_471 = tpu.vector_load %arg6[%get3A_469, %get3A_470] {strides = array<i32>} : memref<4x256xi32, #tpu.memory_space<vmem>>, vector<16xi32>,
    %get3A_472 = arith.constant 1 : i32
    %get3A_473 = arith.index_cast %get3A_472 : i32 to index
    %get3A_474 = arith.constant 144 : index
    %get3A_475 = tpu.vector_load %arg6[%get3A_473, %get3A_474] {strides = array<i32>} : memref<4x256xi32, #tpu.memory_space<vmem>>, vector<16xi32>,
    %shift_right_arithmetic3A_476 = arith.constant 15 : i32
    %shift_right_arithmetic3A_477 = vector.broadcast %shift_right_arithmetic3A_476 : i32 to vector<16xi32>
    %shift_right_arithmetic3A_478 = arith.shrsi %get3A_471, %shift_right_arithmetic3A_477 : vector<16xi32>
    %shift_left3A_479 = arith.constant 15 : i32
    %shift_left3A_480 = vector.broadcast %shift_left3A_479 : i32 to vector<16xi32>
    %shift_left3A_481 = arith.shli %shift_right_arithmetic3A_478, %shift_left3A_480 : vector<16xi32>
    %and3A_482 = arith.constant 8191 : i32
    %and3A_483 = vector.broadcast %and3A_482 : i32 to vector<16xi32>
    %and3A_484 = arith.andi %get3A_471, %and3A_483 : vector<16xi32>
    %shift_left3A_485 = arith.constant 2 : i32
    %shift_left3A_486 = vector.broadcast %shift_left3A_485 : i32 to vector<16xi32>
    %shift_left3A_487 = arith.shli %and3A_484, %shift_left3A_486 : vector<16xi32>
    %add3A_488 = arith.addi %shift_left3A_481, %shift_left3A_487 : vector<16xi32>
    %shift_right_arithmetic3A_489 = arith.constant 13 : i32
    %shift_right_arithmetic3A_490 = vector.broadcast %shift_right_arithmetic3A_489 : i32 to vector<16xi32>
    %shift_right_arithmetic3A_491 = arith.shrsi %get3A_471, %shift_right_arithmetic3A_490 : vector<16xi32>
    %and3A_492 = arith.constant 3 : i32
    %and3A_493 = vector.broadcast %and3A_492 : i32 to vector<16xi32>
    %and3A_494 = arith.andi %shift_right_arithmetic3A_491, %and3A_493 : vector<16xi32>
    %add3A_495 = arith.addi %add3A_488, %and3A_494 : vector<16xi32>
    %swap3A_496 = arith.constant 144 : index
    %swap3A_497 = tpu.vector_load %arg7[%swap3A_496] {strides = array<i32>} : memref<512xi32, #tpu.memory_space<vmem>>, vector<16xi32>,
    tpu.vector_store %arg7[%swap3A_496], %add3A_495 {strides = array<i32>} : memref<512xi32, #tpu.memory_space<vmem>>, vector<16xi32>,
    %shift_right_arithmetic3A_498 = arith.constant 15 : i32
    %shift_right_arithmetic3A_499 = vector.broadcast %shift_right_arithmetic3A_498 : i32 to vector<16xi32>
    %shift_right_arithmetic3A_500 = arith.shrsi %get3A_475, %shift_right_arithmetic3A_499 : vector<16xi32>
    %shift_left3A_501 = arith.constant 15 : i32
    %shift_left3A_502 = vector.broadcast %shift_left3A_501 : i32 to vector<16xi32>
    %shift_left3A_503 = arith.shli %shift_right_arithmetic3A_500, %shift_left3A_502 : vector<16xi32>
    %and3A_504 = arith.constant 8191 : i32
    %and3A_505 = vector.broadcast %and3A_504 : i32 to vector<16xi32>
    %and3A_506 = arith.andi %get3A_475, %and3A_505 : vector<16xi32>
    %shift_left3A_507 = arith.constant 2 : i32
    %shift_left3A_508 = vector.broadcast %shift_left3A_507 : i32 to vector<16xi32>
    %shift_left3A_509 = arith.shli %and3A_506, %shift_left3A_508 : vector<16xi32>
    %add3A_510 = arith.addi %shift_left3A_503, %shift_left3A_509 : vector<16xi32>
    %shift_right_arithmetic3A_511 = arith.constant 13 : i32
    %shift_right_arithmetic3A_512 = vector.broadcast %shift_right_arithmetic3A_511 : i32 to vector<16xi32>
    %shift_right_arithmetic3A_513 = arith.shrsi %get3A_475, %shift_right_arithmetic3A_512 : vector<16xi32>
    %and3A_514 = arith.constant 3 : i32
    %and3A_515 = vector.broadcast %and3A_514 : i32 to vector<16xi32>
    %and3A_516 = arith.andi %shift_right_arithmetic3A_513, %and3A_515 : vector<16xi32>
    %add3A_517 = arith.addi %add3A_510, %and3A_516 : vector<16xi32>
    %swap3A_518 = arith.constant 144 : index
    %swap3A_519 = tpu.vector_load %arg8[%swap3A_518] {strides = array<i32>} : memref<512xi32, #tpu.memory_space<vmem>>, vector<16xi32>,
    tpu.vector_store %arg8[%swap3A_518], %add3A_517 {strides = array<i32>} : memref<512xi32, #tpu.memory_space<vmem>>, vector<16xi32>,
    %get3A_520 = arith.constant 1 : i32
    %get3A_521 = arith.index_cast %get3A_520 : i32 to index
    %get3A_522 = arith.constant 32 : index
    %get3A_523 = tpu.vector_load %arg6[%get3A_521, %get3A_522] {strides = array<i32>} : memref<4x256xi32, #tpu.memory_space<vmem>>, vector<16xi32>,
    %get3A_524 = arith.constant 1 : i32
    %get3A_525 = arith.index_cast %get3A_524 : i32 to index
    %get3A_526 = arith.constant 160 : index
    %get3A_527 = tpu.vector_load %arg6[%get3A_525, %get3A_526] {strides = array<i32>} : memref<4x256xi32, #tpu.memory_space<vmem>>, vector<16xi32>,
    %shift_right_arithmetic3A_528 = arith.constant 15 : i32
    %shift_right_arithmetic3A_529 = vector.broadcast %shift_right_arithmetic3A_528 : i32 to vector<16xi32>
    %shift_right_arithmetic3A_530 = arith.shrsi %get3A_523, %shift_right_arithmetic3A_529 : vector<16xi32>
    %shift_left3A_531 = arith.constant 15 : i32
    %shift_left3A_532 = vector.broadcast %shift_left3A_531 : i32 to vector<16xi32>
    %shift_left3A_533 = arith.shli %shift_right_arithmetic3A_530, %shift_left3A_532 : vector<16xi32>
    %and3A_534 = arith.constant 8191 : i32
    %and3A_535 = vector.broadcast %and3A_534 : i32 to vector<16xi32>
    %and3A_536 = arith.andi %get3A_523, %and3A_535 : vector<16xi32>
    %shift_left3A_537 = arith.constant 2 : i32
    %shift_left3A_538 = vector.broadcast %shift_left3A_537 : i32 to vector<16xi32>
    %shift_left3A_539 = arith.shli %and3A_536, %shift_left3A_538 : vector<16xi32>
    %add3A_540 = arith.addi %shift_left3A_533, %shift_left3A_539 : vector<16xi32>
    %shift_right_arithmetic3A_541 = arith.constant 13 : i32
    %shift_right_arithmetic3A_542 = vector.broadcast %shift_right_arithmetic3A_541 : i32 to vector<16xi32>
    %shift_right_arithmetic3A_543 = arith.shrsi %get3A_523, %shift_right_arithmetic3A_542 : vector<16xi32>
    %and3A_544 = arith.constant 3 : i32
    %and3A_545 = vector.broadcast %and3A_544 : i32 to vector<16xi32>
    %and3A_546 = arith.andi %shift_right_arithmetic3A_543, %and3A_545 : vector<16xi32>
    %add3A_547 = arith.addi %add3A_540, %and3A_546 : vector<16xi32>
    %swap3A_548 = arith.constant 160 : index
    %swap3A_549 = tpu.vector_load %arg7[%swap3A_548] {strides = array<i32>} : memref<512xi32, #tpu.memory_space<vmem>>, vector<16xi32>,
    tpu.vector_store %arg7[%swap3A_548], %add3A_547 {strides = array<i32>} : memref<512xi32, #tpu.memory_space<vmem>>, vector<16xi32>,
    %shift_right_arithmetic3A_550 = arith.constant 15 : i32
    %shift_right_arithmetic3A_551 = vector.broadcast %shift_right_arithmetic3A_550 : i32 to vector<16xi32>
    %shift_right_arithmetic3A_552 = arith.shrsi %get3A_527, %shift_right_arithmetic3A_551 : vector<16xi32>
    %shift_left3A_553 = arith.constant 15 : i32
    %shift_left3A_554 = vector.broadcast %shift_left3A_553 : i32 to vector<16xi32>
    %shift_left3A_555 = arith.shli %shift_right_arithmetic3A_552, %shift_left3A_554 : vector<16xi32>
    %and3A_556 = arith.constant 8191 : i32
    %and3A_557 = vector.broadcast %and3A_556 : i32 to vector<16xi32>
    %and3A_558 = arith.andi %get3A_527, %and3A_557 : vector<16xi32>
    %shift_left3A_559 = arith.constant 2 : i32
    %shift_left3A_560 = vector.broadcast %shift_left3A_559 : i32 to vector<16xi32>
    %shift_left3A_561 = arith.shli %and3A_558, %shift_left3A_560 : vector<16xi32>
    %add3A_562 = arith.addi %shift_left3A_555, %shift_left3A_561 : vector<16xi32>
    %shift_right_arithmetic3A_563 = arith.constant 13 : i32
    %shift_right_arithmetic3A_564 = vector.broadcast %shift_right_arithmetic3A_563 : i32 to vector<16xi32>
    %shift_right_arithmetic3A_565 = arith.shrsi %get3A_527, %shift_right_arithmetic3A_564 : vector<16xi32>
    %and3A_566 = arith.constant 3 : i32
    %and3A_567 = vector.broadcast %and3A_566 : i32 to vector<16xi32>
    %and3A_568 = arith.andi %shift_right_arithmetic3A_565, %and3A_567 : vector<16xi32>
    %add3A_569 = arith.addi %add3A_562, %and3A_568 : vector<16xi32>
    %swap3A_570 = arith.constant 160 : index
    %swap3A_571 = tpu.vector_load %arg8[%swap3A_570] {strides = array<i32>} : memref<512xi32, #tpu.memory_space<vmem>>, vector<16xi32>,
    tpu.vector_store %arg8[%swap3A_570], %add3A_569 {strides = array<i32>} : memref<512xi32, #tpu.memory_space<vmem>>, vector<16xi32>,
    %get3A_572 = arith.constant 1 : i32
    %get3A_573 = arith.index_cast %get3A_572 : i32 to index
    %get3A_574 = arith.constant 48 : index
    %get3A_575 = tpu.vector_load %arg6[%get3A_573, %get3A_574] {strides = array<i32>} : memref<4x256xi32, #tpu.memory_space<vmem>>, vector<16xi32>,
    %get3A_576 = arith.constant 1 : i32
    %get3A_577 = arith.index_cast %get3A_576 : i32 to index
    %get3A_578 = arith.constant 176 : index
    %get3A_579 = tpu.vector_load %arg6[%get3A_577, %get3A_578] {strides = array<i32>} : memref<4x256xi32, #tpu.memory_space<vmem>>, vector<16xi32>,
    %shift_right_arithmetic3A_580 = arith.constant 15 : i32
    %shift_right_arithmetic3A_581 = vector.broadcast %shift_right_arithmetic3A_580 : i32 to vector<16xi32>
    %shift_right_arithmetic3A_582 = arith.shrsi %get3A_575, %shift_right_arithmetic3A_581 : vector<16xi32>
    %shift_left3A_583 = arith.constant 15 : i32
    %shift_left3A_584 = vector.broadcast %shift_left3A_583 : i32 to vector<16xi32>
    %shift_left3A_585 = arith.shli %shift_right_arithmetic3A_582, %shift_left3A_584 : vector<16xi32>
    %and3A_586 = arith.constant 8191 : i32
    %and3A_587 = vector.broadcast %and3A_586 : i32 to vector<16xi32>
    %and3A_588 = arith.andi %get3A_575, %and3A_587 : vector<16xi32>
    %shift_left3A_589 = arith.constant 2 : i32
    %shift_left3A_590 = vector.broadcast %shift_left3A_589 : i32 to vector<16xi32>
    %shift_left3A_591 = arith.shli %and3A_588, %shift_left3A_590 : vector<16xi32>
    %add3A_592 = arith.addi %shift_left3A_585, %shift_left3A_591 : vector<16xi32>
    %shift_right_arithmetic3A_593 = arith.constant 13 : i32
    %shift_right_arithmetic3A_594 = vector.broadcast %shift_right_arithmetic3A_593 : i32 to vector<16xi32>
    %shift_right_arithmetic3A_595 = arith.shrsi %get3A_575, %shift_right_arithmetic3A_594 : vector<16xi32>
    %and3A_596 = arith.constant 3 : i32
    %and3A_597 = vector.broadcast %and3A_596 : i32 to vector<16xi32>
    %and3A_598 = arith.andi %shift_right_arithmetic3A_595, %and3A_597 : vector<16xi32>
    %add3A_599 = arith.addi %add3A_592, %and3A_598 : vector<16xi32>
    %swap3A_600 = arith.constant 176 : index
    %swap3A_601 = tpu.vector_load %arg7[%swap3A_600] {strides = array<i32>} : memref<512xi32, #tpu.memory_space<vmem>>, vector<16xi32>,
    tpu.vector_store %arg7[%swap3A_600], %add3A_599 {strides = array<i32>} : memref<512xi32, #tpu.memory_space<vmem>>, vector<16xi32>,
    %shift_right_arithmetic3A_602 = arith.constant 15 : i32
    %shift_right_arithmetic3A_603 = vector.broadcast %shift_right_arithmetic3A_602 : i32 to vector<16xi32>
    %shift_right_arithmetic3A_604 = arith.shrsi %get3A_579, %shift_right_arithmetic3A_603 : vector<16xi32>
    %shift_left3A_605 = arith.constant 15 : i32
    %shift_left3A_606 = vector.broadcast %shift_left3A_605 : i32 to vector<16xi32>
    %shift_left3A_607 = arith.shli %shift_right_arithmetic3A_604, %shift_left3A_606 : vector<16xi32>
    %and3A_608 = arith.constant 8191 : i32
    %and3A_609 = vector.broadcast %and3A_608 : i32 to vector<16xi32>
    %and3A_610 = arith.andi %get3A_579, %and3A_609 : vector<16xi32>
    %shift_left3A_611 = arith.constant 2 : i32
    %shift_left3A_612 = vector.broadcast %shift_left3A_611 : i32 to vector<16xi32>
    %shift_left3A_613 = arith.shli %and3A_610, %shift_left3A_612 : vector<16xi32>
    %add3A_614 = arith.addi %shift_left3A_607, %shift_left3A_613 : vector<16xi32>
    %shift_right_arithmetic3A_615 = arith.constant 13 : i32
    %shift_right_arithmetic3A_616 = vector.broadcast %shift_right_arithmetic3A_615 : i32 to vector<16xi32>
    %shift_right_arithmetic3A_617 = arith.shrsi %get3A_579, %shift_right_arithmetic3A_616 : vector<16xi32>
    %and3A_618 = arith.constant 3 : i32
    %and3A_619 = vector.broadcast %and3A_618 : i32 to vector<16xi32>
    %and3A_620 = arith.andi %shift_right_arithmetic3A_617, %and3A_619 : vector<16xi32>
    %add3A_621 = arith.addi %add3A_614, %and3A_620 : vector<16xi32>
    %swap3A_622 = arith.constant 176 : index
    %swap3A_623 = tpu.vector_load %arg8[%swap3A_622] {strides = array<i32>} : memref<512xi32, #tpu.memory_space<vmem>>, vector<16xi32>,
    tpu.vector_store %arg8[%swap3A_622], %add3A_621 {strides = array<i32>} : memref<512xi32, #tpu.memory_space<vmem>>, vector<16xi32>,
    %get3A_624 = arith.constant 1 : i32
    %get3A_625 = arith.index_cast %get3A_624 : i32 to index
    %get3A_626 = arith.constant 64 : index
    %get3A_627 = tpu.vector_load %arg6[%get3A_625, %get3A_626] {strides = array<i32>} : memref<4x256xi32, #tpu.memory_space<vmem>>, vector<16xi32>,
    %get3A_628 = arith.constant 1 : i32
    %get3A_629 = arith.index_cast %get3A_628 : i32 to index
    %get3A_630 = arith.constant 192 : index
    %get3A_631 = tpu.vector_load %arg6[%get3A_629, %get3A_630] {strides = array<i32>} : memref<4x256xi32, #tpu.memory_space<vmem>>, vector<16xi32>,
    %shift_right_arithmetic3A_632 = arith.constant 15 : i32
    %shift_right_arithmetic3A_633 = vector.broadcast %shift_right_arithmetic3A_632 : i32 to vector<16xi32>
    %shift_right_arithmetic3A_634 = arith.shrsi %get3A_627, %shift_right_arithmetic3A_633 : vector<16xi32>
    %shift_left3A_635 = arith.constant 15 : i32
    %shift_left3A_636 = vector.broadcast %shift_left3A_635 : i32 to vector<16xi32>
    %shift_left3A_637 = arith.shli %shift_right_arithmetic3A_634, %shift_left3A_636 : vector<16xi32>
    %and3A_638 = arith.constant 8191 : i32
    %and3A_639 = vector.broadcast %and3A_638 : i32 to vector<16xi32>
    %and3A_640 = arith.andi %get3A_627, %and3A_639 : vector<16xi32>
    %shift_left3A_641 = arith.constant 2 : i32
    %shift_left3A_642 = vector.broadcast %shift_left3A_641 : i32 to vector<16xi32>
    %shift_left3A_643 = arith.shli %and3A_640, %shift_left3A_642 : vector<16xi32>
    %add3A_644 = arith.addi %shift_left3A_637, %shift_left3A_643 : vector<16xi32>
    %shift_right_arithmetic3A_645 = arith.constant 13 : i32
    %shift_right_arithmetic3A_646 = vector.broadcast %shift_right_arithmetic3A_645 : i32 to vector<16xi32>
    %shift_right_arithmetic3A_647 = arith.shrsi %get3A_627, %shift_right_arithmetic3A_646 : vector<16xi32>
    %and3A_648 = arith.constant 3 : i32
    %and3A_649 = vector.broadcast %and3A_648 : i32 to vector<16xi32>
    %and3A_650 = arith.andi %shift_right_arithmetic3A_647, %and3A_649 : vector<16xi32>
    %add3A_651 = arith.addi %add3A_644, %and3A_650 : vector<16xi32>
    %swap3A_652 = arith.constant 192 : index
    %swap3A_653 = tpu.vector_load %arg7[%swap3A_652] {strides = array<i32>} : memref<512xi32, #tpu.memory_space<vmem>>, vector<16xi32>,
    tpu.vector_store %arg7[%swap3A_652], %add3A_651 {strides = array<i32>} : memref<512xi32, #tpu.memory_space<vmem>>, vector<16xi32>,
    %shift_right_arithmetic3A_654 = arith.constant 15 : i32
    %shift_right_arithmetic3A_655 = vector.broadcast %shift_right_arithmetic3A_654 : i32 to vector<16xi32>
    %shift_right_arithmetic3A_656 = arith.shrsi %get3A_631, %shift_right_arithmetic3A_655 : vector<16xi32>
    %shift_left3A_657 = arith.constant 15 : i32
    %shift_left3A_658 = vector.broadcast %shift_left3A_657 : i32 to vector<16xi32>
    %shift_left3A_659 = arith.shli %shift_right_arithmetic3A_656, %shift_left3A_658 : vector<16xi32>
    %and3A_660 = arith.constant 8191 : i32
    %and3A_661 = vector.broadcast %and3A_660 : i32 to vector<16xi32>
    %and3A_662 = arith.andi %get3A_631, %and3A_661 : vector<16xi32>
    %shift_left3A_663 = arith.constant 2 : i32
    %shift_left3A_664 = vector.broadcast %shift_left3A_663 : i32 to vector<16xi32>
    %shift_left3A_665 = arith.shli %and3A_662, %shift_left3A_664 : vector<16xi32>
    %add3A_666 = arith.addi %shift_left3A_659, %shift_left3A_665 : vector<16xi32>
    %shift_right_arithmetic3A_667 = arith.constant 13 : i32
    %shift_right_arithmetic3A_668 = vector.broadcast %shift_right_arithmetic3A_667 : i32 to vector<16xi32>
    %shift_right_arithmetic3A_669 = arith.shrsi %get3A_631, %shift_right_arithmetic3A_668 : vector<16xi32>
    %and3A_670 = arith.constant 3 : i32
    %and3A_671 = vector.broadcast %and3A_670 : i32 to vector<16xi32>
    %and3A_672 = arith.andi %shift_right_arithmetic3A_669, %and3A_671 : vector<16xi32>
    %add3A_673 = arith.addi %add3A_666, %and3A_672 : vector<16xi32>
    %swap3A_674 = arith.constant 192 : index
    %swap3A_675 = tpu.vector_load %arg8[%swap3A_674] {strides = array<i32>} : memref<512xi32, #tpu.memory_space<vmem>>, vector<16xi32>,
    tpu.vector_store %arg8[%swap3A_674], %add3A_673 {strides = array<i32>} : memref<512xi32, #tpu.memory_space<vmem>>, vector<16xi32>,
    %get3A_676 = arith.constant 1 : i32
    %get3A_677 = arith.index_cast %get3A_676 : i32 to index
    %get3A_678 = arith.constant 80 : index
    %get3A_679 = tpu.vector_load %arg6[%get3A_677, %get3A_678] {strides = array<i32>} : memref<4x256xi32, #tpu.memory_space<vmem>>, vector<16xi32>,
    %get3A_680 = arith.constant 1 : i32
    %get3A_681 = arith.index_cast %get3A_680 : i32 to index
    %get3A_682 = arith.constant 208 : index
    %get3A_683 = tpu.vector_load %arg6[%get3A_681, %get3A_682] {strides = array<i32>} : memref<4x256xi32, #tpu.memory_space<vmem>>, vector<16xi32>,
    %shift_right_arithmetic3A_684 = arith.constant 15 : i32
    %shift_right_arithmetic3A_685 = vector.broadcast %shift_right_arithmetic3A_684 : i32 to vector<16xi32>
    %shift_right_arithmetic3A_686 = arith.shrsi %get3A_679, %shift_right_arithmetic3A_685 : vector<16xi32>
    %shift_left3A_687 = arith.constant 15 : i32
    %shift_left3A_688 = vector.broadcast %shift_left3A_687 : i32 to vector<16xi32>
    %shift_left3A_689 = arith.shli %shift_right_arithmetic3A_686, %shift_left3A_688 : vector<16xi32>
    %and3A_690 = arith.constant 8191 : i32
    %and3A_691 = vector.broadcast %and3A_690 : i32 to vector<16xi32>
    %and3A_692 = arith.andi %get3A_679, %and3A_691 : vector<16xi32>
    %shift_left3A_693 = arith.constant 2 : i32
    %shift_left3A_694 = vector.broadcast %shift_left3A_693 : i32 to vector<16xi32>
    %shift_left3A_695 = arith.shli %and3A_692, %shift_left3A_694 : vector<16xi32>
    %add3A_696 = arith.addi %shift_left3A_689, %shift_left3A_695 : vector<16xi32>
    %shift_right_arithmetic3A_697 = arith.constant 13 : i32
    %shift_right_arithmetic3A_698 = vector.broadcast %shift_right_arithmetic3A_697 : i32 to vector<16xi32>
    %shift_right_arithmetic3A_699 = arith.shrsi %get3A_679, %shift_right_arithmetic3A_698 : vector<16xi32>
    %and3A_700 = arith.constant 3 : i32
    %and3A_701 = vector.broadcast %and3A_700 : i32 to vector<16xi32>
    %and3A_702 = arith.andi %shift_right_arithmetic3A_699, %and3A_701 : vector<16xi32>
    %add3A_703 = arith.addi %add3A_696, %and3A_702 : vector<16xi32>
    %swap3A_704 = arith.constant 208 : index
    %swap3A_705 = tpu.vector_load %arg7[%swap3A_704] {strides = array<i32>} : memref<512xi32, #tpu.memory_space<vmem>>, vector<16xi32>,
    tpu.vector_store %arg7[%swap3A_704], %add3A_703 {strides = array<i32>} : memref<512xi32, #tpu.memory_space<vmem>>, vector<16xi32>,
    %shift_right_arithmetic3A_706 = arith.constant 15 : i32
    %shift_right_arithmetic3A_707 = vector.broadcast %shift_right_arithmetic3A_706 : i32 to vector<16xi32>
    %shift_right_arithmetic3A_708 = arith.shrsi %get3A_683, %shift_right_arithmetic3A_707 : vector<16xi32>
    %shift_left3A_709 = arith.constant 15 : i32
    %shift_left3A_710 = vector.broadcast %shift_left3A_709 : i32 to vector<16xi32>
    %shift_left3A_711 = arith.shli %shift_right_arithmetic3A_708, %shift_left3A_710 : vector<16xi32>
    %and3A_712 = arith.constant 8191 : i32
    %and3A_713 = vector.broadcast %and3A_712 : i32 to vector<16xi32>
    %and3A_714 = arith.andi %get3A_683, %and3A_713 : vector<16xi32>
    %shift_left3A_715 = arith.constant 2 : i32
    %shift_left3A_716 = vector.broadcast %shift_left3A_715 : i32 to vector<16xi32>
    %shift_left3A_717 = arith.shli %and3A_714, %shift_left3A_716 : vector<16xi32>
    %add3A_718 = arith.addi %shift_left3A_711, %shift_left3A_717 : vector<16xi32>
    %shift_right_arithmetic3A_719 = arith.constant 13 : i32
    %shift_right_arithmetic3A_720 = vector.broadcast %shift_right_arithmetic3A_719 : i32 to vector<16xi32>
    %shift_right_arithmetic3A_721 = arith.shrsi %get3A_683, %shift_right_arithmetic3A_720 : vector<16xi32>
    %and3A_722 = arith.constant 3 : i32
    %and3A_723 = vector.broadcast %and3A_722 : i32 to vector<16xi32>
    %and3A_724 = arith.andi %shift_right_arithmetic3A_721, %and3A_723 : vector<16xi32>
    %add3A_725 = arith.addi %add3A_718, %and3A_724 : vector<16xi32>
    %swap3A_726 = arith.constant 208 : index
    %swap3A_727 = tpu.vector_load %arg8[%swap3A_726] {strides = array<i32>} : memref<512xi32, #tpu.memory_space<vmem>>, vector<16xi32>,
    tpu.vector_store %arg8[%swap3A_726], %add3A_725 {strides = array<i32>} : memref<512xi32, #tpu.memory_space<vmem>>, vector<16xi32>,
    %get3A_728 = arith.constant 1 : i32
    %get3A_729 = arith.index_cast %get3A_728 : i32 to index
    %get3A_730 = arith.constant 96 : index
    %get3A_731 = tpu.vector_load %arg6[%get3A_729, %get3A_730] {strides = array<i32>} : memref<4x256xi32, #tpu.memory_space<vmem>>, vector<16xi32>,
    %get3A_732 = arith.constant 1 : i32
    %get3A_733 = arith.index_cast %get3A_732 : i32 to index
    %get3A_734 = arith.constant 224 : index
    %get3A_735 = tpu.vector_load %arg6[%get3A_733, %get3A_734] {strides = array<i32>} : memref<4x256xi32, #tpu.memory_space<vmem>>, vector<16xi32>,
    %shift_right_arithmetic3A_736 = arith.constant 15 : i32
    %shift_right_arithmetic3A_737 = vector.broadcast %shift_right_arithmetic3A_736 : i32 to vector<16xi32>
    %shift_right_arithmetic3A_738 = arith.shrsi %get3A_731, %shift_right_arithmetic3A_737 : vector<16xi32>
    %shift_left3A_739 = arith.constant 15 : i32
    %shift_left3A_740 = vector.broadcast %shift_left3A_739 : i32 to vector<16xi32>
    %shift_left3A_741 = arith.shli %shift_right_arithmetic3A_738, %shift_left3A_740 : vector<16xi32>
    %and3A_742 = arith.constant 8191 : i32
    %and3A_743 = vector.broadcast %and3A_742 : i32 to vector<16xi32>
    %and3A_744 = arith.andi %get3A_731, %and3A_743 : vector<16xi32>
    %shift_left3A_745 = arith.constant 2 : i32
    %shift_left3A_746 = vector.broadcast %shift_left3A_745 : i32 to vector<16xi32>
    %shift_left3A_747 = arith.shli %and3A_744, %shift_left3A_746 : vector<16xi32>
    %add3A_748 = arith.addi %shift_left3A_741, %shift_left3A_747 : vector<16xi32>
    %shift_right_arithmetic3A_749 = arith.constant 13 : i32
    %shift_right_arithmetic3A_750 = vector.broadcast %shift_right_arithmetic3A_749 : i32 to vector<16xi32>
    %shift_right_arithmetic3A_751 = arith.shrsi %get3A_731, %shift_right_arithmetic3A_750 : vector<16xi32>
    %and3A_752 = arith.constant 3 : i32
    %and3A_753 = vector.broadcast %and3A_752 : i32 to vector<16xi32>
    %and3A_754 = arith.andi %shift_right_arithmetic3A_751, %and3A_753 : vector<16xi32>
    %add3A_755 = arith.addi %add3A_748, %and3A_754 : vector<16xi32>
    %swap3A_756 = arith.constant 224 : index
    %swap3A_757 = tpu.vector_load %arg7[%swap3A_756] {strides = array<i32>} : memref<512xi32, #tpu.memory_space<vmem>>, vector<16xi32>,
    tpu.vector_store %arg7[%swap3A_756], %add3A_755 {strides = array<i32>} : memref<512xi32, #tpu.memory_space<vmem>>, vector<16xi32>,
    %shift_right_arithmetic3A_758 = arith.constant 15 : i32
    %shift_right_arithmetic3A_759 = vector.broadcast %shift_right_arithmetic3A_758 : i32 to vector<16xi32>
    %shift_right_arithmetic3A_760 = arith.shrsi %get3A_735, %shift_right_arithmetic3A_759 : vector<16xi32>
    %shift_left3A_761 = arith.constant 15 : i32
    %shift_left3A_762 = vector.broadcast %shift_left3A_761 : i32 to vector<16xi32>
    %shift_left3A_763 = arith.shli %shift_right_arithmetic3A_760, %shift_left3A_762 : vector<16xi32>
    %and3A_764 = arith.constant 8191 : i32
    %and3A_765 = vector.broadcast %and3A_764 : i32 to vector<16xi32>
    %and3A_766 = arith.andi %get3A_735, %and3A_765 : vector<16xi32>
    %shift_left3A_767 = arith.constant 2 : i32
    %shift_left3A_768 = vector.broadcast %shift_left3A_767 : i32 to vector<16xi32>
    %shift_left3A_769 = arith.shli %and3A_766, %shift_left3A_768 : vector<16xi32>
    %add3A_770 = arith.addi %shift_left3A_763, %shift_left3A_769 : vector<16xi32>
    %shift_right_arithmetic3A_771 = arith.constant 13 : i32
    %shift_right_arithmetic3A_772 = vector.broadcast %shift_right_arithmetic3A_771 : i32 to vector<16xi32>
    %shift_right_arithmetic3A_773 = arith.shrsi %get3A_735, %shift_right_arithmetic3A_772 : vector<16xi32>
    %and3A_774 = arith.constant 3 : i32
    %and3A_775 = vector.broadcast %and3A_774 : i32 to vector<16xi32>
    %and3A_776 = arith.andi %shift_right_arithmetic3A_773, %and3A_775 : vector<16xi32>
    %add3A_777 = arith.addi %add3A_770, %and3A_776 : vector<16xi32>
    %swap3A_778 = arith.constant 224 : index
    %swap3A_779 = tpu.vector_load %arg8[%swap3A_778] {strides = array<i32>} : memref<512xi32, #tpu.memory_space<vmem>>, vector<16xi32>,
    tpu.vector_store %arg8[%swap3A_778], %add3A_777 {strides = array<i32>} : memref<512xi32, #tpu.memory_space<vmem>>, vector<16xi32>,
    %get3A_780 = arith.constant 1 : i32
    %get3A_781 = arith.index_cast %get3A_780 : i32 to index
    %get3A_782 = arith.constant 112 : index
    %get3A_783 = tpu.vector_load %arg6[%get3A_781, %get3A_782] {strides = array<i32>} : memref<4x256xi32, #tpu.memory_space<vmem>>, vector<16xi32>,
    %get3A_784 = arith.constant 1 : i32
    %get3A_785 = arith.index_cast %get3A_784 : i32 to index
    %get3A_786 = arith.constant 240 : index
    %get3A_787 = tpu.vector_load %arg6[%get3A_785, %get3A_786] {strides = array<i32>} : memref<4x256xi32, #tpu.memory_space<vmem>>, vector<16xi32>,
    %shift_right_arithmetic3A_788 = arith.constant 15 : i32
    %shift_right_arithmetic3A_789 = vector.broadcast %shift_right_arithmetic3A_788 : i32 to vector<16xi32>
    %shift_right_arithmetic3A_790 = arith.shrsi %get3A_783, %shift_right_arithmetic3A_789 : vector<16xi32>
    %shift_left3A_791 = arith.constant 15 : i32
    %shift_left3A_792 = vector.broadcast %shift_left3A_791 : i32 to vector<16xi32>
    %shift_left3A_793 = arith.shli %shift_right_arithmetic3A_790, %shift_left3A_792 : vector<16xi32>
    %and3A_794 = arith.constant 8191 : i32
    %and3A_795 = vector.broadcast %and3A_794 : i32 to vector<16xi32>
    %and3A_796 = arith.andi %get3A_783, %and3A_795 : vector<16xi32>
    %shift_left3A_797 = arith.constant 2 : i32
    %shift_left3A_798 = vector.broadcast %shift_left3A_797 : i32 to vector<16xi32>
    %shift_left3A_799 = arith.shli %and3A_796, %shift_left3A_798 : vector<16xi32>
    %add3A_800 = arith.addi %shift_left3A_793, %shift_left3A_799 : vector<16xi32>
    %shift_right_arithmetic3A_801 = arith.constant 13 : i32
    %shift_right_arithmetic3A_802 = vector.broadcast %shift_right_arithmetic3A_801 : i32 to vector<16xi32>
    %shift_right_arithmetic3A_803 = arith.shrsi %get3A_783, %shift_right_arithmetic3A_802 : vector<16xi32>
    %and3A_804 = arith.constant 3 : i32
    %and3A_805 = vector.broadcast %and3A_804 : i32 to vector<16xi32>
    %and3A_806 = arith.andi %shift_right_arithmetic3A_803, %and3A_805 : vector<16xi32>
    %add3A_807 = arith.addi %add3A_800, %and3A_806 : vector<16xi32>
    %swap3A_808 = arith.constant 240 : index
    %swap3A_809 = tpu.vector_load %arg7[%swap3A_808] {strides = array<i32>} : memref<512xi32, #tpu.memory_space<vmem>>, vector<16xi32>,
    tpu.vector_store %arg7[%swap3A_808], %add3A_807 {strides = array<i32>} : memref<512xi32, #tpu.memory_space<vmem>>, vector<16xi32>,
    %shift_right_arithmetic3A_810 = arith.constant 15 : i32
    %shift_right_arithmetic3A_811 = vector.broadcast %shift_right_arithmetic3A_810 : i32 to vector<16xi32>
    %shift_right_arithmetic3A_812 = arith.shrsi %get3A_787, %shift_right_arithmetic3A_811 : vector<16xi32>
    %shift_left3A_813 = arith.constant 15 : i32
    %shift_left3A_814 = vector.broadcast %shift_left3A_813 : i32 to vector<16xi32>
    %shift_left3A_815 = arith.shli %shift_right_arithmetic3A_812, %shift_left3A_814 : vector<16xi32>
    %and3A_816 = arith.constant 8191 : i32
    %and3A_817 = vector.broadcast %and3A_816 : i32 to vector<16xi32>
    %and3A_818 = arith.andi %get3A_787, %and3A_817 : vector<16xi32>
    %shift_left3A_819 = arith.constant 2 : i32
    %shift_left3A_820 = vector.broadcast %shift_left3A_819 : i32 to vector<16xi32>
    %shift_left3A_821 = arith.shli %and3A_818, %shift_left3A_820 : vector<16xi32>
    %add3A_822 = arith.addi %shift_left3A_815, %shift_left3A_821 : vector<16xi32>
    %shift_right_arithmetic3A_823 = arith.constant 13 : i32
    %shift_right_arithmetic3A_824 = vector.broadcast %shift_right_arithmetic3A_823 : i32 to vector<16xi32>
    %shift_right_arithmetic3A_825 = arith.shrsi %get3A_787, %shift_right_arithmetic3A_824 : vector<16xi32>
    %and3A_826 = arith.constant 3 : i32
    %and3A_827 = vector.broadcast %and3A_826 : i32 to vector<16xi32>
    %and3A_828 = arith.andi %shift_right_arithmetic3A_825, %and3A_827 : vector<16xi32>
    %add3A_829 = arith.addi %add3A_822, %and3A_828 : vector<16xi32>
    %swap3A_830 = arith.constant 240 : index
    %swap3A_831 = tpu.vector_load %arg8[%swap3A_830] {strides = array<i32>} : memref<512xi32, #tpu.memory_space<vmem>>, vector<16xi32>,
    tpu.vector_store %arg8[%swap3A_830], %add3A_829 {strides = array<i32>} : memref<512xi32, #tpu.memory_space<vmem>>, vector<16xi32>,
    %get3A_832 = arith.constant 2 : i32
    %get3A_833 = arith.index_cast %get3A_832 : i32 to index
    %get3A_834 = arith.constant 0 : index
    %get3A_835 = tpu.vector_load %arg6[%get3A_833, %get3A_834] {strides = array<i32>} : memref<4x256xi32, #tpu.memory_space<vmem>>, vector<16xi32>,
    %get3A_836 = arith.constant 2 : i32
    %get3A_837 = arith.index_cast %get3A_836 : i32 to index
    %get3A_838 = arith.constant 128 : index
    %get3A_839 = tpu.vector_load %arg6[%get3A_837, %get3A_838] {strides = array<i32>} : memref<4x256xi32, #tpu.memory_space<vmem>>, vector<16xi32>,
    %shift_right_arithmetic3A_840 = arith.constant 15 : i32
    %shift_right_arithmetic3A_841 = vector.broadcast %shift_right_arithmetic3A_840 : i32 to vector<16xi32>
    %shift_right_arithmetic3A_842 = arith.shrsi %get3A_835, %shift_right_arithmetic3A_841 : vector<16xi32>
    %shift_left3A_843 = arith.constant 15 : i32
    %shift_left3A_844 = vector.broadcast %shift_left3A_843 : i32 to vector<16xi32>
    %shift_left3A_845 = arith.shli %shift_right_arithmetic3A_842, %shift_left3A_844 : vector<16xi32>
    %and3A_846 = arith.constant 8191 : i32
    %and3A_847 = vector.broadcast %and3A_846 : i32 to vector<16xi32>
    %and3A_848 = arith.andi %get3A_835, %and3A_847 : vector<16xi32>
    %shift_left3A_849 = arith.constant 2 : i32
    %shift_left3A_850 = vector.broadcast %shift_left3A_849 : i32 to vector<16xi32>
    %shift_left3A_851 = arith.shli %and3A_848, %shift_left3A_850 : vector<16xi32>
    %add3A_852 = arith.addi %shift_left3A_845, %shift_left3A_851 : vector<16xi32>
    %shift_right_arithmetic3A_853 = arith.constant 13 : i32
    %shift_right_arithmetic3A_854 = vector.broadcast %shift_right_arithmetic3A_853 : i32 to vector<16xi32>
    %shift_right_arithmetic3A_855 = arith.shrsi %get3A_835, %shift_right_arithmetic3A_854 : vector<16xi32>
    %and3A_856 = arith.constant 3 : i32
    %and3A_857 = vector.broadcast %and3A_856 : i32 to vector<16xi32>
    %and3A_858 = arith.andi %shift_right_arithmetic3A_855, %and3A_857 : vector<16xi32>
    %add3A_859 = arith.addi %add3A_852, %and3A_858 : vector<16xi32>
    %swap3A_860 = arith.constant 256 : index
    %swap3A_861 = tpu.vector_load %arg7[%swap3A_860] {strides = array<i32>} : memref<512xi32, #tpu.memory_space<vmem>>, vector<16xi32>,
    tpu.vector_store %arg7[%swap3A_860], %add3A_859 {strides = array<i32>} : memref<512xi32, #tpu.memory_space<vmem>>, vector<16xi32>,
    %shift_right_arithmetic3A_862 = arith.constant 15 : i32
    %shift_right_arithmetic3A_863 = vector.broadcast %shift_right_arithmetic3A_862 : i32 to vector<16xi32>
    %shift_right_arithmetic3A_864 = arith.shrsi %get3A_839, %shift_right_arithmetic3A_863 : vector<16xi32>
    %shift_left3A_865 = arith.constant 15 : i32
    %shift_left3A_866 = vector.broadcast %shift_left3A_865 : i32 to vector<16xi32>
    %shift_left3A_867 = arith.shli %shift_right_arithmetic3A_864, %shift_left3A_866 : vector<16xi32>
    %and3A_868 = arith.constant 8191 : i32
    %and3A_869 = vector.broadcast %and3A_868 : i32 to vector<16xi32>
    %and3A_870 = arith.andi %get3A_839, %and3A_869 : vector<16xi32>
    %shift_left3A_871 = arith.constant 2 : i32
    %shift_left3A_872 = vector.broadcast %shift_left3A_871 : i32 to vector<16xi32>
    %shift_left3A_873 = arith.shli %and3A_870, %shift_left3A_872 : vector<16xi32>
    %add3A_874 = arith.addi %shift_left3A_867, %shift_left3A_873 : vector<16xi32>
    %shift_right_arithmetic3A_875 = arith.constant 13 : i32
    %shift_right_arithmetic3A_876 = vector.broadcast %shift_right_arithmetic3A_875 : i32 to vector<16xi32>
    %shift_right_arithmetic3A_877 = arith.shrsi %get3A_839, %shift_right_arithmetic3A_876 : vector<16xi32>
    %and3A_878 = arith.constant 3 : i32
    %and3A_879 = vector.broadcast %and3A_878 : i32 to vector<16xi32>
    %and3A_880 = arith.andi %shift_right_arithmetic3A_877, %and3A_879 : vector<16xi32>
    %add3A_881 = arith.addi %add3A_874, %and3A_880 : vector<16xi32>
    %swap3A_882 = arith.constant 256 : index
    %swap3A_883 = tpu.vector_load %arg8[%swap3A_882] {strides = array<i32>} : memref<512xi32, #tpu.memory_space<vmem>>, vector<16xi32>,
    tpu.vector_store %arg8[%swap3A_882], %add3A_881 {strides = array<i32>} : memref<512xi32, #tpu.memory_space<vmem>>, vector<16xi32>,
    %get3A_884 = arith.constant 2 : i32
    %get3A_885 = arith.index_cast %get3A_884 : i32 to index
    %get3A_886 = arith.constant 16 : index
    %get3A_887 = tpu.vector_load %arg6[%get3A_885, %get3A_886] {strides = array<i32>} : memref<4x256xi32, #tpu.memory_space<vmem>>, vector<16xi32>,
    %get3A_888 = arith.constant 2 : i32
    %get3A_889 = arith.index_cast %get3A_888 : i32 to index
    %get3A_890 = arith.constant 144 : index
    %get3A_891 = tpu.vector_load %arg6[%get3A_889, %get3A_890] {strides = array<i32>} : memref<4x256xi32, #tpu.memory_space<vmem>>, vector<16xi32>,
    %shift_right_arithmetic3A_892 = arith.constant 15 : i32
    %shift_right_arithmetic3A_893 = vector.broadcast %shift_right_arithmetic3A_892 : i32 to vector<16xi32>
    %shift_right_arithmetic3A_894 = arith.shrsi %get3A_887, %shift_right_arithmetic3A_893 : vector<16xi32>
    %shift_left3A_895 = arith.constant 15 : i32
    %shift_left3A_896 = vector.broadcast %shift_left3A_895 : i32 to vector<16xi32>
    %shift_left3A_897 = arith.shli %shift_right_arithmetic3A_894, %shift_left3A_896 : vector<16xi32>
    %and3A_898 = arith.constant 8191 : i32
    %and3A_899 = vector.broadcast %and3A_898 : i32 to vector<16xi32>
    %and3A_900 = arith.andi %get3A_887, %and3A_899 : vector<16xi32>
    %shift_left3A_901 = arith.constant 2 : i32
    %shift_left3A_902 = vector.broadcast %shift_left3A_901 : i32 to vector<16xi32>
    %shift_left3A_903 = arith.shli %and3A_900, %shift_left3A_902 : vector<16xi32>
    %add3A_904 = arith.addi %shift_left3A_897, %shift_left3A_903 : vector<16xi32>
    %shift_right_arithmetic3A_905 = arith.constant 13 : i32
    %shift_right_arithmetic3A_906 = vector.broadcast %shift_right_arithmetic3A_905 : i32 to vector<16xi32>
    %shift_right_arithmetic3A_907 = arith.shrsi %get3A_887, %shift_right_arithmetic3A_906 : vector<16xi32>
    %and3A_908 = arith.constant 3 : i32
    %and3A_909 = vector.broadcast %and3A_908 : i32 to vector<16xi32>
    %and3A_910 = arith.andi %shift_right_arithmetic3A_907, %and3A_909 : vector<16xi32>
    %add3A_911 = arith.addi %add3A_904, %and3A_910 : vector<16xi32>
    %swap3A_912 = arith.constant 272 : index
    %swap3A_913 = tpu.vector_load %arg7[%swap3A_912] {strides = array<i32>} : memref<512xi32, #tpu.memory_space<vmem>>, vector<16xi32>,
    tpu.vector_store %arg7[%swap3A_912], %add3A_911 {strides = array<i32>} : memref<512xi32, #tpu.memory_space<vmem>>, vector<16xi32>,
    %shift_right_arithmetic3A_914 = arith.constant 15 : i32
    %shift_right_arithmetic3A_915 = vector.broadcast %shift_right_arithmetic3A_914 : i32 to vector<16xi32>
    %shift_right_arithmetic3A_916 = arith.shrsi %get3A_891, %shift_right_arithmetic3A_915 : vector<16xi32>
    %shift_left3A_917 = arith.constant 15 : i32
    %shift_left3A_918 = vector.broadcast %shift_left3A_917 : i32 to vector<16xi32>
    %shift_left3A_919 = arith.shli %shift_right_arithmetic3A_916, %shift_left3A_918 : vector<16xi32>
    %and3A_920 = arith.constant 8191 : i32
    %and3A_921 = vector.broadcast %and3A_920 : i32 to vector<16xi32>
    %and3A_922 = arith.andi %get3A_891, %and3A_921 : vector<16xi32>
    %shift_left3A_923 = arith.constant 2 : i32
    %shift_left3A_924 = vector.broadcast %shift_left3A_923 : i32 to vector<16xi32>
    %shift_left3A_925 = arith.shli %and3A_922, %shift_left3A_924 : vector<16xi32>
    %add3A_926 = arith.addi %shift_left3A_919, %shift_left3A_925 : vector<16xi32>
    %shift_right_arithmetic3A_927 = arith.constant 13 : i32
    %shift_right_arithmetic3A_928 = vector.broadcast %shift_right_arithmetic3A_927 : i32 to vector<16xi32>
    %shift_right_arithmetic3A_929 = arith.shrsi %get3A_891, %shift_right_arithmetic3A_928 : vector<16xi32>
    %and3A_930 = arith.constant 3 : i32
    %and3A_931 = vector.broadcast %and3A_930 : i32 to vector<16xi32>
    %and3A_932 = arith.andi %shift_right_arithmetic3A_929, %and3A_931 : vector<16xi32>
    %add3A_933 = arith.addi %add3A_926, %and3A_932 : vector<16xi32>
    %swap3A_934 = arith.constant 272 : index
    %swap3A_935 = tpu.vector_load %arg8[%swap3A_934] {strides = array<i32>} : memref<512xi32, #tpu.memory_space<vmem>>, vector<16xi32>,
    tpu.vector_store %arg8[%swap3A_934], %add3A_933 {strides = array<i32>} : memref<512xi32, #tpu.memory_space<vmem>>, vector<16xi32>,
    %get3A_936 = arith.constant 2 : i32
    %get3A_937 = arith.index_cast %get3A_936 : i32 to index
    %get3A_938 = arith.constant 32 : index
    %get3A_939 = tpu.vector_load %arg6[%get3A_937, %get3A_938] {strides = array<i32>} : memref<4x256xi32, #tpu.memory_space<vmem>>, vector<16xi32>,
    %get3A_940 = arith.constant 2 : i32
    %get3A_941 = arith.index_cast %get3A_940 : i32 to index
    %get3A_942 = arith.constant 160 : index
    %get3A_943 = tpu.vector_load %arg6[%get3A_941, %get3A_942] {strides = array<i32>} : memref<4x256xi32, #tpu.memory_space<vmem>>, vector<16xi32>,
    %shift_right_arithmetic3A_944 = arith.constant 15 : i32
    %shift_right_arithmetic3A_945 = vector.broadcast %shift_right_arithmetic3A_944 : i32 to vector<16xi32>
    %shift_right_arithmetic3A_946 = arith.shrsi %get3A_939, %shift_right_arithmetic3A_945 : vector<16xi32>
    %shift_left3A_947 = arith.constant 15 : i32
    %shift_left3A_948 = vector.broadcast %shift_left3A_947 : i32 to vector<16xi32>
    %shift_left3A_949 = arith.shli %shift_right_arithmetic3A_946, %shift_left3A_948 : vector<16xi32>
    %and3A_950 = arith.constant 8191 : i32
    %and3A_951 = vector.broadcast %and3A_950 : i32 to vector<16xi32>
    %and3A_952 = arith.andi %get3A_939, %and3A_951 : vector<16xi32>
    %shift_left3A_953 = arith.constant 2 : i32
    %shift_left3A_954 = vector.broadcast %shift_left3A_953 : i32 to vector<16xi32>
    %shift_left3A_955 = arith.shli %and3A_952, %shift_left3A_954 : vector<16xi32>
    %add3A_956 = arith.addi %shift_left3A_949, %shift_left3A_955 : vector<16xi32>
    %shift_right_arithmetic3A_957 = arith.constant 13 : i32
    %shift_right_arithmetic3A_958 = vector.broadcast %shift_right_arithmetic3A_957 : i32 to vector<16xi32>
    %shift_right_arithmetic3A_959 = arith.shrsi %get3A_939, %shift_right_arithmetic3A_958 : vector<16xi32>
    %and3A_960 = arith.constant 3 : i32
    %and3A_961 = vector.broadcast %and3A_960 : i32 to vector<16xi32>
    %and3A_962 = arith.andi %shift_right_arithmetic3A_959, %and3A_961 : vector<16xi32>
    %add3A_963 = arith.addi %add3A_956, %and3A_962 : vector<16xi32>
    %swap3A_964 = arith.constant 288 : index
    %swap3A_965 = tpu.vector_load %arg7[%swap3A_964] {strides = array<i32>} : memref<512xi32, #tpu.memory_space<vmem>>, vector<16xi32>,
    tpu.vector_store %arg7[%swap3A_964], %add3A_963 {strides = array<i32>} : memref<512xi32, #tpu.memory_space<vmem>>, vector<16xi32>,
    %shift_right_arithmetic3A_966 = arith.constant 15 : i32
    %shift_right_arithmetic3A_967 = vector.broadcast %shift_right_arithmetic3A_966 : i32 to vector<16xi32>
    %shift_right_arithmetic3A_968 = arith.shrsi %get3A_943, %shift_right_arithmetic3A_967 : vector<16xi32>
    %shift_left3A_969 = arith.constant 15 : i32
    %shift_left3A_970 = vector.broadcast %shift_left3A_969 : i32 to vector<16xi32>
    %shift_left3A_971 = arith.shli %shift_right_arithmetic3A_968, %shift_left3A_970 : vector<16xi32>
    %and3A_972 = arith.constant 8191 : i32
    %and3A_973 = vector.broadcast %and3A_972 : i32 to vector<16xi32>
    %and3A_974 = arith.andi %get3A_943, %and3A_973 : vector<16xi32>
    %shift_left3A_975 = arith.constant 2 : i32
    %shift_left3A_976 = vector.broadcast %shift_left3A_975 : i32 to vector<16xi32>
    %shift_left3A_977 = arith.shli %and3A_974, %shift_left3A_976 : vector<16xi32>
    %add3A_978 = arith.addi %shift_left3A_971, %shift_left3A_977 : vector<16xi32>
    %shift_right_arithmetic3A_979 = arith.constant 13 : i32
    %shift_right_arithmetic3A_980 = vector.broadcast %shift_right_arithmetic3A_979 : i32 to vector<16xi32>
    %shift_right_arithmetic3A_981 = arith.shrsi %get3A_943, %shift_right_arithmetic3A_980 : vector<16xi32>
    %and3A_982 = arith.constant 3 : i32
    %and3A_983 = vector.broadcast %and3A_982 : i32 to vector<16xi32>
    %and3A_984 = arith.andi %shift_right_arithmetic3A_981, %and3A_983 : vector<16xi32>
    %add3A_985 = arith.addi %add3A_978, %and3A_984 : vector<16xi32>
    %swap3A_986 = arith.constant 288 : index
    %swap3A_987 = tpu.vector_load %arg8[%swap3A_986] {strides = array<i32>} : memref<512xi32, #tpu.memory_space<vmem>>, vector<16xi32>,
    tpu.vector_store %arg8[%swap3A_986], %add3A_985 {strides = array<i32>} : memref<512xi32, #tpu.memory_space<vmem>>, vector<16xi32>,
    %get3A_988 = arith.constant 2 : i32
    %get3A_989 = arith.index_cast %get3A_988 : i32 to index
    %get3A_990 = arith.constant 48 : index
    %get3A_991 = tpu.vector_load %arg6[%get3A_989, %get3A_990] {strides = array<i32>} : memref<4x256xi32, #tpu.memory_space<vmem>>, vector<16xi32>,
    %get3A_992 = arith.constant 2 : i32
    %get3A_993 = arith.index_cast %get3A_992 : i32 to index
    %get3A_994 = arith.constant 176 : index
    %get3A_995 = tpu.vector_load %arg6[%get3A_993, %get3A_994] {strides = array<i32>} : memref<4x256xi32, #tpu.memory_space<vmem>>, vector<16xi32>,
    %shift_right_arithmetic3A_996 = arith.constant 15 : i32
    %shift_right_arithmetic3A_997 = vector.broadcast %shift_right_arithmetic3A_996 : i32 to vector<16xi32>
    %shift_right_arithmetic3A_998 = arith.shrsi %get3A_991, %shift_right_arithmetic3A_997 : vector<16xi32>
    %shift_left3A_999 = arith.constant 15 : i32
    %shift_left3A_1000 = vector.broadcast %shift_left3A_999 : i32 to vector<16xi32>
    %shift_left3A_1001 = arith.shli %shift_right_arithmetic3A_998, %shift_left3A_1000 : vector<16xi32>
    %and3A_1002 = arith.constant 8191 : i32
    %and3A_1003 = vector.broadcast %and3A_1002 : i32 to vector<16xi32>
    %and3A_1004 = arith.andi %get3A_991, %and3A_1003 : vector<16xi32>
    %shift_left3A_1005 = arith.constant 2 : i32
    %shift_left3A_1006 = vector.broadcast %shift_left3A_1005 : i32 to vector<16xi32>
    %shift_left3A_1007 = arith.shli %and3A_1004, %shift_left3A_1006 : vector<16xi32>
    %add3A_1008 = arith.addi %shift_left3A_1001, %shift_left3A_1007 : vector<16xi32>
    %shift_right_arithmetic3A_1009 = arith.constant 13 : i32
    %shift_right_arithmetic3A_1010 = vector.broadcast %shift_right_arithmetic3A_1009 : i32 to vector<16xi32>
    %shift_right_arithmetic3A_1011 = arith.shrsi %get3A_991, %shift_right_arithmetic3A_1010 : vector<16xi32>
    %and3A_1012 = arith.constant 3 : i32
    %and3A_1013 = vector.broadcast %and3A_1012 : i32 to vector<16xi32>
    %and3A_1014 = arith.andi %shift_right_arithmetic3A_1011, %and3A_1013 : vector<16xi32>
    %add3A_1015 = arith.addi %add3A_1008, %and3A_1014 : vector<16xi32>
    %swap3A_1016 = arith.constant 304 : index
    %swap3A_1017 = tpu.vector_load %arg7[%swap3A_1016] {strides = array<i32>} : memref<512xi32, #tpu.memory_space<vmem>>, vector<16xi32>,
    tpu.vector_store %arg7[%swap3A_1016], %add3A_1015 {strides = array<i32>} : memref<512xi32, #tpu.memory_space<vmem>>, vector<16xi32>,
    %shift_right_arithmetic3A_1018 = arith.constant 15 : i32
    %shift_right_arithmetic3A_1019 = vector.broadcast %shift_right_arithmetic3A_1018 : i32 to vector<16xi32>
    %shift_right_arithmetic3A_1020 = arith.shrsi %get3A_995, %shift_right_arithmetic3A_1019 : vector<16xi32>
    %shift_left3A_1021 = arith.constant 15 : i32
    %shift_left3A_1022 = vector.broadcast %shift_left3A_1021 : i32 to vector<16xi32>
    %shift_left3A_1023 = arith.shli %shift_right_arithmetic3A_1020, %shift_left3A_1022 : vector<16xi32>
    %and3A_1024 = arith.constant 8191 : i32
    %and3A_1025 = vector.broadcast %and3A_1024 : i32 to vector<16xi32>
    %and3A_1026 = arith.andi %get3A_995, %and3A_1025 : vector<16xi32>
    %shift_left3A_1027 = arith.constant 2 : i32
    %shift_left3A_1028 = vector.broadcast %shift_left3A_1027 : i32 to vector<16xi32>
    %shift_left3A_1029 = arith.shli %and3A_1026, %shift_left3A_1028 : vector<16xi32>
    %add3A_1030 = arith.addi %shift_left3A_1023, %shift_left3A_1029 : vector<16xi32>
    %shift_right_arithmetic3A_1031 = arith.constant 13 : i32
    %shift_right_arithmetic3A_1032 = vector.broadcast %shift_right_arithmetic3A_1031 : i32 to vector<16xi32>
    %shift_right_arithmetic3A_1033 = arith.shrsi %get3A_995, %shift_right_arithmetic3A_1032 : vector<16xi32>
    %and3A_1034 = arith.constant 3 : i32
    %and3A_1035 = vector.broadcast %and3A_1034 : i32 to vector<16xi32>
    %and3A_1036 = arith.andi %shift_right_arithmetic3A_1033, %and3A_1035 : vector<16xi32>
    %add3A_1037 = arith.addi %add3A_1030, %and3A_1036 : vector<16xi32>
    %swap3A_1038 = arith.constant 304 : index
    %swap3A_1039 = tpu.vector_load %arg8[%swap3A_1038] {strides = array<i32>} : memref<512xi32, #tpu.memory_space<vmem>>, vector<16xi32>,
    tpu.vector_store %arg8[%swap3A_1038], %add3A_1037 {strides = array<i32>} : memref<512xi32, #tpu.memory_space<vmem>>, vector<16xi32>,
    %get3A_1040 = arith.constant 2 : i32
    %get3A_1041 = arith.index_cast %get3A_1040 : i32 to index
    %get3A_1042 = arith.constant 64 : index
    %get3A_1043 = tpu.vector_load %arg6[%get3A_1041, %get3A_1042] {strides = array<i32>} : memref<4x256xi32, #tpu.memory_space<vmem>>, vector<16xi32>,
    %get3A_1044 = arith.constant 2 : i32
    %get3A_1045 = arith.index_cast %get3A_1044 : i32 to index
    %get3A_1046 = arith.constant 192 : index
    %get3A_1047 = tpu.vector_load %arg6[%get3A_1045, %get3A_1046] {strides = array<i32>} : memref<4x256xi32, #tpu.memory_space<vmem>>, vector<16xi32>,
    %shift_right_arithmetic3A_1048 = arith.constant 15 : i32
    %shift_right_arithmetic3A_1049 = vector.broadcast %shift_right_arithmetic3A_1048 : i32 to vector<16xi32>
    %shift_right_arithmetic3A_1050 = arith.shrsi %get3A_1043, %shift_right_arithmetic3A_1049 : vector<16xi32>
    %shift_left3A_1051 = arith.constant 15 : i32
    %shift_left3A_1052 = vector.broadcast %shift_left3A_1051 : i32 to vector<16xi32>
    %shift_left3A_1053 = arith.shli %shift_right_arithmetic3A_1050, %shift_left3A_1052 : vector<16xi32>
    %and3A_1054 = arith.constant 8191 : i32
    %and3A_1055 = vector.broadcast %and3A_1054 : i32 to vector<16xi32>
    %and3A_1056 = arith.andi %get3A_1043, %and3A_1055 : vector<16xi32>
    %shift_left3A_1057 = arith.constant 2 : i32
    %shift_left3A_1058 = vector.broadcast %shift_left3A_1057 : i32 to vector<16xi32>
    %shift_left3A_1059 = arith.shli %and3A_1056, %shift_left3A_1058 : vector<16xi32>
    %add3A_1060 = arith.addi %shift_left3A_1053, %shift_left3A_1059 : vector<16xi32>
    %shift_right_arithmetic3A_1061 = arith.constant 13 : i32
    %shift_right_arithmetic3A_1062 = vector.broadcast %shift_right_arithmetic3A_1061 : i32 to vector<16xi32>
    %shift_right_arithmetic3A_1063 = arith.shrsi %get3A_1043, %shift_right_arithmetic3A_1062 : vector<16xi32>
    %and3A_1064 = arith.constant 3 : i32
    %and3A_1065 = vector.broadcast %and3A_1064 : i32 to vector<16xi32>
    %and3A_1066 = arith.andi %shift_right_arithmetic3A_1063, %and3A_1065 : vector<16xi32>
    %add3A_1067 = arith.addi %add3A_1060, %and3A_1066 : vector<16xi32>
    %swap3A_1068 = arith.constant 320 : index
    %swap3A_1069 = tpu.vector_load %arg7[%swap3A_1068] {strides = array<i32>} : memref<512xi32, #tpu.memory_space<vmem>>, vector<16xi32>,
    tpu.vector_store %arg7[%swap3A_1068], %add3A_1067 {strides = array<i32>} : memref<512xi32, #tpu.memory_space<vmem>>, vector<16xi32>,
    %shift_right_arithmetic3A_1070 = arith.constant 15 : i32
    %shift_right_arithmetic3A_1071 = vector.broadcast %shift_right_arithmetic3A_1070 : i32 to vector<16xi32>
    %shift_right_arithmetic3A_1072 = arith.shrsi %get3A_1047, %shift_right_arithmetic3A_1071 : vector<16xi32>
    %shift_left3A_1073 = arith.constant 15 : i32
    %shift_left3A_1074 = vector.broadcast %shift_left3A_1073 : i32 to vector<16xi32>
    %shift_left3A_1075 = arith.shli %shift_right_arithmetic3A_1072, %shift_left3A_1074 : vector<16xi32>
    %and3A_1076 = arith.constant 8191 : i32
    %and3A_1077 = vector.broadcast %and3A_1076 : i32 to vector<16xi32>
    %and3A_1078 = arith.andi %get3A_1047, %and3A_1077 : vector<16xi32>
    %shift_left3A_1079 = arith.constant 2 : i32
    %shift_left3A_1080 = vector.broadcast %shift_left3A_1079 : i32 to vector<16xi32>
    %shift_left3A_1081 = arith.shli %and3A_1078, %shift_left3A_1080 : vector<16xi32>
    %add3A_1082 = arith.addi %shift_left3A_1075, %shift_left3A_1081 : vector<16xi32>
    %shift_right_arithmetic3A_1083 = arith.constant 13 : i32
    %shift_right_arithmetic3A_1084 = vector.broadcast %shift_right_arithmetic3A_1083 : i32 to vector<16xi32>
    %shift_right_arithmetic3A_1085 = arith.shrsi %get3A_1047, %shift_right_arithmetic3A_1084 : vector<16xi32>
    %and3A_1086 = arith.constant 3 : i32
    %and3A_1087 = vector.broadcast %and3A_1086 : i32 to vector<16xi32>
    %and3A_1088 = arith.andi %shift_right_arithmetic3A_1085, %and3A_1087 : vector<16xi32>
    %add3A_1089 = arith.addi %add3A_1082, %and3A_1088 : vector<16xi32>
    %swap3A_1090 = arith.constant 320 : index
    %swap3A_1091 = tpu.vector_load %arg8[%swap3A_1090] {strides = array<i32>} : memref<512xi32, #tpu.memory_space<vmem>>, vector<16xi32>,
    tpu.vector_store %arg8[%swap3A_1090], %add3A_1089 {strides = array<i32>} : memref<512xi32, #tpu.memory_space<vmem>>, vector<16xi32>,
    %get3A_1092 = arith.constant 2 : i32
    %get3A_1093 = arith.index_cast %get3A_1092 : i32 to index
    %get3A_1094 = arith.constant 80 : index
    %get3A_1095 = tpu.vector_load %arg6[%get3A_1093, %get3A_1094] {strides = array<i32>} : memref<4x256xi32, #tpu.memory_space<vmem>>, vector<16xi32>,
    %get3A_1096 = arith.constant 2 : i32
    %get3A_1097 = arith.index_cast %get3A_1096 : i32 to index
    %get3A_1098 = arith.constant 208 : index
    %get3A_1099 = tpu.vector_load %arg6[%get3A_1097, %get3A_1098] {strides = array<i32>} : memref<4x256xi32, #tpu.memory_space<vmem>>, vector<16xi32>,
    %shift_right_arithmetic3A_1100 = arith.constant 15 : i32
    %shift_right_arithmetic3A_1101 = vector.broadcast %shift_right_arithmetic3A_1100 : i32 to vector<16xi32>
    %shift_right_arithmetic3A_1102 = arith.shrsi %get3A_1095, %shift_right_arithmetic3A_1101 : vector<16xi32>
    %shift_left3A_1103 = arith.constant 15 : i32
    %shift_left3A_1104 = vector.broadcast %shift_left3A_1103 : i32 to vector<16xi32>
    %shift_left3A_1105 = arith.shli %shift_right_arithmetic3A_1102, %shift_left3A_1104 : vector<16xi32>
    %and3A_1106 = arith.constant 8191 : i32
    %and3A_1107 = vector.broadcast %and3A_1106 : i32 to vector<16xi32>
    %and3A_1108 = arith.andi %get3A_1095, %and3A_1107 : vector<16xi32>
    %shift_left3A_1109 = arith.constant 2 : i32
    %shift_left3A_1110 = vector.broadcast %shift_left3A_1109 : i32 to vector<16xi32>
    %shift_left3A_1111 = arith.shli %and3A_1108, %shift_left3A_1110 : vector<16xi32>
    %add3A_1112 = arith.addi %shift_left3A_1105, %shift_left3A_1111 : vector<16xi32>
    %shift_right_arithmetic3A_1113 = arith.constant 13 : i32
    %shift_right_arithmetic3A_1114 = vector.broadcast %shift_right_arithmetic3A_1113 : i32 to vector<16xi32>
    %shift_right_arithmetic3A_1115 = arith.shrsi %get3A_1095, %shift_right_arithmetic3A_1114 : vector<16xi32>
    %and3A_1116 = arith.constant 3 : i32
    %and3A_1117 = vector.broadcast %and3A_1116 : i32 to vector<16xi32>
    %and3A_1118 = arith.andi %shift_right_arithmetic3A_1115, %and3A_1117 : vector<16xi32>
    %add3A_1119 = arith.addi %add3A_1112, %and3A_1118 : vector<16xi32>
    %swap3A_1120 = arith.constant 336 : index
    %swap3A_1121 = tpu.vector_load %arg7[%swap3A_1120] {strides = array<i32>} : memref<512xi32, #tpu.memory_space<vmem>>, vector<16xi32>,
    tpu.vector_store %arg7[%swap3A_1120], %add3A_1119 {strides = array<i32>} : memref<512xi32, #tpu.memory_space<vmem>>, vector<16xi32>,
    %shift_right_arithmetic3A_1122 = arith.constant 15 : i32
    %shift_right_arithmetic3A_1123 = vector.broadcast %shift_right_arithmetic3A_1122 : i32 to vector<16xi32>
    %shift_right_arithmetic3A_1124 = arith.shrsi %get3A_1099, %shift_right_arithmetic3A_1123 : vector<16xi32>
    %shift_left3A_1125 = arith.constant 15 : i32
    %shift_left3A_1126 = vector.broadcast %shift_left3A_1125 : i32 to vector<16xi32>
    %shift_left3A_1127 = arith.shli %shift_right_arithmetic3A_1124, %shift_left3A_1126 : vector<16xi32>
    %and3A_1128 = arith.constant 8191 : i32
    %and3A_1129 = vector.broadcast %and3A_1128 : i32 to vector<16xi32>
    %and3A_1130 = arith.andi %get3A_1099, %and3A_1129 : vector<16xi32>
    %shift_left3A_1131 = arith.constant 2 : i32
    %shift_left3A_1132 = vector.broadcast %shift_left3A_1131 : i32 to vector<16xi32>
    %shift_left3A_1133 = arith.shli %and3A_1130, %shift_left3A_1132 : vector<16xi32>
    %add3A_1134 = arith.addi %shift_left3A_1127, %shift_left3A_1133 : vector<16xi32>
    %shift_right_arithmetic3A_1135 = arith.constant 13 : i32
    %shift_right_arithmetic3A_1136 = vector.broadcast %shift_right_arithmetic3A_1135 : i32 to vector<16xi32>
    %shift_right_arithmetic3A_1137 = arith.shrsi %get3A_1099, %shift_right_arithmetic3A_1136 : vector<16xi32>
    %and3A_1138 = arith.constant 3 : i32
    %and3A_1139 = vector.broadcast %and3A_1138 : i32 to vector<16xi32>
    %and3A_1140 = arith.andi %shift_right_arithmetic3A_1137, %and3A_1139 : vector<16xi32>
    %add3A_1141 = arith.addi %add3A_1134, %and3A_1140 : vector<16xi32>
    %swap3A_1142 = arith.constant 336 : index
    %swap3A_1143 = tpu.vector_load %arg8[%swap3A_1142] {strides = array<i32>} : memref<512xi32, #tpu.memory_space<vmem>>, vector<16xi32>,
    tpu.vector_store %arg8[%swap3A_1142], %add3A_1141 {strides = array<i32>} : memref<512xi32, #tpu.memory_space<vmem>>, vector<16xi32>,
    %get3A_1144 = arith.constant 2 : i32
    %get3A_1145 = arith.index_cast %get3A_1144 : i32 to index
    %get3A_1146 = arith.constant 96 : index
    %get3A_1147 = tpu.vector_load %arg6[%get3A_1145, %get3A_1146] {strides = array<i32>} : memref<4x256xi32, #tpu.memory_space<vmem>>, vector<16xi32>,
    %get3A_1148 = arith.constant 2 : i32
    %get3A_1149 = arith.index_cast %get3A_1148 : i32 to index
    %get3A_1150 = arith.constant 224 : index
    %get3A_1151 = tpu.vector_load %arg6[%get3A_1149, %get3A_1150] {strides = array<i32>} : memref<4x256xi32, #tpu.memory_space<vmem>>, vector<16xi32>,
    %shift_right_arithmetic3A_1152 = arith.constant 15 : i32
    %shift_right_arithmetic3A_1153 = vector.broadcast %shift_right_arithmetic3A_1152 : i32 to vector<16xi32>
    %shift_right_arithmetic3A_1154 = arith.shrsi %get3A_1147, %shift_right_arithmetic3A_1153 : vector<16xi32>
    %shift_left3A_1155 = arith.constant 15 : i32
    %shift_left3A_1156 = vector.broadcast %shift_left3A_1155 : i32 to vector<16xi32>
    %shift_left3A_1157 = arith.shli %shift_right_arithmetic3A_1154, %shift_left3A_1156 : vector<16xi32>
    %and3A_1158 = arith.constant 8191 : i32
    %and3A_1159 = vector.broadcast %and3A_1158 : i32 to vector<16xi32>
    %and3A_1160 = arith.andi %get3A_1147, %and3A_1159 : vector<16xi32>
    %shift_left3A_1161 = arith.constant 2 : i32
    %shift_left3A_1162 = vector.broadcast %shift_left3A_1161 : i32 to vector<16xi32>
    %shift_left3A_1163 = arith.shli %and3A_1160, %shift_left3A_1162 : vector<16xi32>
    %add3A_1164 = arith.addi %shift_left3A_1157, %shift_left3A_1163 : vector<16xi32>
    %shift_right_arithmetic3A_1165 = arith.constant 13 : i32
    %shift_right_arithmetic3A_1166 = vector.broadcast %shift_right_arithmetic3A_1165 : i32 to vector<16xi32>
    %shift_right_arithmetic3A_1167 = arith.shrsi %get3A_1147, %shift_right_arithmetic3A_1166 : vector<16xi32>
    %and3A_1168 = arith.constant 3 : i32
    %and3A_1169 = vector.broadcast %and3A_1168 : i32 to vector<16xi32>
    %and3A_1170 = arith.andi %shift_right_arithmetic3A_1167, %and3A_1169 : vector<16xi32>
    %add3A_1171 = arith.addi %add3A_1164, %and3A_1170 : vector<16xi32>
    %swap3A_1172 = arith.constant 352 : index
    %swap3A_1173 = tpu.vector_load %arg7[%swap3A_1172] {strides = array<i32>} : memref<512xi32, #tpu.memory_space<vmem>>, vector<16xi32>,
    tpu.vector_store %arg7[%swap3A_1172], %add3A_1171 {strides = array<i32>} : memref<512xi32, #tpu.memory_space<vmem>>, vector<16xi32>,
    %shift_right_arithmetic3A_1174 = arith.constant 15 : i32
    %shift_right_arithmetic3A_1175 = vector.broadcast %shift_right_arithmetic3A_1174 : i32 to vector<16xi32>
    %shift_right_arithmetic3A_1176 = arith.shrsi %get3A_1151, %shift_right_arithmetic3A_1175 : vector<16xi32>
    %shift_left3A_1177 = arith.constant 15 : i32
    %shift_left3A_1178 = vector.broadcast %shift_left3A_1177 : i32 to vector<16xi32>
    %shift_left3A_1179 = arith.shli %shift_right_arithmetic3A_1176, %shift_left3A_1178 : vector<16xi32>
    %and3A_1180 = arith.constant 8191 : i32
    %and3A_1181 = vector.broadcast %and3A_1180 : i32 to vector<16xi32>
    %and3A_1182 = arith.andi %get3A_1151, %and3A_1181 : vector<16xi32>
    %shift_left3A_1183 = arith.constant 2 : i32
    %shift_left3A_1184 = vector.broadcast %shift_left3A_1183 : i32 to vector<16xi32>
    %shift_left3A_1185 = arith.shli %and3A_1182, %shift_left3A_1184 : vector<16xi32>
    %add3A_1186 = arith.addi %shift_left3A_1179, %shift_left3A_1185 : vector<16xi32>
    %shift_right_arithmetic3A_1187 = arith.constant 13 : i32
    %shift_right_arithmetic3A_1188 = vector.broadcast %shift_right_arithmetic3A_1187 : i32 to vector<16xi32>
    %shift_right_arithmetic3A_1189 = arith.shrsi %get3A_1151, %shift_right_arithmetic3A_1188 : vector<16xi32>
    %and3A_1190 = arith.constant 3 : i32
    %and3A_1191 = vector.broadcast %and3A_1190 : i32 to vector<16xi32>
    %and3A_1192 = arith.andi %shift_right_arithmetic3A_1189, %and3A_1191 : vector<16xi32>
    %add3A_1193 = arith.addi %add3A_1186, %and3A_1192 : vector<16xi32>
    %swap3A_1194 = arith.constant 352 : index
    %swap3A_1195 = tpu.vector_load %arg8[%swap3A_1194] {strides = array<i32>} : memref<512xi32, #tpu.memory_space<vmem>>, vector<16xi32>,
    tpu.vector_store %arg8[%swap3A_1194], %add3A_1193 {strides = array<i32>} : memref<512xi32, #tpu.memory_space<vmem>>, vector<16xi32>,
    %get3A_1196 = arith.constant 2 : i32
    %get3A_1197 = arith.index_cast %get3A_1196 : i32 to index
    %get3A_1198 = arith.constant 112 : index
    %get3A_1199 = tpu.vector_load %arg6[%get3A_1197, %get3A_1198] {strides = array<i32>} : memref<4x256xi32, #tpu.memory_space<vmem>>, vector<16xi32>,
    %get3A_1200 = arith.constant 2 : i32
    %get3A_1201 = arith.index_cast %get3A_1200 : i32 to index
    %get3A_1202 = arith.constant 240 : index
    %get3A_1203 = tpu.vector_load %arg6[%get3A_1201, %get3A_1202] {strides = array<i32>} : memref<4x256xi32, #tpu.memory_space<vmem>>, vector<16xi32>,
    %shift_right_arithmetic3A_1204 = arith.constant 15 : i32
    %shift_right_arithmetic3A_1205 = vector.broadcast %shift_right_arithmetic3A_1204 : i32 to vector<16xi32>
    %shift_right_arithmetic3A_1206 = arith.shrsi %get3A_1199, %shift_right_arithmetic3A_1205 : vector<16xi32>
    %shift_left3A_1207 = arith.constant 15 : i32
    %shift_left3A_1208 = vector.broadcast %shift_left3A_1207 : i32 to vector<16xi32>
    %shift_left3A_1209 = arith.shli %shift_right_arithmetic3A_1206, %shift_left3A_1208 : vector<16xi32>
    %and3A_1210 = arith.constant 8191 : i32
    %and3A_1211 = vector.broadcast %and3A_1210 : i32 to vector<16xi32>
    %and3A_1212 = arith.andi %get3A_1199, %and3A_1211 : vector<16xi32>
    %shift_left3A_1213 = arith.constant 2 : i32
    %shift_left3A_1214 = vector.broadcast %shift_left3A_1213 : i32 to vector<16xi32>
    %shift_left3A_1215 = arith.shli %and3A_1212, %shift_left3A_1214 : vector<16xi32>
    %add3A_1216 = arith.addi %shift_left3A_1209, %shift_left3A_1215 : vector<16xi32>
    %shift_right_arithmetic3A_1217 = arith.constant 13 : i32
    %shift_right_arithmetic3A_1218 = vector.broadcast %shift_right_arithmetic3A_1217 : i32 to vector<16xi32>
    %shift_right_arithmetic3A_1219 = arith.shrsi %get3A_1199, %shift_right_arithmetic3A_1218 : vector<16xi32>
    %and3A_1220 = arith.constant 3 : i32
    %and3A_1221 = vector.broadcast %and3A_1220 : i32 to vector<16xi32>
    %and3A_1222 = arith.andi %shift_right_arithmetic3A_1219, %and3A_1221 : vector<16xi32>
    %add3A_1223 = arith.addi %add3A_1216, %and3A_1222 : vector<16xi32>
    %swap3A_1224 = arith.constant 368 : index
    %swap3A_1225 = tpu.vector_load %arg7[%swap3A_1224] {strides = array<i32>} : memref<512xi32, #tpu.memory_space<vmem>>, vector<16xi32>,
    tpu.vector_store %arg7[%swap3A_1224], %add3A_1223 {strides = array<i32>} : memref<512xi32, #tpu.memory_space<vmem>>, vector<16xi32>,
    %shift_right_arithmetic3A_1226 = arith.constant 15 : i32
    %shift_right_arithmetic3A_1227 = vector.broadcast %shift_right_arithmetic3A_1226 : i32 to vector<16xi32>
    %shift_right_arithmetic3A_1228 = arith.shrsi %get3A_1203, %shift_right_arithmetic3A_1227 : vector<16xi32>
    %shift_left3A_1229 = arith.constant 15 : i32
    %shift_left3A_1230 = vector.broadcast %shift_left3A_1229 : i32 to vector<16xi32>
    %shift_left3A_1231 = arith.shli %shift_right_arithmetic3A_1228, %shift_left3A_1230 : vector<16xi32>
    %and3A_1232 = arith.constant 8191 : i32
    %and3A_1233 = vector.broadcast %and3A_1232 : i32 to vector<16xi32>
    %and3A_1234 = arith.andi %get3A_1203, %and3A_1233 : vector<16xi32>
    %shift_left3A_1235 = arith.constant 2 : i32
    %shift_left3A_1236 = vector.broadcast %shift_left3A_1235 : i32 to vector<16xi32>
    %shift_left3A_1237 = arith.shli %and3A_1234, %shift_left3A_1236 : vector<16xi32>
    %add3A_1238 = arith.addi %shift_left3A_1231, %shift_left3A_1237 : vector<16xi32>
    %shift_right_arithmetic3A_1239 = arith.constant 13 : i32
    %shift_right_arithmetic3A_1240 = vector.broadcast %shift_right_arithmetic3A_1239 : i32 to vector<16xi32>
    %shift_right_arithmetic3A_1241 = arith.shrsi %get3A_1203, %shift_right_arithmetic3A_1240 : vector<16xi32>
    %and3A_1242 = arith.constant 3 : i32
    %and3A_1243 = vector.broadcast %and3A_1242 : i32 to vector<16xi32>
    %and3A_1244 = arith.andi %shift_right_arithmetic3A_1241, %and3A_1243 : vector<16xi32>
    %add3A_1245 = arith.addi %add3A_1238, %and3A_1244 : vector<16xi32>
    %swap3A_1246 = arith.constant 368 : index
    %swap3A_1247 = tpu.vector_load %arg8[%swap3A_1246] {strides = array<i32>} : memref<512xi32, #tpu.memory_space<vmem>>, vector<16xi32>,
    tpu.vector_store %arg8[%swap3A_1246], %add3A_1245 {strides = array<i32>} : memref<512xi32, #tpu.memory_space<vmem>>, vector<16xi32>,
    %get3A_1248 = arith.constant 3 : i32
    %get3A_1249 = arith.index_cast %get3A_1248 : i32 to index
    %get3A_1250 = arith.constant 0 : index
    %get3A_1251 = tpu.vector_load %arg6[%get3A_1249, %get3A_1250] {strides = array<i32>} : memref<4x256xi32, #tpu.memory_space<vmem>>, vector<16xi32>,
    %get3A_1252 = arith.constant 3 : i32
    %get3A_1253 = arith.index_cast %get3A_1252 : i32 to index
    %get3A_1254 = arith.constant 128 : index
    %get3A_1255 = tpu.vector_load %arg6[%get3A_1253, %get3A_1254] {strides = array<i32>} : memref<4x256xi32, #tpu.memory_space<vmem>>, vector<16xi32>,
    %shift_right_arithmetic3A_1256 = arith.constant 15 : i32
    %shift_right_arithmetic3A_1257 = vector.broadcast %shift_right_arithmetic3A_1256 : i32 to vector<16xi32>
    %shift_right_arithmetic3A_1258 = arith.shrsi %get3A_1251, %shift_right_arithmetic3A_1257 : vector<16xi32>
    %shift_left3A_1259 = arith.constant 15 : i32
    %shift_left3A_1260 = vector.broadcast %shift_left3A_1259 : i32 to vector<16xi32>
    %shift_left3A_1261 = arith.shli %shift_right_arithmetic3A_1258, %shift_left3A_1260 : vector<16xi32>
    %and3A_1262 = arith.constant 8191 : i32
    %and3A_1263 = vector.broadcast %and3A_1262 : i32 to vector<16xi32>
    %and3A_1264 = arith.andi %get3A_1251, %and3A_1263 : vector<16xi32>
    %shift_left3A_1265 = arith.constant 2 : i32
    %shift_left3A_1266 = vector.broadcast %shift_left3A_1265 : i32 to vector<16xi32>
    %shift_left3A_1267 = arith.shli %and3A_1264, %shift_left3A_1266 : vector<16xi32>
    %add3A_1268 = arith.addi %shift_left3A_1261, %shift_left3A_1267 : vector<16xi32>
    %shift_right_arithmetic3A_1269 = arith.constant 13 : i32
    %shift_right_arithmetic3A_1270 = vector.broadcast %shift_right_arithmetic3A_1269 : i32 to vector<16xi32>
    %shift_right_arithmetic3A_1271 = arith.shrsi %get3A_1251, %shift_right_arithmetic3A_1270 : vector<16xi32>
    %and3A_1272 = arith.constant 3 : i32
    %and3A_1273 = vector.broadcast %and3A_1272 : i32 to vector<16xi32>
    %and3A_1274 = arith.andi %shift_right_arithmetic3A_1271, %and3A_1273 : vector<16xi32>
    %add3A_1275 = arith.addi %add3A_1268, %and3A_1274 : vector<16xi32>
    %swap3A_1276 = arith.constant 384 : index
    %swap3A_1277 = tpu.vector_load %arg7[%swap3A_1276] {strides = array<i32>} : memref<512xi32, #tpu.memory_space<vmem>>, vector<16xi32>,
    tpu.vector_store %arg7[%swap3A_1276], %add3A_1275 {strides = array<i32>} : memref<512xi32, #tpu.memory_space<vmem>>, vector<16xi32>,
    %shift_right_arithmetic3A_1278 = arith.constant 15 : i32
    %shift_right_arithmetic3A_1279 = vector.broadcast %shift_right_arithmetic3A_1278 : i32 to vector<16xi32>
    %shift_right_arithmetic3A_1280 = arith.shrsi %get3A_1255, %shift_right_arithmetic3A_1279 : vector<16xi32>
    %shift_left3A_1281 = arith.constant 15 : i32
    %shift_left3A_1282 = vector.broadcast %shift_left3A_1281 : i32 to vector<16xi32>
    %shift_left3A_1283 = arith.shli %shift_right_arithmetic3A_1280, %shift_left3A_1282 : vector<16xi32>
    %and3A_1284 = arith.constant 8191 : i32
    %and3A_1285 = vector.broadcast %and3A_1284 : i32 to vector<16xi32>
    %and3A_1286 = arith.andi %get3A_1255, %and3A_1285 : vector<16xi32>
    %shift_left3A_1287 = arith.constant 2 : i32
    %shift_left3A_1288 = vector.broadcast %shift_left3A_1287 : i32 to vector<16xi32>
    %shift_left3A_1289 = arith.shli %and3A_1286, %shift_left3A_1288 : vector<16xi32>
    %add3A_1290 = arith.addi %shift_left3A_1283, %shift_left3A_1289 : vector<16xi32>
    %shift_right_arithmetic3A_1291 = arith.constant 13 : i32
    %shift_right_arithmetic3A_1292 = vector.broadcast %shift_right_arithmetic3A_1291 : i32 to vector<16xi32>
    %shift_right_arithmetic3A_1293 = arith.shrsi %get3A_1255, %shift_right_arithmetic3A_1292 : vector<16xi32>
    %and3A_1294 = arith.constant 3 : i32
    %and3A_1295 = vector.broadcast %and3A_1294 : i32 to vector<16xi32>
    %and3A_1296 = arith.andi %shift_right_arithmetic3A_1293, %and3A_1295 : vector<16xi32>
    %add3A_1297 = arith.addi %add3A_1290, %and3A_1296 : vector<16xi32>
    %swap3A_1298 = arith.constant 384 : index
    %swap3A_1299 = tpu.vector_load %arg8[%swap3A_1298] {strides = array<i32>} : memref<512xi32, #tpu.memory_space<vmem>>, vector<16xi32>,
    tpu.vector_store %arg8[%swap3A_1298], %add3A_1297 {strides = array<i32>} : memref<512xi32, #tpu.memory_space<vmem>>, vector<16xi32>,
    %get3A_1300 = arith.constant 3 : i32
    %get3A_1301 = arith.index_cast %get3A_1300 : i32 to index
    %get3A_1302 = arith.constant 16 : index
    %get3A_1303 = tpu.vector_load %arg6[%get3A_1301, %get3A_1302] {strides = array<i32>} : memref<4x256xi32, #tpu.memory_space<vmem>>, vector<16xi32>,
    %get3A_1304 = arith.constant 3 : i32
    %get3A_1305 = arith.index_cast %get3A_1304 : i32 to index
    %get3A_1306 = arith.constant 144 : index
    %get3A_1307 = tpu.vector_load %arg6[%get3A_1305, %get3A_1306] {strides = array<i32>} : memref<4x256xi32, #tpu.memory_space<vmem>>, vector<16xi32>,
    %shift_right_arithmetic3A_1308 = arith.constant 15 : i32
    %shift_right_arithmetic3A_1309 = vector.broadcast %shift_right_arithmetic3A_1308 : i32 to vector<16xi32>
    %shift_right_arithmetic3A_1310 = arith.shrsi %get3A_1303, %shift_right_arithmetic3A_1309 : vector<16xi32>
    %shift_left3A_1311 = arith.constant 15 : i32
    %shift_left3A_1312 = vector.broadcast %shift_left3A_1311 : i32 to vector<16xi32>
    %shift_left3A_1313 = arith.shli %shift_right_arithmetic3A_1310, %shift_left3A_1312 : vector<16xi32>
    %and3A_1314 = arith.constant 8191 : i32
    %and3A_1315 = vector.broadcast %and3A_1314 : i32 to vector<16xi32>
    %and3A_1316 = arith.andi %get3A_1303, %and3A_1315 : vector<16xi32>
    %shift_left3A_1317 = arith.constant 2 : i32
    %shift_left3A_1318 = vector.broadcast %shift_left3A_1317 : i32 to vector<16xi32>
    %shift_left3A_1319 = arith.shli %and3A_1316, %shift_left3A_1318 : vector<16xi32>
    %add3A_1320 = arith.addi %shift_left3A_1313, %shift_left3A_1319 : vector<16xi32>
    %shift_right_arithmetic3A_1321 = arith.constant 13 : i32
    %shift_right_arithmetic3A_1322 = vector.broadcast %shift_right_arithmetic3A_1321 : i32 to vector<16xi32>
    %shift_right_arithmetic3A_1323 = arith.shrsi %get3A_1303, %shift_right_arithmetic3A_1322 : vector<16xi32>
    %and3A_1324 = arith.constant 3 : i32
    %and3A_1325 = vector.broadcast %and3A_1324 : i32 to vector<16xi32>
    %and3A_1326 = arith.andi %shift_right_arithmetic3A_1323, %and3A_1325 : vector<16xi32>
    %add3A_1327 = arith.addi %add3A_1320, %and3A_1326 : vector<16xi32>
    %swap3A_1328 = arith.constant 400 : index
    %swap3A_1329 = tpu.vector_load %arg7[%swap3A_1328] {strides = array<i32>} : memref<512xi32, #tpu.memory_space<vmem>>, vector<16xi32>,
    tpu.vector_store %arg7[%swap3A_1328], %add3A_1327 {strides = array<i32>} : memref<512xi32, #tpu.memory_space<vmem>>, vector<16xi32>,
    %shift_right_arithmetic3A_1330 = arith.constant 15 : i32
    %shift_right_arithmetic3A_1331 = vector.broadcast %shift_right_arithmetic3A_1330 : i32 to vector<16xi32>
    %shift_right_arithmetic3A_1332 = arith.shrsi %get3A_1307, %shift_right_arithmetic3A_1331 : vector<16xi32>
    %shift_left3A_1333 = arith.constant 15 : i32
    %shift_left3A_1334 = vector.broadcast %shift_left3A_1333 : i32 to vector<16xi32>
    %shift_left3A_1335 = arith.shli %shift_right_arithmetic3A_1332, %shift_left3A_1334 : vector<16xi32>
    %and3A_1336 = arith.constant 8191 : i32
    %and3A_1337 = vector.broadcast %and3A_1336 : i32 to vector<16xi32>
    %and3A_1338 = arith.andi %get3A_1307, %and3A_1337 : vector<16xi32>
    %shift_left3A_1339 = arith.constant 2 : i32
    %shift_left3A_1340 = vector.broadcast %shift_left3A_1339 : i32 to vector<16xi32>
    %shift_left3A_1341 = arith.shli %and3A_1338, %shift_left3A_1340 : vector<16xi32>
    %add3A_1342 = arith.addi %shift_left3A_1335, %shift_left3A_1341 : vector<16xi32>
    %shift_right_arithmetic3A_1343 = arith.constant 13 : i32
    %shift_right_arithmetic3A_1344 = vector.broadcast %shift_right_arithmetic3A_1343 : i32 to vector<16xi32>
    %shift_right_arithmetic3A_1345 = arith.shrsi %get3A_1307, %shift_right_arithmetic3A_1344 : vector<16xi32>
    %and3A_1346 = arith.constant 3 : i32
    %and3A_1347 = vector.broadcast %and3A_1346 : i32 to vector<16xi32>
    %and3A_1348 = arith.andi %shift_right_arithmetic3A_1345, %and3A_1347 : vector<16xi32>
    %add3A_1349 = arith.addi %add3A_1342, %and3A_1348 : vector<16xi32>
    %swap3A_1350 = arith.constant 400 : index
    %swap3A_1351 = tpu.vector_load %arg8[%swap3A_1350] {strides = array<i32>} : memref<512xi32, #tpu.memory_space<vmem>>, vector<16xi32>,
    tpu.vector_store %arg8[%swap3A_1350], %add3A_1349 {strides = array<i32>} : memref<512xi32, #tpu.memory_space<vmem>>, vector<16xi32>,
    %get3A_1352 = arith.constant 3 : i32
    %get3A_1353 = arith.index_cast %get3A_1352 : i32 to index
    %get3A_1354 = arith.constant 32 : index
    %get3A_1355 = tpu.vector_load %arg6[%get3A_1353, %get3A_1354] {strides = array<i32>} : memref<4x256xi32, #tpu.memory_space<vmem>>, vector<16xi32>,
    %get3A_1356 = arith.constant 3 : i32
    %get3A_1357 = arith.index_cast %get3A_1356 : i32 to index
    %get3A_1358 = arith.constant 160 : index
    %get3A_1359 = tpu.vector_load %arg6[%get3A_1357, %get3A_1358] {strides = array<i32>} : memref<4x256xi32, #tpu.memory_space<vmem>>, vector<16xi32>,
    %shift_right_arithmetic3A_1360 = arith.constant 15 : i32
    %shift_right_arithmetic3A_1361 = vector.broadcast %shift_right_arithmetic3A_1360 : i32 to vector<16xi32>
    %shift_right_arithmetic3A_1362 = arith.shrsi %get3A_1355, %shift_right_arithmetic3A_1361 : vector<16xi32>
    %shift_left3A_1363 = arith.constant 15 : i32
    %shift_left3A_1364 = vector.broadcast %shift_left3A_1363 : i32 to vector<16xi32>
    %shift_left3A_1365 = arith.shli %shift_right_arithmetic3A_1362, %shift_left3A_1364 : vector<16xi32>
    %and3A_1366 = arith.constant 8191 : i32
    %and3A_1367 = vector.broadcast %and3A_1366 : i32 to vector<16xi32>
    %and3A_1368 = arith.andi %get3A_1355, %and3A_1367 : vector<16xi32>
    %shift_left3A_1369 = arith.constant 2 : i32
    %shift_left3A_1370 = vector.broadcast %shift_left3A_1369 : i32 to vector<16xi32>
    %shift_left3A_1371 = arith.shli %and3A_1368, %shift_left3A_1370 : vector<16xi32>
    %add3A_1372 = arith.addi %shift_left3A_1365, %shift_left3A_1371 : vector<16xi32>
    %shift_right_arithmetic3A_1373 = arith.constant 13 : i32
    %shift_right_arithmetic3A_1374 = vector.broadcast %shift_right_arithmetic3A_1373 : i32 to vector<16xi32>
    %shift_right_arithmetic3A_1375 = arith.shrsi %get3A_1355, %shift_right_arithmetic3A_1374 : vector<16xi32>
    %and3A_1376 = arith.constant 3 : i32
    %and3A_1377 = vector.broadcast %and3A_1376 : i32 to vector<16xi32>
    %and3A_1378 = arith.andi %shift_right_arithmetic3A_1375, %and3A_1377 : vector<16xi32>
    %add3A_1379 = arith.addi %add3A_1372, %and3A_1378 : vector<16xi32>
    %swap3A_1380 = arith.constant 416 : index
    %swap3A_1381 = tpu.vector_load %arg7[%swap3A_1380] {strides = array<i32>} : memref<512xi32, #tpu.memory_space<vmem>>, vector<16xi32>,
    tpu.vector_store %arg7[%swap3A_1380], %add3A_1379 {strides = array<i32>} : memref<512xi32, #tpu.memory_space<vmem>>, vector<16xi32>,
    %shift_right_arithmetic3A_1382 = arith.constant 15 : i32
    %shift_right_arithmetic3A_1383 = vector.broadcast %shift_right_arithmetic3A_1382 : i32 to vector<16xi32>
    %shift_right_arithmetic3A_1384 = arith.shrsi %get3A_1359, %shift_right_arithmetic3A_1383 : vector<16xi32>
    %shift_left3A_1385 = arith.constant 15 : i32
    %shift_left3A_1386 = vector.broadcast %shift_left3A_1385 : i32 to vector<16xi32>
    %shift_left3A_1387 = arith.shli %shift_right_arithmetic3A_1384, %shift_left3A_1386 : vector<16xi32>
    %and3A_1388 = arith.constant 8191 : i32
    %and3A_1389 = vector.broadcast %and3A_1388 : i32 to vector<16xi32>
    %and3A_1390 = arith.andi %get3A_1359, %and3A_1389 : vector<16xi32>
    %shift_left3A_1391 = arith.constant 2 : i32
    %shift_left3A_1392 = vector.broadcast %shift_left3A_1391 : i32 to vector<16xi32>
    %shift_left3A_1393 = arith.shli %and3A_1390, %shift_left3A_1392 : vector<16xi32>
    %add3A_1394 = arith.addi %shift_left3A_1387, %shift_left3A_1393 : vector<16xi32>
    %shift_right_arithmetic3A_1395 = arith.constant 13 : i32
    %shift_right_arithmetic3A_1396 = vector.broadcast %shift_right_arithmetic3A_1395 : i32 to vector<16xi32>
    %shift_right_arithmetic3A_1397 = arith.shrsi %get3A_1359, %shift_right_arithmetic3A_1396 : vector<16xi32>
    %and3A_1398 = arith.constant 3 : i32
    %and3A_1399 = vector.broadcast %and3A_1398 : i32 to vector<16xi32>
    %and3A_1400 = arith.andi %shift_right_arithmetic3A_1397, %and3A_1399 : vector<16xi32>
    %add3A_1401 = arith.addi %add3A_1394, %and3A_1400 : vector<16xi32>
    %swap3A_1402 = arith.constant 416 : index
    %swap3A_1403 = tpu.vector_load %arg8[%swap3A_1402] {strides = array<i32>} : memref<512xi32, #tpu.memory_space<vmem>>, vector<16xi32>,
    tpu.vector_store %arg8[%swap3A_1402], %add3A_1401 {strides = array<i32>} : memref<512xi32, #tpu.memory_space<vmem>>, vector<16xi32>,
    %get3A_1404 = arith.constant 3 : i32
    %get3A_1405 = arith.index_cast %get3A_1404 : i32 to index
    %get3A_1406 = arith.constant 48 : index
    %get3A_1407 = tpu.vector_load %arg6[%get3A_1405, %get3A_1406] {strides = array<i32>} : memref<4x256xi32, #tpu.memory_space<vmem>>, vector<16xi32>,
    %get3A_1408 = arith.constant 3 : i32
    %get3A_1409 = arith.index_cast %get3A_1408 : i32 to index
    %get3A_1410 = arith.constant 176 : index
    %get3A_1411 = tpu.vector_load %arg6[%get3A_1409, %get3A_1410] {strides = array<i32>} : memref<4x256xi32, #tpu.memory_space<vmem>>, vector<16xi32>,
    %shift_right_arithmetic3A_1412 = arith.constant 15 : i32
    %shift_right_arithmetic3A_1413 = vector.broadcast %shift_right_arithmetic3A_1412 : i32 to vector<16xi32>
    %shift_right_arithmetic3A_1414 = arith.shrsi %get3A_1407, %shift_right_arithmetic3A_1413 : vector<16xi32>
    %shift_left3A_1415 = arith.constant 15 : i32
    %shift_left3A_1416 = vector.broadcast %shift_left3A_1415 : i32 to vector<16xi32>
    %shift_left3A_1417 = arith.shli %shift_right_arithmetic3A_1414, %shift_left3A_1416 : vector<16xi32>
    %and3A_1418 = arith.constant 8191 : i32
    %and3A_1419 = vector.broadcast %and3A_1418 : i32 to vector<16xi32>
    %and3A_1420 = arith.andi %get3A_1407, %and3A_1419 : vector<16xi32>
    %shift_left3A_1421 = arith.constant 2 : i32
    %shift_left3A_1422 = vector.broadcast %shift_left3A_1421 : i32 to vector<16xi32>
    %shift_left3A_1423 = arith.shli %and3A_1420, %shift_left3A_1422 : vector<16xi32>
    %add3A_1424 = arith.addi %shift_left3A_1417, %shift_left3A_1423 : vector<16xi32>
    %shift_right_arithmetic3A_1425 = arith.constant 13 : i32
    %shift_right_arithmetic3A_1426 = vector.broadcast %shift_right_arithmetic3A_1425 : i32 to vector<16xi32>
    %shift_right_arithmetic3A_1427 = arith.shrsi %get3A_1407, %shift_right_arithmetic3A_1426 : vector<16xi32>
    %and3A_1428 = arith.constant 3 : i32
    %and3A_1429 = vector.broadcast %and3A_1428 : i32 to vector<16xi32>
    %and3A_1430 = arith.andi %shift_right_arithmetic3A_1427, %and3A_1429 : vector<16xi32>
    %add3A_1431 = arith.addi %add3A_1424, %and3A_1430 : vector<16xi32>
    %swap3A_1432 = arith.constant 432 : index
    %swap3A_1433 = tpu.vector_load %arg7[%swap3A_1432] {strides = array<i32>} : memref<512xi32, #tpu.memory_space<vmem>>, vector<16xi32>,
    tpu.vector_store %arg7[%swap3A_1432], %add3A_1431 {strides = array<i32>} : memref<512xi32, #tpu.memory_space<vmem>>, vector<16xi32>,
    %shift_right_arithmetic3A_1434 = arith.constant 15 : i32
    %shift_right_arithmetic3A_1435 = vector.broadcast %shift_right_arithmetic3A_1434 : i32 to vector<16xi32>
    %shift_right_arithmetic3A_1436 = arith.shrsi %get3A_1411, %shift_right_arithmetic3A_1435 : vector<16xi32>
    %shift_left3A_1437 = arith.constant 15 : i32
    %shift_left3A_1438 = vector.broadcast %shift_left3A_1437 : i32 to vector<16xi32>
    %shift_left3A_1439 = arith.shli %shift_right_arithmetic3A_1436, %shift_left3A_1438 : vector<16xi32>
    %and3A_1440 = arith.constant 8191 : i32
    %and3A_1441 = vector.broadcast %and3A_1440 : i32 to vector<16xi32>
    %and3A_1442 = arith.andi %get3A_1411, %and3A_1441 : vector<16xi32>
    %shift_left3A_1443 = arith.constant 2 : i32
    %shift_left3A_1444 = vector.broadcast %shift_left3A_1443 : i32 to vector<16xi32>
    %shift_left3A_1445 = arith.shli %and3A_1442, %shift_left3A_1444 : vector<16xi32>
    %add3A_1446 = arith.addi %shift_left3A_1439, %shift_left3A_1445 : vector<16xi32>
    %shift_right_arithmetic3A_1447 = arith.constant 13 : i32
    %shift_right_arithmetic3A_1448 = vector.broadcast %shift_right_arithmetic3A_1447 : i32 to vector<16xi32>
    %shift_right_arithmetic3A_1449 = arith.shrsi %get3A_1411, %shift_right_arithmetic3A_1448 : vector<16xi32>
    %and3A_1450 = arith.constant 3 : i32
    %and3A_1451 = vector.broadcast %and3A_1450 : i32 to vector<16xi32>
    %and3A_1452 = arith.andi %shift_right_arithmetic3A_1449, %and3A_1451 : vector<16xi32>
    %add3A_1453 = arith.addi %add3A_1446, %and3A_1452 : vector<16xi32>
    %swap3A_1454 = arith.constant 432 : index
    %swap3A_1455 = tpu.vector_load %arg8[%swap3A_1454] {strides = array<i32>} : memref<512xi32, #tpu.memory_space<vmem>>, vector<16xi32>,
    tpu.vector_store %arg8[%swap3A_1454], %add3A_1453 {strides = array<i32>} : memref<512xi32, #tpu.memory_space<vmem>>, vector<16xi32>,
    %get3A_1456 = arith.constant 3 : i32
    %get3A_1457 = arith.index_cast %get3A_1456 : i32 to index
    %get3A_1458 = arith.constant 64 : index
    %get3A_1459 = tpu.vector_load %arg6[%get3A_1457, %get3A_1458] {strides = array<i32>} : memref<4x256xi32, #tpu.memory_space<vmem>>, vector<16xi32>,
    %get3A_1460 = arith.constant 3 : i32
    %get3A_1461 = arith.index_cast %get3A_1460 : i32 to index
    %get3A_1462 = arith.constant 192 : index
    %get3A_1463 = tpu.vector_load %arg6[%get3A_1461, %get3A_1462] {strides = array<i32>} : memref<4x256xi32, #tpu.memory_space<vmem>>, vector<16xi32>,
    %shift_right_arithmetic3A_1464 = arith.constant 15 : i32
    %shift_right_arithmetic3A_1465 = vector.broadcast %shift_right_arithmetic3A_1464 : i32 to vector<16xi32>
    %shift_right_arithmetic3A_1466 = arith.shrsi %get3A_1459, %shift_right_arithmetic3A_1465 : vector<16xi32>
    %shift_left3A_1467 = arith.constant 15 : i32
    %shift_left3A_1468 = vector.broadcast %shift_left3A_1467 : i32 to vector<16xi32>
    %shift_left3A_1469 = arith.shli %shift_right_arithmetic3A_1466, %shift_left3A_1468 : vector<16xi32>
    %and3A_1470 = arith.constant 8191 : i32
    %and3A_1471 = vector.broadcast %and3A_1470 : i32 to vector<16xi32>
    %and3A_1472 = arith.andi %get3A_1459, %and3A_1471 : vector<16xi32>
    %shift_left3A_1473 = arith.constant 2 : i32
    %shift_left3A_1474 = vector.broadcast %shift_left3A_1473 : i32 to vector<16xi32>
    %shift_left3A_1475 = arith.shli %and3A_1472, %shift_left3A_1474 : vector<16xi32>
    %add3A_1476 = arith.addi %shift_left3A_1469, %shift_left3A_1475 : vector<16xi32>
    %shift_right_arithmetic3A_1477 = arith.constant 13 : i32
    %shift_right_arithmetic3A_1478 = vector.broadcast %shift_right_arithmetic3A_1477 : i32 to vector<16xi32>
    %shift_right_arithmetic3A_1479 = arith.shrsi %get3A_1459, %shift_right_arithmetic3A_1478 : vector<16xi32>
    %and3A_1480 = arith.constant 3 : i32
    %and3A_1481 = vector.broadcast %and3A_1480 : i32 to vector<16xi32>
    %and3A_1482 = arith.andi %shift_right_arithmetic3A_1479, %and3A_1481 : vector<16xi32>
    %add3A_1483 = arith.addi %add3A_1476, %and3A_1482 : vector<16xi32>
    %swap3A_1484 = arith.constant 448 : index
    %swap3A_1485 = tpu.vector_load %arg7[%swap3A_1484] {strides = array<i32>} : memref<512xi32, #tpu.memory_space<vmem>>, vector<16xi32>,
    tpu.vector_store %arg7[%swap3A_1484], %add3A_1483 {strides = array<i32>} : memref<512xi32, #tpu.memory_space<vmem>>, vector<16xi32>,
    %shift_right_arithmetic3A_1486 = arith.constant 15 : i32
    %shift_right_arithmetic3A_1487 = vector.broadcast %shift_right_arithmetic3A_1486 : i32 to vector<16xi32>
    %shift_right_arithmetic3A_1488 = arith.shrsi %get3A_1463, %shift_right_arithmetic3A_1487 : vector<16xi32>
    %shift_left3A_1489 = arith.constant 15 : i32
    %shift_left3A_1490 = vector.broadcast %shift_left3A_1489 : i32 to vector<16xi32>
    %shift_left3A_1491 = arith.shli %shift_right_arithmetic3A_1488, %shift_left3A_1490 : vector<16xi32>
    %and3A_1492 = arith.constant 8191 : i32
    %and3A_1493 = vector.broadcast %and3A_1492 : i32 to vector<16xi32>
    %and3A_1494 = arith.andi %get3A_1463, %and3A_1493 : vector<16xi32>
    %shift_left3A_1495 = arith.constant 2 : i32
    %shift_left3A_1496 = vector.broadcast %shift_left3A_1495 : i32 to vector<16xi32>
    %shift_left3A_1497 = arith.shli %and3A_1494, %shift_left3A_1496 : vector<16xi32>
    %add3A_1498 = arith.addi %shift_left3A_1491, %shift_left3A_1497 : vector<16xi32>
    %shift_right_arithmetic3A_1499 = arith.constant 13 : i32
    %shift_right_arithmetic3A_1500 = vector.broadcast %shift_right_arithmetic3A_1499 : i32 to vector<16xi32>
    %shift_right_arithmetic3A_1501 = arith.shrsi %get3A_1463, %shift_right_arithmetic3A_1500 : vector<16xi32>
    %and3A_1502 = arith.constant 3 : i32
    %and3A_1503 = vector.broadcast %and3A_1502 : i32 to vector<16xi32>
    %and3A_1504 = arith.andi %shift_right_arithmetic3A_1501, %and3A_1503 : vector<16xi32>
    %add3A_1505 = arith.addi %add3A_1498, %and3A_1504 : vector<16xi32>
    %swap3A_1506 = arith.constant 448 : index
    %swap3A_1507 = tpu.vector_load %arg8[%swap3A_1506] {strides = array<i32>} : memref<512xi32, #tpu.memory_space<vmem>>, vector<16xi32>,
    tpu.vector_store %arg8[%swap3A_1506], %add3A_1505 {strides = array<i32>} : memref<512xi32, #tpu.memory_space<vmem>>, vector<16xi32>,
    %get3A_1508 = arith.constant 3 : i32
    %get3A_1509 = arith.index_cast %get3A_1508 : i32 to index
    %get3A_1510 = arith.constant 80 : index
    %get3A_1511 = tpu.vector_load %arg6[%get3A_1509, %get3A_1510] {strides = array<i32>} : memref<4x256xi32, #tpu.memory_space<vmem>>, vector<16xi32>,
    %get3A_1512 = arith.constant 3 : i32
    %get3A_1513 = arith.index_cast %get3A_1512 : i32 to index
    %get3A_1514 = arith.constant 208 : index
    %get3A_1515 = tpu.vector_load %arg6[%get3A_1513, %get3A_1514] {strides = array<i32>} : memref<4x256xi32, #tpu.memory_space<vmem>>, vector<16xi32>,
    %shift_right_arithmetic3A_1516 = arith.constant 15 : i32
    %shift_right_arithmetic3A_1517 = vector.broadcast %shift_right_arithmetic3A_1516 : i32 to vector<16xi32>
    %shift_right_arithmetic3A_1518 = arith.shrsi %get3A_1511, %shift_right_arithmetic3A_1517 : vector<16xi32>
    %shift_left3A_1519 = arith.constant 15 : i32
    %shift_left3A_1520 = vector.broadcast %shift_left3A_1519 : i32 to vector<16xi32>
    %shift_left3A_1521 = arith.shli %shift_right_arithmetic3A_1518, %shift_left3A_1520 : vector<16xi32>
    %and3A_1522 = arith.constant 8191 : i32
    %and3A_1523 = vector.broadcast %and3A_1522 : i32 to vector<16xi32>
    %and3A_1524 = arith.andi %get3A_1511, %and3A_1523 : vector<16xi32>
    %shift_left3A_1525 = arith.constant 2 : i32
    %shift_left3A_1526 = vector.broadcast %shift_left3A_1525 : i32 to vector<16xi32>
    %shift_left3A_1527 = arith.shli %and3A_1524, %shift_left3A_1526 : vector<16xi32>
    %add3A_1528 = arith.addi %shift_left3A_1521, %shift_left3A_1527 : vector<16xi32>
    %shift_right_arithmetic3A_1529 = arith.constant 13 : i32
    %shift_right_arithmetic3A_1530 = vector.broadcast %shift_right_arithmetic3A_1529 : i32 to vector<16xi32>
    %shift_right_arithmetic3A_1531 = arith.shrsi %get3A_1511, %shift_right_arithmetic3A_1530 : vector<16xi32>
    %and3A_1532 = arith.constant 3 : i32
    %and3A_1533 = vector.broadcast %and3A_1532 : i32 to vector<16xi32>
    %and3A_1534 = arith.andi %shift_right_arithmetic3A_1531, %and3A_1533 : vector<16xi32>
    %add3A_1535 = arith.addi %add3A_1528, %and3A_1534 : vector<16xi32>
    %swap3A_1536 = arith.constant 464 : index
    %swap3A_1537 = tpu.vector_load %arg7[%swap3A_1536] {strides = array<i32>} : memref<512xi32, #tpu.memory_space<vmem>>, vector<16xi32>,
    tpu.vector_store %arg7[%swap3A_1536], %add3A_1535 {strides = array<i32>} : memref<512xi32, #tpu.memory_space<vmem>>, vector<16xi32>,
    %shift_right_arithmetic3A_1538 = arith.constant 15 : i32
    %shift_right_arithmetic3A_1539 = vector.broadcast %shift_right_arithmetic3A_1538 : i32 to vector<16xi32>
    %shift_right_arithmetic3A_1540 = arith.shrsi %get3A_1515, %shift_right_arithmetic3A_1539 : vector<16xi32>
    %shift_left3A_1541 = arith.constant 15 : i32
    %shift_left3A_1542 = vector.broadcast %shift_left3A_1541 : i32 to vector<16xi32>
    %shift_left3A_1543 = arith.shli %shift_right_arithmetic3A_1540, %shift_left3A_1542 : vector<16xi32>
    %and3A_1544 = arith.constant 8191 : i32
    %and3A_1545 = vector.broadcast %and3A_1544 : i32 to vector<16xi32>
    %and3A_1546 = arith.andi %get3A_1515, %and3A_1545 : vector<16xi32>
    %shift_left3A_1547 = arith.constant 2 : i32
    %shift_left3A_1548 = vector.broadcast %shift_left3A_1547 : i32 to vector<16xi32>
    %shift_left3A_1549 = arith.shli %and3A_1546, %shift_left3A_1548 : vector<16xi32>
    %add3A_1550 = arith.addi %shift_left3A_1543, %shift_left3A_1549 : vector<16xi32>
    %shift_right_arithmetic3A_1551 = arith.constant 13 : i32
    %shift_right_arithmetic3A_1552 = vector.broadcast %shift_right_arithmetic3A_1551 : i32 to vector<16xi32>
    %shift_right_arithmetic3A_1553 = arith.shrsi %get3A_1515, %shift_right_arithmetic3A_1552 : vector<16xi32>
    %and3A_1554 = arith.constant 3 : i32
    %and3A_1555 = vector.broadcast %and3A_1554 : i32 to vector<16xi32>
    %and3A_1556 = arith.andi %shift_right_arithmetic3A_1553, %and3A_1555 : vector<16xi32>
    %add3A_1557 = arith.addi %add3A_1550, %and3A_1556 : vector<16xi32>
    %swap3A_1558 = arith.constant 464 : index
    %swap3A_1559 = tpu.vector_load %arg8[%swap3A_1558] {strides = array<i32>} : memref<512xi32, #tpu.memory_space<vmem>>, vector<16xi32>,
    tpu.vector_store %arg8[%swap3A_1558], %add3A_1557 {strides = array<i32>} : memref<512xi32, #tpu.memory_space<vmem>>, vector<16xi32>,
    %get3A_1560 = arith.constant 3 : i32
    %get3A_1561 = arith.index_cast %get3A_1560 : i32 to index
    %get3A_1562 = arith.constant 96 : index
    %get3A_1563 = tpu.vector_load %arg6[%get3A_1561, %get3A_1562] {strides = array<i32>} : memref<4x256xi32, #tpu.memory_space<vmem>>, vector<16xi32>,
    %get3A_1564 = arith.constant 3 : i32
    %get3A_1565 = arith.index_cast %get3A_1564 : i32 to index
    %get3A_1566 = arith.constant 224 : index
    %get3A_1567 = tpu.vector_load %arg6[%get3A_1565, %get3A_1566] {strides = array<i32>} : memref<4x256xi32, #tpu.memory_space<vmem>>, vector<16xi32>,
    %shift_right_arithmetic3A_1568 = arith.constant 15 : i32
    %shift_right_arithmetic3A_1569 = vector.broadcast %shift_right_arithmetic3A_1568 : i32 to vector<16xi32>
    %shift_right_arithmetic3A_1570 = arith.shrsi %get3A_1563, %shift_right_arithmetic3A_1569 : vector<16xi32>
    %shift_left3A_1571 = arith.constant 15 : i32
    %shift_left3A_1572 = vector.broadcast %shift_left3A_1571 : i32 to vector<16xi32>
    %shift_left3A_1573 = arith.shli %shift_right_arithmetic3A_1570, %shift_left3A_1572 : vector<16xi32>
    %and3A_1574 = arith.constant 8191 : i32
    %and3A_1575 = vector.broadcast %and3A_1574 : i32 to vector<16xi32>
    %and3A_1576 = arith.andi %get3A_1563, %and3A_1575 : vector<16xi32>
    %shift_left3A_1577 = arith.constant 2 : i32
    %shift_left3A_1578 = vector.broadcast %shift_left3A_1577 : i32 to vector<16xi32>
    %shift_left3A_1579 = arith.shli %and3A_1576, %shift_left3A_1578 : vector<16xi32>
    %add3A_1580 = arith.addi %shift_left3A_1573, %shift_left3A_1579 : vector<16xi32>
    %shift_right_arithmetic3A_1581 = arith.constant 13 : i32
    %shift_right_arithmetic3A_1582 = vector.broadcast %shift_right_arithmetic3A_1581 : i32 to vector<16xi32>
    %shift_right_arithmetic3A_1583 = arith.shrsi %get3A_1563, %shift_right_arithmetic3A_1582 : vector<16xi32>
    %and3A_1584 = arith.constant 3 : i32
    %and3A_1585 = vector.broadcast %and3A_1584 : i32 to vector<16xi32>
    %and3A_1586 = arith.andi %shift_right_arithmetic3A_1583, %and3A_1585 : vector<16xi32>
    %add3A_1587 = arith.addi %add3A_1580, %and3A_1586 : vector<16xi32>
    %swap3A_1588 = arith.constant 480 : index
    %swap3A_1589 = tpu.vector_load %arg7[%swap3A_1588] {strides = array<i32>} : memref<512xi32, #tpu.memory_space<vmem>>, vector<16xi32>,
    tpu.vector_store %arg7[%swap3A_1588], %add3A_1587 {strides = array<i32>} : memref<512xi32, #tpu.memory_space<vmem>>, vector<16xi32>,
    %shift_right_arithmetic3A_1590 = arith.constant 15 : i32
    %shift_right_arithmetic3A_1591 = vector.broadcast %shift_right_arithmetic3A_1590 : i32 to vector<16xi32>
    %shift_right_arithmetic3A_1592 = arith.shrsi %get3A_1567, %shift_right_arithmetic3A_1591 : vector<16xi32>
    %shift_left3A_1593 = arith.constant 15 : i32
    %shift_left3A_1594 = vector.broadcast %shift_left3A_1593 : i32 to vector<16xi32>
    %shift_left3A_1595 = arith.shli %shift_right_arithmetic3A_1592, %shift_left3A_1594 : vector<16xi32>
    %and3A_1596 = arith.constant 8191 : i32
    %and3A_1597 = vector.broadcast %and3A_1596 : i32 to vector<16xi32>
    %and3A_1598 = arith.andi %get3A_1567, %and3A_1597 : vector<16xi32>
    %shift_left3A_1599 = arith.constant 2 : i32
    %shift_left3A_1600 = vector.broadcast %shift_left3A_1599 : i32 to vector<16xi32>
    %shift_left3A_1601 = arith.shli %and3A_1598, %shift_left3A_1600 : vector<16xi32>
    %add3A_1602 = arith.addi %shift_left3A_1595, %shift_left3A_1601 : vector<16xi32>
    %shift_right_arithmetic3A_1603 = arith.constant 13 : i32
    %shift_right_arithmetic3A_1604 = vector.broadcast %shift_right_arithmetic3A_1603 : i32 to vector<16xi32>
    %shift_right_arithmetic3A_1605 = arith.shrsi %get3A_1567, %shift_right_arithmetic3A_1604 : vector<16xi32>
    %and3A_1606 = arith.constant 3 : i32
    %and3A_1607 = vector.broadcast %and3A_1606 : i32 to vector<16xi32>
    %and3A_1608 = arith.andi %shift_right_arithmetic3A_1605, %and3A_1607 : vector<16xi32>
    %add3A_1609 = arith.addi %add3A_1602, %and3A_1608 : vector<16xi32>
    %swap3A_1610 = arith.constant 480 : index
    %swap3A_1611 = tpu.vector_load %arg8[%swap3A_1610] {strides = array<i32>} : memref<512xi32, #tpu.memory_space<vmem>>, vector<16xi32>,
    tpu.vector_store %arg8[%swap3A_1610], %add3A_1609 {strides = array<i32>} : memref<512xi32, #tpu.memory_space<vmem>>, vector<16xi32>,
    %get3A_1612 = arith.constant 3 : i32
    %get3A_1613 = arith.index_cast %get3A_1612 : i32 to index
    %get3A_1614 = arith.constant 112 : index
    %get3A_1615 = tpu.vector_load %arg6[%get3A_1613, %get3A_1614] {strides = array<i32>} : memref<4x256xi32, #tpu.memory_space<vmem>>, vector<16xi32>,
    %get3A_1616 = arith.constant 3 : i32
    %get3A_1617 = arith.index_cast %get3A_1616 : i32 to index
    %get3A_1618 = arith.constant 240 : index
    %get3A_1619 = tpu.vector_load %arg6[%get3A_1617, %get3A_1618] {strides = array<i32>} : memref<4x256xi32, #tpu.memory_space<vmem>>, vector<16xi32>,
    %shift_right_arithmetic3A_1620 = arith.constant 15 : i32
    %shift_right_arithmetic3A_1621 = vector.broadcast %shift_right_arithmetic3A_1620 : i32 to vector<16xi32>
    %shift_right_arithmetic3A_1622 = arith.shrsi %get3A_1615, %shift_right_arithmetic3A_1621 : vector<16xi32>
    %shift_left3A_1623 = arith.constant 15 : i32
    %shift_left3A_1624 = vector.broadcast %shift_left3A_1623 : i32 to vector<16xi32>
    %shift_left3A_1625 = arith.shli %shift_right_arithmetic3A_1622, %shift_left3A_1624 : vector<16xi32>
    %and3A_1626 = arith.constant 8191 : i32
    %and3A_1627 = vector.broadcast %and3A_1626 : i32 to vector<16xi32>
    %and3A_1628 = arith.andi %get3A_1615, %and3A_1627 : vector<16xi32>
    %shift_left3A_1629 = arith.constant 2 : i32
    %shift_left3A_1630 = vector.broadcast %shift_left3A_1629 : i32 to vector<16xi32>
    %shift_left3A_1631 = arith.shli %and3A_1628, %shift_left3A_1630 : vector<16xi32>
    %add3A_1632 = arith.addi %shift_left3A_1625, %shift_left3A_1631 : vector<16xi32>
    %shift_right_arithmetic3A_1633 = arith.constant 13 : i32
    %shift_right_arithmetic3A_1634 = vector.broadcast %shift_right_arithmetic3A_1633 : i32 to vector<16xi32>
    %shift_right_arithmetic3A_1635 = arith.shrsi %get3A_1615, %shift_right_arithmetic3A_1634 : vector<16xi32>
    %and3A_1636 = arith.constant 3 : i32
    %and3A_1637 = vector.broadcast %and3A_1636 : i32 to vector<16xi32>
    %and3A_1638 = arith.andi %shift_right_arithmetic3A_1635, %and3A_1637 : vector<16xi32>
    %add3A_1639 = arith.addi %add3A_1632, %and3A_1638 : vector<16xi32>
    %swap3A_1640 = arith.constant 496 : index
    %swap3A_1641 = tpu.vector_load %arg7[%swap3A_1640] {strides = array<i32>} : memref<512xi32, #tpu.memory_space<vmem>>, vector<16xi32>,
    tpu.vector_store %arg7[%swap3A_1640], %add3A_1639 {strides = array<i32>} : memref<512xi32, #tpu.memory_space<vmem>>, vector<16xi32>,
    %shift_right_arithmetic3A_1642 = arith.constant 15 : i32
    %shift_right_arithmetic3A_1643 = vector.broadcast %shift_right_arithmetic3A_1642 : i32 to vector<16xi32>
    %shift_right_arithmetic3A_1644 = arith.shrsi %get3A_1619, %shift_right_arithmetic3A_1643 : vector<16xi32>
    %shift_left3A_1645 = arith.constant 15 : i32
    %shift_left3A_1646 = vector.broadcast %shift_left3A_1645 : i32 to vector<16xi32>
    %shift_left3A_1647 = arith.shli %shift_right_arithmetic3A_1644, %shift_left3A_1646 : vector<16xi32>
    %and3A_1648 = arith.constant 8191 : i32
    %and3A_1649 = vector.broadcast %and3A_1648 : i32 to vector<16xi32>
    %and3A_1650 = arith.andi %get3A_1619, %and3A_1649 : vector<16xi32>
    %shift_left3A_1651 = arith.constant 2 : i32
    %shift_left3A_1652 = vector.broadcast %shift_left3A_1651 : i32 to vector<16xi32>
    %shift_left3A_1653 = arith.shli %and3A_1650, %shift_left3A_1652 : vector<16xi32>
    %add3A_1654 = arith.addi %shift_left3A_1647, %shift_left3A_1653 : vector<16xi32>
    %shift_right_arithmetic3A_1655 = arith.constant 13 : i32
    %shift_right_arithmetic3A_1656 = vector.broadcast %shift_right_arithmetic3A_1655 : i32 to vector<16xi32>
    %shift_right_arithmetic3A_1657 = arith.shrsi %get3A_1619, %shift_right_arithmetic3A_1656 : vector<16xi32>
    %and3A_1658 = arith.constant 3 : i32
    %and3A_1659 = vector.broadcast %and3A_1658 : i32 to vector<16xi32>
    %and3A_1660 = arith.andi %shift_right_arithmetic3A_1657, %and3A_1659 : vector<16xi32>
    %add3A_1661 = arith.addi %add3A_1654, %and3A_1660 : vector<16xi32>
    %swap3A_1662 = arith.constant 496 : index
    %swap3A_1663 = tpu.vector_load %arg8[%swap3A_1662] {strides = array<i32>} : memref<512xi32, #tpu.memory_space<vmem>>, vector<16xi32>,
    tpu.vector_store %arg8[%swap3A_1662], %add3A_1661 {strides = array<i32>} : memref<512xi32, #tpu.memory_space<vmem>>, vector<16xi32>,
    %dma_start3A = arith.constant 0 : i32
    %dma_start3A_1664 = arith.constant 0 : i32
    %dma_start3A_1665 = tpu.memref_slice %arg3[%dma_start3A, %dma_start3A_1664] : memref<1015808x32xf32, #tpu.memory_space<hbm>> -> memref<1015808x32xf32, #tpu.memory_space<hbm>>
    tpu.enqueue_indirect_dma source(%dma_start3A_1665 : memref<1015808x32xf32, #tpu.memory_space<hbm>>) target(%arg9 : memref<512x32xf32, #tpu.memory_space<vmem>>) offsets(%arg7 : memref<512xi32, #tpu.memory_space<vmem>>) semaphore(%arg12 : memref<!tpu.dma_semaphore, #tpu.memory_space<semaphore_mem>>)
    %dma_start3A_1666 = arith.constant 0 : i32
    %dma_start3A_1667 = arith.constant 0 : i32
    %dma_start3A_1668 = tpu.memref_slice %arg4[%dma_start3A_1666, %dma_start3A_1667] : memref<1015808x32xf32, #tpu.memory_space<hbm>> -> memref<1015808x32xf32, #tpu.memory_space<hbm>>
    tpu.enqueue_indirect_dma source(%dma_start3A_1668 : memref<1015808x32xf32, #tpu.memory_space<hbm>>) target(%arg10 : memref<512x32xf32, #tpu.memory_space<vmem>>) offsets(%arg8 : memref<512xi32, #tpu.memory_space<vmem>>) semaphore(%arg13 : memref<!tpu.dma_semaphore, #tpu.memory_space<semaphore_mem>>)
    %dma_wait3A = arith.constant 0 : i32
    %dma_wait3A_1669 = arith.constant 0 : i32
    %dma_wait3A_1670 = tpu.memref_slice %arg3[%dma_wait3A, %dma_wait3A_1669] : memref<1015808x32xf32, #tpu.memory_space<hbm>> -> memref<1015808x32xf32, #tpu.memory_space<hbm>>
    tpu.wait_indirect_dma semaphore(%arg12 : memref<!tpu.dma_semaphore, #tpu.memory_space<semaphore_mem>>) src(%dma_wait3A_1670 : memref<1015808x32xf32, #tpu.memory_space<hbm>>) dst(%arg9 : memref<512x32xf32, #tpu.memory_space<vmem>>)
    %dma_wait3A_1671 = arith.constant 0 : i32
    %dma_wait3A_1672 = arith.constant 0 : i32
    %dma_wait3A_1673 = tpu.memref_slice %arg4[%dma_wait3A_1671, %dma_wait3A_1672] : memref<1015808x32xf32, #tpu.memory_space<hbm>> -> memref<1015808x32xf32, #tpu.memory_space<hbm>>
    tpu.wait_indirect_dma semaphore(%arg13 : memref<!tpu.dma_semaphore, #tpu.memory_space<semaphore_mem>>) src(%dma_wait3A_1673 : memref<1015808x32xf32, #tpu.memory_space<hbm>>) dst(%arg10 : memref<512x32xf32, #tpu.memory_space<vmem>>)
    %iota3A = tpu.iota {dimensions = array<i32: 0>} : vector<16xi32>
    %scan3A = arith.constant 0 : i32
    %scan3A_1674 = arith.constant 0 : i32
    %scan3A_1675 = arith.constant 32 : i32
    %scan3A_1676 = arith.addi %scan3A_1674, %scan3A_1675 : i32
    %scan3A_1677 = arith.constant 1 : i32
    %scan3A_1678 = scf.for %scan3A_1680 = %scan3A_1674 to %scan3A_1676 step %scan3A_1677 iter_args(%scan3A_1681 = %scan3A) -> (i32)  : i32 {
      %mul3A_1682 = arith.constant 16 : i32
      %mul3A_1683 = arith.muli %scan3A_1680, %mul3A_1682 : i32
      %add3A_1684 = vector.broadcast %mul3A_1683 : i32 to vector<16xi32>
      %add3A_1685 = arith.addi %iota3A, %add3A_1684 : vector<16xi32>
      %broadcast_in_dim3A = arith.constant 0.000000e+00 : f32
      %broadcast_in_dim3A_1686 = vector.broadcast %broadcast_in_dim3A : f32 to vector<16xf32>
      %broadcast_in_dim3A_1687 = arith.constant 0 : i32
      %broadcast_in_dim3A_1688 = vector.broadcast %broadcast_in_dim3A_1687 : i32 to vector<16xi32>
      %gather3A = tpu.vector_load_idx %arg9[%add3A_1685, %broadcast_in_dim3A_1688] : memref<512x32xf32, #tpu.memory_space<vmem>>[vector<16xi32>, vector<16xi32>], vector<16xf32>,
      %gather3A_1689 = tpu.vector_load_idx %arg10[%add3A_1685, %broadcast_in_dim3A_1688] : memref<512x32xf32, #tpu.memory_space<vmem>>[vector<16xi32>, vector<16xi32>], vector<16xf32>,
      %mul3A_1690 = arith.mulf %gather3A, %gather3A_1689 : vector<16xf32>
      %add3A_1691 = arith.addf %broadcast_in_dim3A_1686, %mul3A_1690 : vector<16xf32>
      %broadcast_in_dim3A_1692 = arith.constant 1 : i32
      %broadcast_in_dim3A_1693 = vector.broadcast %broadcast_in_dim3A_1692 : i32 to vector<16xi32>
      %gather3A_1694 = tpu.vector_load_idx %arg9[%add3A_1685, %broadcast_in_dim3A_1693] : memref<512x32xf32, #tpu.memory_space<vmem>>[vector<16xi32>, vector<16xi32>], vector<16xf32>,
      %gather3A_1695 = tpu.vector_load_idx %arg10[%add3A_1685, %broadcast_in_dim3A_1693] : memref<512x32xf32, #tpu.memory_space<vmem>>[vector<16xi32>, vector<16xi32>], vector<16xf32>,
      %mul3A_1696 = arith.mulf %gather3A_1694, %gather3A_1695 : vector<16xf32>
      %add3A_1697 = arith.addf %add3A_1691, %mul3A_1696 : vector<16xf32>
      %broadcast_in_dim3A_1698 = arith.constant 2 : i32
      %broadcast_in_dim3A_1699 = vector.broadcast %broadcast_in_dim3A_1698 : i32 to vector<16xi32>
      %gather3A_1700 = tpu.vector_load_idx %arg9[%add3A_1685, %broadcast_in_dim3A_1699] : memref<512x32xf32, #tpu.memory_space<vmem>>[vector<16xi32>, vector<16xi32>], vector<16xf32>,
      %gather3A_1701 = tpu.vector_load_idx %arg10[%add3A_1685, %broadcast_in_dim3A_1699] : memref<512x32xf32, #tpu.memory_space<vmem>>[vector<16xi32>, vector<16xi32>], vector<16xf32>,
      %mul3A_1702 = arith.mulf %gather3A_1700, %gather3A_1701 : vector<16xf32>
      %add3A_1703 = arith.addf %add3A_1697, %mul3A_1702 : vector<16xf32>
      %broadcast_in_dim3A_1704 = arith.constant 3 : i32
      %broadcast_in_dim3A_1705 = vector.broadcast %broadcast_in_dim3A_1704 : i32 to vector<16xi32>
      %gather3A_1706 = tpu.vector_load_idx %arg9[%add3A_1685, %broadcast_in_dim3A_1705] : memref<512x32xf32, #tpu.memory_space<vmem>>[vector<16xi32>, vector<16xi32>], vector<16xf32>,
      %gather3A_1707 = tpu.vector_load_idx %arg10[%add3A_1685, %broadcast_in_dim3A_1705] : memref<512x32xf32, #tpu.memory_space<vmem>>[vector<16xi32>, vector<16xi32>], vector<16xf32>,
      %mul3A_1708 = arith.mulf %gather3A_1706, %gather3A_1707 : vector<16xf32>
      %add3A_1709 = arith.addf %add3A_1703, %mul3A_1708 : vector<16xf32>
      %broadcast_in_dim3A_1710 = arith.constant 4 : i32
      %broadcast_in_dim3A_1711 = vector.broadcast %broadcast_in_dim3A_1710 : i32 to vector<16xi32>
      %gather3A_1712 = tpu.vector_load_idx %arg9[%add3A_1685, %broadcast_in_dim3A_1711] : memref<512x32xf32, #tpu.memory_space<vmem>>[vector<16xi32>, vector<16xi32>], vector<16xf32>,
      %gather3A_1713 = tpu.vector_load_idx %arg10[%add3A_1685, %broadcast_in_dim3A_1711] : memref<512x32xf32, #tpu.memory_space<vmem>>[vector<16xi32>, vector<16xi32>], vector<16xf32>,
      %mul3A_1714 = arith.mulf %gather3A_1712, %gather3A_1713 : vector<16xf32>
      %add3A_1715 = arith.addf %add3A_1709, %mul3A_1714 : vector<16xf32>
      %broadcast_in_dim3A_1716 = arith.constant 5 : i32
      %broadcast_in_dim3A_1717 = vector.broadcast %broadcast_in_dim3A_1716 : i32 to vector<16xi32>
      %gather3A_1718 = tpu.vector_load_idx %arg9[%add3A_1685, %broadcast_in_dim3A_1717] : memref<512x32xf32, #tpu.memory_space<vmem>>[vector<16xi32>, vector<16xi32>], vector<16xf32>,
      %gather3A_1719 = tpu.vector_load_idx %arg10[%add3A_1685, %broadcast_in_dim3A_1717] : memref<512x32xf32, #tpu.memory_space<vmem>>[vector<16xi32>, vector<16xi32>], vector<16xf32>,
      %mul3A_1720 = arith.mulf %gather3A_1718, %gather3A_1719 : vector<16xf32>
      %add3A_1721 = arith.addf %add3A_1715, %mul3A_1720 : vector<16xf32>
      %broadcast_in_dim3A_1722 = arith.constant 6 : i32
      %broadcast_in_dim3A_1723 = vector.broadcast %broadcast_in_dim3A_1722 : i32 to vector<16xi32>
      %gather3A_1724 = tpu.vector_load_idx %arg9[%add3A_1685, %broadcast_in_dim3A_1723] : memref<512x32xf32, #tpu.memory_space<vmem>>[vector<16xi32>, vector<16xi32>], vector<16xf32>,
      %gather3A_1725 = tpu.vector_load_idx %arg10[%add3A_1685, %broadcast_in_dim3A_1723] : memref<512x32xf32, #tpu.memory_space<vmem>>[vector<16xi32>, vector<16xi32>], vector<16xf32>,
      %mul3A_1726 = arith.mulf %gather3A_1724, %gather3A_1725 : vector<16xf32>
      %add3A_1727 = arith.addf %add3A_1721, %mul3A_1726 : vector<16xf32>
      %broadcast_in_dim3A_1728 = arith.constant 7 : i32
      %broadcast_in_dim3A_1729 = vector.broadcast %broadcast_in_dim3A_1728 : i32 to vector<16xi32>
      %gather3A_1730 = tpu.vector_load_idx %arg9[%add3A_1685, %broadcast_in_dim3A_1729] : memref<512x32xf32, #tpu.memory_space<vmem>>[vector<16xi32>, vector<16xi32>], vector<16xf32>,
      %gather3A_1731 = tpu.vector_load_idx %arg10[%add3A_1685, %broadcast_in_dim3A_1729] : memref<512x32xf32, #tpu.memory_space<vmem>>[vector<16xi32>, vector<16xi32>], vector<16xf32>,
      %mul3A_1732 = arith.mulf %gather3A_1730, %gather3A_1731 : vector<16xf32>
      %add3A_1733 = arith.addf %add3A_1727, %mul3A_1732 : vector<16xf32>
      %broadcast_in_dim3A_1734 = arith.constant 8 : i32
      %broadcast_in_dim3A_1735 = vector.broadcast %broadcast_in_dim3A_1734 : i32 to vector<16xi32>
      %gather3A_1736 = tpu.vector_load_idx %arg9[%add3A_1685, %broadcast_in_dim3A_1735] : memref<512x32xf32, #tpu.memory_space<vmem>>[vector<16xi32>, vector<16xi32>], vector<16xf32>,
      %gather3A_1737 = tpu.vector_load_idx %arg10[%add3A_1685, %broadcast_in_dim3A_1735] : memref<512x32xf32, #tpu.memory_space<vmem>>[vector<16xi32>, vector<16xi32>], vector<16xf32>,
      %mul3A_1738 = arith.mulf %gather3A_1736, %gather3A_1737 : vector<16xf32>
      %add3A_1739 = arith.addf %add3A_1733, %mul3A_1738 : vector<16xf32>
      %broadcast_in_dim3A_1740 = arith.constant 9 : i32
      %broadcast_in_dim3A_1741 = vector.broadcast %broadcast_in_dim3A_1740 : i32 to vector<16xi32>
      %gather3A_1742 = tpu.vector_load_idx %arg9[%add3A_1685, %broadcast_in_dim3A_1741] : memref<512x32xf32, #tpu.memory_space<vmem>>[vector<16xi32>, vector<16xi32>], vector<16xf32>,
      %gather3A_1743 = tpu.vector_load_idx %arg10[%add3A_1685, %broadcast_in_dim3A_1741] : memref<512x32xf32, #tpu.memory_space<vmem>>[vector<16xi32>, vector<16xi32>], vector<16xf32>,
      %mul3A_1744 = arith.mulf %gather3A_1742, %gather3A_1743 : vector<16xf32>
      %add3A_1745 = arith.addf %add3A_1739, %mul3A_1744 : vector<16xf32>
      %broadcast_in_dim3A_1746 = arith.constant 10 : i32
      %broadcast_in_dim3A_1747 = vector.broadcast %broadcast_in_dim3A_1746 : i32 to vector<16xi32>
      %gather3A_1748 = tpu.vector_load_idx %arg9[%add3A_1685, %broadcast_in_dim3A_1747] : memref<512x32xf32, #tpu.memory_space<vmem>>[vector<16xi32>, vector<16xi32>], vector<16xf32>,
      %gather3A_1749 = tpu.vector_load_idx %arg10[%add3A_1685, %broadcast_in_dim3A_1747] : memref<512x32xf32, #tpu.memory_space<vmem>>[vector<16xi32>, vector<16xi32>], vector<16xf32>,
      %mul3A_1750 = arith.mulf %gather3A_1748, %gather3A_1749 : vector<16xf32>
      %add3A_1751 = arith.addf %add3A_1745, %mul3A_1750 : vector<16xf32>
      %broadcast_in_dim3A_1752 = arith.constant 11 : i32
      %broadcast_in_dim3A_1753 = vector.broadcast %broadcast_in_dim3A_1752 : i32 to vector<16xi32>
      %gather3A_1754 = tpu.vector_load_idx %arg9[%add3A_1685, %broadcast_in_dim3A_1753] : memref<512x32xf32, #tpu.memory_space<vmem>>[vector<16xi32>, vector<16xi32>], vector<16xf32>,
      %gather3A_1755 = tpu.vector_load_idx %arg10[%add3A_1685, %broadcast_in_dim3A_1753] : memref<512x32xf32, #tpu.memory_space<vmem>>[vector<16xi32>, vector<16xi32>], vector<16xf32>,
      %mul3A_1756 = arith.mulf %gather3A_1754, %gather3A_1755 : vector<16xf32>
      %add3A_1757 = arith.addf %add3A_1751, %mul3A_1756 : vector<16xf32>
      %broadcast_in_dim3A_1758 = arith.constant 12 : i32
      %broadcast_in_dim3A_1759 = vector.broadcast %broadcast_in_dim3A_1758 : i32 to vector<16xi32>
      %gather3A_1760 = tpu.vector_load_idx %arg9[%add3A_1685, %broadcast_in_dim3A_1759] : memref<512x32xf32, #tpu.memory_space<vmem>>[vector<16xi32>, vector<16xi32>], vector<16xf32>,
      %gather3A_1761 = tpu.vector_load_idx %arg10[%add3A_1685, %broadcast_in_dim3A_1759] : memref<512x32xf32, #tpu.memory_space<vmem>>[vector<16xi32>, vector<16xi32>], vector<16xf32>,
      %mul3A_1762 = arith.mulf %gather3A_1760, %gather3A_1761 : vector<16xf32>
      %add3A_1763 = arith.addf %add3A_1757, %mul3A_1762 : vector<16xf32>
      %broadcast_in_dim3A_1764 = arith.constant 13 : i32
      %broadcast_in_dim3A_1765 = vector.broadcast %broadcast_in_dim3A_1764 : i32 to vector<16xi32>
      %gather3A_1766 = tpu.vector_load_idx %arg9[%add3A_1685, %broadcast_in_dim3A_1765] : memref<512x32xf32, #tpu.memory_space<vmem>>[vector<16xi32>, vector<16xi32>], vector<16xf32>,
      %gather3A_1767 = tpu.vector_load_idx %arg10[%add3A_1685, %broadcast_in_dim3A_1765] : memref<512x32xf32, #tpu.memory_space<vmem>>[vector<16xi32>, vector<16xi32>], vector<16xf32>,
      %mul3A_1768 = arith.mulf %gather3A_1766, %gather3A_1767 : vector<16xf32>
      %add3A_1769 = arith.addf %add3A_1763, %mul3A_1768 : vector<16xf32>
      %broadcast_in_dim3A_1770 = arith.constant 14 : i32
      %broadcast_in_dim3A_1771 = vector.broadcast %broadcast_in_dim3A_1770 : i32 to vector<16xi32>
      %gather3A_1772 = tpu.vector_load_idx %arg9[%add3A_1685, %broadcast_in_dim3A_1771] : memref<512x32xf32, #tpu.memory_space<vmem>>[vector<16xi32>, vector<16xi32>], vector<16xf32>,
      %gather3A_1773 = tpu.vector_load_idx %arg10[%add3A_1685, %broadcast_in_dim3A_1771] : memref<512x32xf32, #tpu.memory_space<vmem>>[vector<16xi32>, vector<16xi32>], vector<16xf32>,
      %mul3A_1774 = arith.mulf %gather3A_1772, %gather3A_1773 : vector<16xf32>
      %add3A_1775 = arith.addf %add3A_1769, %mul3A_1774 : vector<16xf32>
      %broadcast_in_dim3A_1776 = arith.constant 15 : i32
      %broadcast_in_dim3A_1777 = vector.broadcast %broadcast_in_dim3A_1776 : i32 to vector<16xi32>
      %gather3A_1778 = tpu.vector_load_idx %arg9[%add3A_1685, %broadcast_in_dim3A_1777] : memref<512x32xf32, #tpu.memory_space<vmem>>[vector<16xi32>, vector<16xi32>], vector<16xf32>,
      %gather3A_1779 = tpu.vector_load_idx %arg10[%add3A_1685, %broadcast_in_dim3A_1777] : memref<512x32xf32, #tpu.memory_space<vmem>>[vector<16xi32>, vector<16xi32>], vector<16xf32>,
      %mul3A_1780 = arith.mulf %gather3A_1778, %gather3A_1779 : vector<16xf32>
      %add3A_1781 = arith.addf %add3A_1775, %mul3A_1780 : vector<16xf32>
      %broadcast_in_dim3A_1782 = arith.constant 16 : i32
      %broadcast_in_dim3A_1783 = vector.broadcast %broadcast_in_dim3A_1782 : i32 to vector<16xi32>
      %gather3A_1784 = tpu.vector_load_idx %arg9[%add3A_1685, %broadcast_in_dim3A_1783] : memref<512x32xf32, #tpu.memory_space<vmem>>[vector<16xi32>, vector<16xi32>], vector<16xf32>,
      %gather3A_1785 = tpu.vector_load_idx %arg10[%add3A_1685, %broadcast_in_dim3A_1783] : memref<512x32xf32, #tpu.memory_space<vmem>>[vector<16xi32>, vector<16xi32>], vector<16xf32>,
      %mul3A_1786 = arith.mulf %gather3A_1784, %gather3A_1785 : vector<16xf32>
      %add3A_1787 = arith.addf %add3A_1781, %mul3A_1786 : vector<16xf32>
      %broadcast_in_dim3A_1788 = arith.constant 17 : i32
      %broadcast_in_dim3A_1789 = vector.broadcast %broadcast_in_dim3A_1788 : i32 to vector<16xi32>
      %gather3A_1790 = tpu.vector_load_idx %arg9[%add3A_1685, %broadcast_in_dim3A_1789] : memref<512x32xf32, #tpu.memory_space<vmem>>[vector<16xi32>, vector<16xi32>], vector<16xf32>,
      %gather3A_1791 = tpu.vector_load_idx %arg10[%add3A_1685, %broadcast_in_dim3A_1789] : memref<512x32xf32, #tpu.memory_space<vmem>>[vector<16xi32>, vector<16xi32>], vector<16xf32>,
      %mul3A_1792 = arith.mulf %gather3A_1790, %gather3A_1791 : vector<16xf32>
      %add3A_1793 = arith.addf %add3A_1787, %mul3A_1792 : vector<16xf32>
      %broadcast_in_dim3A_1794 = arith.constant 18 : i32
      %broadcast_in_dim3A_1795 = vector.broadcast %broadcast_in_dim3A_1794 : i32 to vector<16xi32>
      %gather3A_1796 = tpu.vector_load_idx %arg9[%add3A_1685, %broadcast_in_dim3A_1795] : memref<512x32xf32, #tpu.memory_space<vmem>>[vector<16xi32>, vector<16xi32>], vector<16xf32>,
      %gather3A_1797 = tpu.vector_load_idx %arg10[%add3A_1685, %broadcast_in_dim3A_1795] : memref<512x32xf32, #tpu.memory_space<vmem>>[vector<16xi32>, vector<16xi32>], vector<16xf32>,
      %mul3A_1798 = arith.mulf %gather3A_1796, %gather3A_1797 : vector<16xf32>
      %add3A_1799 = arith.addf %add3A_1793, %mul3A_1798 : vector<16xf32>
      %broadcast_in_dim3A_1800 = arith.constant 19 : i32
      %broadcast_in_dim3A_1801 = vector.broadcast %broadcast_in_dim3A_1800 : i32 to vector<16xi32>
      %gather3A_1802 = tpu.vector_load_idx %arg9[%add3A_1685, %broadcast_in_dim3A_1801] : memref<512x32xf32, #tpu.memory_space<vmem>>[vector<16xi32>, vector<16xi32>], vector<16xf32>,
      %gather3A_1803 = tpu.vector_load_idx %arg10[%add3A_1685, %broadcast_in_dim3A_1801] : memref<512x32xf32, #tpu.memory_space<vmem>>[vector<16xi32>, vector<16xi32>], vector<16xf32>,
      %mul3A_1804 = arith.mulf %gather3A_1802, %gather3A_1803 : vector<16xf32>
      %add3A_1805 = arith.addf %add3A_1799, %mul3A_1804 : vector<16xf32>
      %broadcast_in_dim3A_1806 = arith.constant 20 : i32
      %broadcast_in_dim3A_1807 = vector.broadcast %broadcast_in_dim3A_1806 : i32 to vector<16xi32>
      %gather3A_1808 = tpu.vector_load_idx %arg9[%add3A_1685, %broadcast_in_dim3A_1807] : memref<512x32xf32, #tpu.memory_space<vmem>>[vector<16xi32>, vector<16xi32>], vector<16xf32>,
      %gather3A_1809 = tpu.vector_load_idx %arg10[%add3A_1685, %broadcast_in_dim3A_1807] : memref<512x32xf32, #tpu.memory_space<vmem>>[vector<16xi32>, vector<16xi32>], vector<16xf32>,
      %mul3A_1810 = arith.mulf %gather3A_1808, %gather3A_1809 : vector<16xf32>
      %add3A_1811 = arith.addf %add3A_1805, %mul3A_1810 : vector<16xf32>
      %broadcast_in_dim3A_1812 = arith.constant 21 : i32
      %broadcast_in_dim3A_1813 = vector.broadcast %broadcast_in_dim3A_1812 : i32 to vector<16xi32>
      %gather3A_1814 = tpu.vector_load_idx %arg9[%add3A_1685, %broadcast_in_dim3A_1813] : memref<512x32xf32, #tpu.memory_space<vmem>>[vector<16xi32>, vector<16xi32>], vector<16xf32>,
      %gather3A_1815 = tpu.vector_load_idx %arg10[%add3A_1685, %broadcast_in_dim3A_1813] : memref<512x32xf32, #tpu.memory_space<vmem>>[vector<16xi32>, vector<16xi32>], vector<16xf32>,
      %mul3A_1816 = arith.mulf %gather3A_1814, %gather3A_1815 : vector<16xf32>
      %add3A_1817 = arith.addf %add3A_1811, %mul3A_1816 : vector<16xf32>
      %broadcast_in_dim3A_1818 = arith.constant 22 : i32
      %broadcast_in_dim3A_1819 = vector.broadcast %broadcast_in_dim3A_1818 : i32 to vector<16xi32>
      %gather3A_1820 = tpu.vector_load_idx %arg9[%add3A_1685, %broadcast_in_dim3A_1819] : memref<512x32xf32, #tpu.memory_space<vmem>>[vector<16xi32>, vector<16xi32>], vector<16xf32>,
      %gather3A_1821 = tpu.vector_load_idx %arg10[%add3A_1685, %broadcast_in_dim3A_1819] : memref<512x32xf32, #tpu.memory_space<vmem>>[vector<16xi32>, vector<16xi32>], vector<16xf32>,
      %mul3A_1822 = arith.mulf %gather3A_1820, %gather3A_1821 : vector<16xf32>
      %add3A_1823 = arith.addf %add3A_1817, %mul3A_1822 : vector<16xf32>
      %broadcast_in_dim3A_1824 = arith.constant 23 : i32
      %broadcast_in_dim3A_1825 = vector.broadcast %broadcast_in_dim3A_1824 : i32 to vector<16xi32>
      %gather3A_1826 = tpu.vector_load_idx %arg9[%add3A_1685, %broadcast_in_dim3A_1825] : memref<512x32xf32, #tpu.memory_space<vmem>>[vector<16xi32>, vector<16xi32>], vector<16xf32>,
      %gather3A_1827 = tpu.vector_load_idx %arg10[%add3A_1685, %broadcast_in_dim3A_1825] : memref<512x32xf32, #tpu.memory_space<vmem>>[vector<16xi32>, vector<16xi32>], vector<16xf32>,
      %mul3A_1828 = arith.mulf %gather3A_1826, %gather3A_1827 : vector<16xf32>
      %add3A_1829 = arith.addf %add3A_1823, %mul3A_1828 : vector<16xf32>
      %broadcast_in_dim3A_1830 = arith.constant 24 : i32
      %broadcast_in_dim3A_1831 = vector.broadcast %broadcast_in_dim3A_1830 : i32 to vector<16xi32>
      %gather3A_1832 = tpu.vector_load_idx %arg9[%add3A_1685, %broadcast_in_dim3A_1831] : memref<512x32xf32, #tpu.memory_space<vmem>>[vector<16xi32>, vector<16xi32>], vector<16xf32>,
      %gather3A_1833 = tpu.vector_load_idx %arg10[%add3A_1685, %broadcast_in_dim3A_1831] : memref<512x32xf32, #tpu.memory_space<vmem>>[vector<16xi32>, vector<16xi32>], vector<16xf32>,
      %mul3A_1834 = arith.mulf %gather3A_1832, %gather3A_1833 : vector<16xf32>
      %add3A_1835 = arith.addf %add3A_1829, %mul3A_1834 : vector<16xf32>
      %broadcast_in_dim3A_1836 = arith.constant 25 : i32
      %broadcast_in_dim3A_1837 = vector.broadcast %broadcast_in_dim3A_1836 : i32 to vector<16xi32>
      %gather3A_1838 = tpu.vector_load_idx %arg9[%add3A_1685, %broadcast_in_dim3A_1837] : memref<512x32xf32, #tpu.memory_space<vmem>>[vector<16xi32>, vector<16xi32>], vector<16xf32>,
      %gather3A_1839 = tpu.vector_load_idx %arg10[%add3A_1685, %broadcast_in_dim3A_1837] : memref<512x32xf32, #tpu.memory_space<vmem>>[vector<16xi32>, vector<16xi32>], vector<16xf32>,
      %mul3A_1840 = arith.mulf %gather3A_1838, %gather3A_1839 : vector<16xf32>
      %add3A_1841 = arith.addf %add3A_1835, %mul3A_1840 : vector<16xf32>
      %broadcast_in_dim3A_1842 = arith.constant 26 : i32
      %broadcast_in_dim3A_1843 = vector.broadcast %broadcast_in_dim3A_1842 : i32 to vector<16xi32>
      %gather3A_1844 = tpu.vector_load_idx %arg9[%add3A_1685, %broadcast_in_dim3A_1843] : memref<512x32xf32, #tpu.memory_space<vmem>>[vector<16xi32>, vector<16xi32>], vector<16xf32>,
      %gather3A_1845 = tpu.vector_load_idx %arg10[%add3A_1685, %broadcast_in_dim3A_1843] : memref<512x32xf32, #tpu.memory_space<vmem>>[vector<16xi32>, vector<16xi32>], vector<16xf32>,
      %mul3A_1846 = arith.mulf %gather3A_1844, %gather3A_1845 : vector<16xf32>
      %add3A_1847 = arith.addf %add3A_1841, %mul3A_1846 : vector<16xf32>
      %broadcast_in_dim3A_1848 = arith.constant 27 : i32
      %broadcast_in_dim3A_1849 = vector.broadcast %broadcast_in_dim3A_1848 : i32 to vector<16xi32>
      %gather3A_1850 = tpu.vector_load_idx %arg9[%add3A_1685, %broadcast_in_dim3A_1849] : memref<512x32xf32, #tpu.memory_space<vmem>>[vector<16xi32>, vector<16xi32>], vector<16xf32>,
      %gather3A_1851 = tpu.vector_load_idx %arg10[%add3A_1685, %broadcast_in_dim3A_1849] : memref<512x32xf32, #tpu.memory_space<vmem>>[vector<16xi32>, vector<16xi32>], vector<16xf32>,
      %mul3A_1852 = arith.mulf %gather3A_1850, %gather3A_1851 : vector<16xf32>
      %add3A_1853 = arith.addf %add3A_1847, %mul3A_1852 : vector<16xf32>
      %broadcast_in_dim3A_1854 = arith.constant 28 : i32
      %broadcast_in_dim3A_1855 = vector.broadcast %broadcast_in_dim3A_1854 : i32 to vector<16xi32>
      %gather3A_1856 = tpu.vector_load_idx %arg9[%add3A_1685, %broadcast_in_dim3A_1855] : memref<512x32xf32, #tpu.memory_space<vmem>>[vector<16xi32>, vector<16xi32>], vector<16xf32>,
      %gather3A_1857 = tpu.vector_load_idx %arg10[%add3A_1685, %broadcast_in_dim3A_1855] : memref<512x32xf32, #tpu.memory_space<vmem>>[vector<16xi32>, vector<16xi32>], vector<16xf32>,
      %mul3A_1858 = arith.mulf %gather3A_1856, %gather3A_1857 : vector<16xf32>
      %add3A_1859 = arith.addf %add3A_1853, %mul3A_1858 : vector<16xf32>
      %broadcast_in_dim3A_1860 = arith.constant 29 : i32
      %broadcast_in_dim3A_1861 = vector.broadcast %broadcast_in_dim3A_1860 : i32 to vector<16xi32>
      %gather3A_1862 = tpu.vector_load_idx %arg9[%add3A_1685, %broadcast_in_dim3A_1861] : memref<512x32xf32, #tpu.memory_space<vmem>>[vector<16xi32>, vector<16xi32>], vector<16xf32>,
      %gather3A_1863 = tpu.vector_load_idx %arg10[%add3A_1685, %broadcast_in_dim3A_1861] : memref<512x32xf32, #tpu.memory_space<vmem>>[vector<16xi32>, vector<16xi32>], vector<16xf32>,
      %mul3A_1864 = arith.mulf %gather3A_1862, %gather3A_1863 : vector<16xf32>
      %add3A_1865 = arith.addf %add3A_1859, %mul3A_1864 : vector<16xf32>
      %broadcast_in_dim3A_1866 = arith.constant 30 : i32
      %broadcast_in_dim3A_1867 = vector.broadcast %broadcast_in_dim3A_1866 : i32 to vector<16xi32>
      %gather3A_1868 = tpu.vector_load_idx %arg9[%add3A_1685, %broadcast_in_dim3A_1867] : memref<512x32xf32, #tpu.memory_space<vmem>>[vector<16xi32>, vector<16xi32>], vector<16xf32>,
      %gather3A_1869 = tpu.vector_load_idx %arg10[%add3A_1685, %broadcast_in_dim3A_1867] : memref<512x32xf32, #tpu.memory_space<vmem>>[vector<16xi32>, vector<16xi32>], vector<16xf32>,
      %mul3A_1870 = arith.mulf %gather3A_1868, %gather3A_1869 : vector<16xf32>
      %add3A_1871 = arith.addf %add3A_1865, %mul3A_1870 : vector<16xf32>
      %broadcast_in_dim3A_1872 = arith.constant 31 : i32
      %broadcast_in_dim3A_1873 = vector.broadcast %broadcast_in_dim3A_1872 : i32 to vector<16xi32>
      %gather3A_1874 = tpu.vector_load_idx %arg9[%add3A_1685, %broadcast_in_dim3A_1873] : memref<512x32xf32, #tpu.memory_space<vmem>>[vector<16xi32>, vector<16xi32>], vector<16xf32>,
      %gather3A_1875 = tpu.vector_load_idx %arg10[%add3A_1685, %broadcast_in_dim3A_1873] : memref<512x32xf32, #tpu.memory_space<vmem>>[vector<16xi32>, vector<16xi32>], vector<16xf32>,
      %mul3A_1876 = arith.mulf %gather3A_1874, %gather3A_1875 : vector<16xf32>
      %add3A_1877 = arith.addf %add3A_1871, %mul3A_1876 : vector<16xf32>
      %neg3A = arith.constant 0.000000e+00 : f32
      %neg3A_1878 = vector.broadcast %neg3A : f32 to vector<16xf32>
      %neg3A_1879 = arith.subf %neg3A_1878, %add3A_1877 : vector<16xf32>
      %exp3A = math.exp %neg3A_1879 : vector<16xf32>
      %add3A_1880 = arith.constant 1.000000e+00 : f32
      %add3A_1881 = vector.broadcast %add3A_1880 : f32 to vector<16xf32>
      %add3A_1882 = arith.addf %add3A_1881, %exp3A : vector<16xf32>
      %div3A = arith.constant 1.000000e+00 : f32
      %div3A_1883 = vector.broadcast %div3A : f32 to vector<16xf32>
      %div3A_1884 = arith.divf %div3A_1883, %add3A_1882 : vector<16xf32>
      %mul3A_1885 = arith.constant 16 : i32
      %mul3A_1886 = arith.muli %scan3A_1680, %mul3A_1885 : i32
      %swap3A_1887 = arith.index_cast %mul3A_1886 : i32 to index
      %swap3A_1888 = tpu.vector_load %arg11[%swap3A_1887] {strides = array<i32>} : memref<512xf32, #tpu.memory_space<vmem>>, vector<16xf32>,
      tpu.vector_store %arg11[%swap3A_1887], %div3A_1884 {strides = array<i32>} : memref<512xf32, #tpu.memory_space<vmem>>, vector<16xf32>,
      %scan3A_1889 = arith.constant 0 : i32
      scf.yield %scan3A_1889 : i32
    }
    %scan3A_1679 = arith.constant 32 : i32
    "tpu.region"() ({
      %run_scoped3A = tpu.sem_alloc : memref<!tpu.dma_semaphore, #tpu.memory_space<semaphore_mem>>
      %dma_start3A_1680 = tpu.memref_slice %arg5[%mul3A_2] : memref<16384xf32, #tpu.memory_space<hbm>> -> memref<512xf32, #tpu.memory_space<hbm>>
      %dma_start3A_1681 = tpu.memref_slice %arg5[%mul3A_2] : memref<16384xf32, #tpu.memory_space<hbm>> -> memref<512xf32, #tpu.memory_space<hbm>>
      tpu.enqueue_dma source(%arg11 : memref<512xf32, #tpu.memory_space<vmem>>) target(%dma_start3A_1681 : memref<512xf32, #tpu.memory_space<hbm>>) target_semaphore(%run_scoped3A : memref<!tpu.dma_semaphore, #tpu.memory_space<semaphore_mem>>)
      %dma_wait3A_1682 = tpu.memref_slice %arg5[%mul3A_2] : memref<16384xf32, #tpu.memory_space<hbm>> -> memref<512xf32, #tpu.memory_space<hbm>>
      %dma_wait3A_1683 = tpu.memref_slice %arg5[%mul3A_2] : memref<16384xf32, #tpu.memory_space<hbm>> -> memref<512xf32, #tpu.memory_space<hbm>>
      tpu.wait_dma2 semaphore(%run_scoped3A : memref<!tpu.dma_semaphore, #tpu.memory_space<semaphore_mem>>) src(%arg11 : memref<512xf32, #tpu.memory_space<vmem>>) dst(%dma_wait3A_1683 : memref<512xf32, #tpu.memory_space<hbm>>)
      tpu.yield
    }) : () -> ()
    return
  }
}

module attributes {stable_mosaic.version = 14 : i64} {
  func.func @_relayout_body(%arg0: i32, %arg1: memref<32x32768xf32, #tpu.memory_space<vmem>>, %arg2: memref<32x32768xf32, #tpu.memory_space<vmem>>, %arg3: memref<8192x128xf32, #tpu.memory_space<vmem>>, %arg4: memref<8192x128xf32, #tpu.memory_space<vmem>>) attributes {dimension_semantics = [#tpu.dimension_semantics<arbitrary>], iteration_bounds = array<i64: 31>, scalar_prefetch = 0 : i64, scratch_operands = 0 : i64, tpu.core_type = #tpu.core_type<tc>, window_params = [{transform_indices = @transform_0, window_bounds = array<i64: 32, 32768>}, {transform_indices = @transform_1, window_bounds = array<i64: 32, 32768>}, {transform_indices = @transform_2, window_bounds = array<i64: 8192, 128>}, {transform_indices = @transform_3, window_bounds = array<i64: 8192, 128>}]} {
    %get3A = arith.constant 0 : index
    %get3A_0 = arith.constant 0 : index
    %get3A_1 = vector.load %arg1[%get3A, %get3A_0] : memref<32x32768xf32, #tpu.memory_space<vmem>>, vector<32x32768xf32>
    %slice3A = vector.extract_strided_slice %get3A_1 {offsets = [0, 0], sizes = [32, 8192], strides = [1, 1]} : vector<32x32768xf32> to vector<32x8192xf32>
    %slice3A_2 = vector.extract_strided_slice %get3A_1 {offsets = [0, 8192], sizes = [32, 8192], strides = [1, 1]} : vector<32x32768xf32> to vector<32x8192xf32>
    %slice3A_3 = vector.extract_strided_slice %get3A_1 {offsets = [0, 16384], sizes = [32, 8192], strides = [1, 1]} : vector<32x32768xf32> to vector<32x8192xf32>
    %slice3A_4 = vector.extract_strided_slice %get3A_1 {offsets = [0, 24576], sizes = [32, 8192], strides = [1, 1]} : vector<32x32768xf32> to vector<32x8192xf32>
    %concatenate3A = tpu.concatenate %slice3A, %slice3A_2, %slice3A_3, %slice3A_4 in 0 : vector<32x8192xf32>, vector<32x8192xf32>, vector<32x8192xf32>, vector<32x8192xf32> -> vector<128x8192xf32>
    %transpose3A = tpu.transpose %concatenate3A, [1, 0] : vector<128x8192xf32> -> vector<8192x128xf32>
    %swap3A = arith.constant 0 : index
    %swap3A_5 = arith.constant 0 : index
    %swap3A_6 = vector.load %arg3[%swap3A, %swap3A_5] : memref<8192x128xf32, #tpu.memory_space<vmem>>, vector<8192x128xf32>
    tpu.vector_store %arg3[%swap3A, %swap3A_5], %transpose3A {strides = array<i32>} : memref<8192x128xf32, #tpu.memory_space<vmem>>, vector<8192x128xf32>,
    %get3A_7 = arith.constant 0 : index
    %get3A_8 = arith.constant 0 : index
    %get3A_9 = vector.load %arg2[%get3A_7, %get3A_8] : memref<32x32768xf32, #tpu.memory_space<vmem>>, vector<32x32768xf32>
    %slice3A_10 = vector.extract_strided_slice %get3A_9 {offsets = [0, 0], sizes = [32, 8192], strides = [1, 1]} : vector<32x32768xf32> to vector<32x8192xf32>
    %slice3A_11 = vector.extract_strided_slice %get3A_9 {offsets = [0, 8192], sizes = [32, 8192], strides = [1, 1]} : vector<32x32768xf32> to vector<32x8192xf32>
    %slice3A_12 = vector.extract_strided_slice %get3A_9 {offsets = [0, 16384], sizes = [32, 8192], strides = [1, 1]} : vector<32x32768xf32> to vector<32x8192xf32>
    %slice3A_13 = vector.extract_strided_slice %get3A_9 {offsets = [0, 24576], sizes = [32, 8192], strides = [1, 1]} : vector<32x32768xf32> to vector<32x8192xf32>
    %concatenate3A_14 = tpu.concatenate %slice3A_10, %slice3A_11, %slice3A_12, %slice3A_13 in 0 : vector<32x8192xf32>, vector<32x8192xf32>, vector<32x8192xf32>, vector<32x8192xf32> -> vector<128x8192xf32>
    %transpose3A_15 = tpu.transpose %concatenate3A_14, [1, 0] : vector<128x8192xf32> -> vector<8192x128xf32>
    %swap3A_16 = arith.constant 0 : index
    %swap3A_17 = arith.constant 0 : index
    %swap3A_18 = vector.load %arg4[%swap3A_16, %swap3A_17] : memref<8192x128xf32, #tpu.memory_space<vmem>>, vector<8192x128xf32>
    tpu.vector_store %arg4[%swap3A_16, %swap3A_17], %transpose3A_15 {strides = array<i32>} : memref<8192x128xf32, #tpu.memory_space<vmem>>, vector<8192x128xf32>,
    return
  }
  func.func @transform_0(%arg0: i32) -> (i32, i32) {
    %c0_i32 = arith.constant 0 : i32
    %c0_i32_0 = arith.constant 0 : i32
    return %c0_i32, %arg0 : i32, i32
  }
  func.func @transform_1(%arg0: i32) -> (i32, i32) {
    %c0_i32 = arith.constant 0 : i32
    %c0_i32_0 = arith.constant 0 : i32
    return %c0_i32, %arg0 : i32, i32
  }
  func.func @transform_2(%arg0: i32) -> (i32, i32) {
    %c0_i32 = arith.constant 0 : i32
    %c0_i32_0 = arith.constant 0 : i32
    return %arg0, %c0_i32 : i32, i32
  }
  func.func @transform_3(%arg0: i32) -> (i32, i32) {
    %c0_i32 = arith.constant 0 : i32
    %c0_i32_0 = arith.constant 0 : i32
    return %arg0, %c0_i32 : i32, i32
  }
}

</mosaic_0001>

<sc_bundles>
// kernel: _run.4.cloned.1.call-start
scs
__scs_entry_jumppad:
0x0: {  	(pc) =	sbr.rel $0x88, $3  }
0x1: {  	(tag) =	ssettag $0x0;
	lr =	simm.s32 $0x1  }
0x2: {  	[smem:$0x3F9E] =	sst lr;
	_ =	strace $0xD0000000  }
0x3: {  	_ = 	snop  }
0x4: {  	_ = 	snop  }
0x5: {  	_ = 	snop  }
0x6: {  	_ = 	snop  }
0x7: {  	_ = 	snop  }
__scs_overlays_trampoline_lowered:
0x8: {  	[smem:$0x3FAD] =	sst s0  }
0x9: {  	[smem:$0x3FAE] =	sst s1  }
0xa: {  	[smem:$0x3FAF] =	sst s2  }
0xb: {  	[smem:$0x3FB0] =	sst s3  }
0xc: {  	[smem:$0x3FB1] =	sst s4  }
0xd: {  	[smem:$0x3FB2] =	sst s5  }
0xe: {  	[smem:$0x3FB3] =	sst s6  }
0xf: {  	[smem:$0x3FB4] =	sst s7  }
0x10: {  	[smem:$0x3FB5] =	sst s8  }
0x11: {  	[smem:$0x3FB6] =	sst s9;
	s0 =	simm.s32 @!p0 $0x0  }
0x12: {  	s1 =	sld [smem:$0x3F9C];
	s0 =	simm.s32 @p0 $0x1  }
0x13: {  	[smem:$0x3FB7] =	sst s0;
	s0 =	simm.s32 @!p1 $0x0  }
0x14: {  	s2 =	sld [smem:$0x3F9B];
	s0 =	simm.s32 @p1 $0x1  }
0x15: {  	[smem:$0x3FB8] =	sst s0;
	s0 =	simm.s32 @!p2 $0x0  }
0x16: {  	s3 =	sld [smem:$0x3FDB];
	s0 =	simm.s32 @p2 $0x1  }
0x17: {  	s4 =	simm.s32 $0x1BF5;
	[smem:$0x3FBA] =	sst s0  }
0x18: {  	s0 =	sld [smem:$0x3F9D];
	_ =	swait.ge [sflag:s4], $0x0  }
0x19: {  	s7 =	sld [smem:$0x3F9E]  }
0x1a: {  	s8 =	sadd.s32 $0xFFFFE003, lr  }
0x1b: {  	s9 =	sadd.s32 $0xFFFFFEF7, lr;
	s5 =	simm.s32 $0xFFFFFFFF;
	p2 =	slt.u32 s8, $0xFFFFF086  }
0x1c: {  	p1 =	slt.u32 s9, $0xF7A;
	s5 =	simm.s32 @!p2 $0x0  }
0x1d: {  	s5 =	simm.s32 @p1 $0x1;
	p0 =	seq.s32 s7, s2  }
0x1e: {  	s7 =	smul.u32 @!p0 $0xF7A, s2;
	p2 =	seq.s32 @!p0 s5, $0x0  }
0x1f: {  	s9 =	smul.u32 $0xF7A, s1;
	s8 =	simm.s32 @!p0 $0x1BF5;
	p2 =	por !p2, p0  }
0x20: {  	[sflag:s8] =	ssyncset.s32 @!p0 $0xFFFFF086;
	s6 =	sadd.s32 @!p0 s3, s7;
	s7 =	simm.s32 @!p0 $0x108  }
0x21: {  	s3 =	sadd.s32 s3, s9;
	s6 =	sadd.s32 @!p0 $0x88, s6;
	s7 =	simm.s32 @p2 $0x1082  }
0x22: {  	[simem:s7], [sflag:s8] =	dma.local @!p0 [hbm:s6], $0xF7A  }
0x23: {  	s9 =	sor.u32 $0xD0000000, s2;
	s6 =	simm.s32 $0x108;
	_ =	swait.ge @!p0 [sflag:s8], $0x0  }
0x24: {  	s3 =	sadd.s32 $0x88, s3;
	s6 =	simm.s32 @!p1 $0x1082;
	[sflag:s4] =	ssyncset.s32 $0xFFFFF086  }
0x25: {  	[simem:s6], [sflag:s4] =	dma.local [hbm:s3], $0xF7A  }
0x26: {  	[smem:$0x3F9E] =	sst s1;
	(tag) =	ssettag s2;
	_ =	strace s9  }
0x27: {  	s1 =	sld [smem:$0x3FAE]  }
0x28: {  	s2 =	sld [smem:$0x3FAF]  }
0x29: {  	s4 =	sld [smem:$0x3FB1]  }
0x2a: {  	p0 =	seq.s32 s5, $0x0;
	s5 =	sld [smem:$0x3FB2]  }
0x2b: {  	s6 =	sld [smem:$0x3FB3]  }
0x2c: {  	s7 =	sld [smem:$0x3FB4]  }
0x2d: {  	s3 =	simm.s32 $0x108;
	s8 =	sld [smem:$0x3FB5]  }
0x2e: {  	s3 =	simm.s32 @!p0 $0x1082;
	s9 =	sld [smem:$0x3FB6]  }
0x2f: {  	lr =	sadd.s32 s0, s3;
	s0 =	sld [smem:$0x3FAD]  }
0x30: {  	s3 =	sld [smem:$0x3FB0]  }
0x31: {  	[smem:$0x3FB9] =	sst s10  }
0x32: {  	s10 =	sld [smem:$0x3FB7];
	_ =	sdelay $0x3  }
0x33: {  	p0 =	seq.s32 s10, $0x1;
	s10 =	sld [smem:$0x3FB9];
	_ =	sdelay $0x3  }
0x34: {  	[smem:$0x3FB9] =	sst s10  }
0x35: {  	s10 =	sld [smem:$0x3FB8];
	_ =	sdelay $0x3  }
0x36: {  	p1 =	seq.s32 s10, $0x1;
	s10 =	sld [smem:$0x3FB9];
	_ =	sdelay $0x3  }
0x37: {  	[smem:$0x3FB9] =	sst s10  }
0x38: {  	s10 =	sld [smem:$0x3FBA]  }
0x39: {  	_ = 	snop;
	(pc) =	sbr.ind lr, $3  }
0x3a: {  	_ = 	snop  }
0x3b: {  	_ = 	snop  }
0x3c: {  	p2 =	seq.s32 s10, $0x1;
	s10 =	sld [smem:$0x3FB9]  }
0x3d: {  	_ =	shalt  }
0x3e: {  	_ =	shalt  }
0x3f: {  	_ =	shalt  }
0x40: {  	_ =	shalt  }
0x41: {  	_ =	shalt  }
0x42: {  	_ =	shalt  }
0x43: {  	_ =	shalt  }
0x44: {  	_ =	shalt  }
0x45: {  	_ =	shalt  }
0x46: {  	_ =	shalt  }
0x47: {  	_ =	shalt  }
0x48: {  	_ =	shalt  }
0x49: {  	_ =	shalt  }
0x4a: {  	_ =	shalt  }
0x4b: {  	_ =	shalt  }
0x4c: {  	_ =	shalt  }
0x4d: {  	_ =	shalt  }
0x4e: {  	_ =	shalt  }
0x4f: {  	_ =	shalt  }
0x50: {  	_ =	shalt  }
0x51: {  	_ =	shalt  }
0x52: {  	_ =	shalt  }
0x53: {  	_ =	shalt  }
0x54: {  	_ =	shalt  }
0x55: {  	_ =	shalt  }
0x56: {  	_ =	shalt  }
0x57: {  	_ =	shalt  }
0x58: {  	_ =	shalt  }
0x59: {  	_ =	shalt  }
0x5a: {  	_ =	shalt  }
0x5b: {  	_ =	shalt  }
0x5c: {  	_ =	shalt  }
0x5d: {  	_ =	shalt  }
0x5e: {  	_ =	shalt  }
0x5f: {  	_ =	shalt  }
0x60: {  	_ =	shalt  }
0x61: {  	_ =	shalt  }
0x62: {  	_ =	shalt  }
0x63: {  	_ =	shalt  }
0x64: {  	_ =	shalt  }
0x65: {  	_ =	shalt  }
0x66: {  	_ =	shalt  }
0x67: {  	_ =	shalt  }
0x68: {  	_ =	shalt  }
0x69: {  	_ =	shalt  }
0x6a: {  	_ =	shalt  }
0x6b: {  	_ =	shalt  }
0x6c: {  	_ =	shalt  }
0x6d: {  	_ =	shalt  }
0x6e: {  	_ =	shalt  }
0x6f: {  	_ =	shalt  }
0x70: {  	_ =	shalt  }
0x71: {  	_ =	shalt  }
0x72: {  	_ =	shalt  }
0x73: {  	_ =	shalt  }
0x74: {  	_ =	shalt  }
0x75: {  	_ =	shalt  }
0x76: {  	_ =	shalt  }
0x77: {  	_ =	shalt  }
0x78: {  	_ =	shalt  }
0x79: {  	_ =	shalt  }
0x7a: {  	_ =	shalt  }
0x7b: {  	_ =	shalt  }
0x7c: {  	_ =	shalt  }
0x7d: {  	_ =	shalt  }
0x7e: {  	_ =	shalt  }
0x7f: {  	_ =	shalt  }
0x80: {  	_ =	shalt  }
0x81: {  	_ =	shalt  }
0x82: {  	_ =	shalt  }
0x83: {  	_ =	shalt  }
0x84: {  	_ =	shalt  }
0x85: {  	_ =	shalt  }
0x86: {  	_ =	shalt  }
0x87: {  	_ =	shalt  }
.Lfunc_end0:
.L_simem_size_0:
called_computation_lowered:
.L_overlay_start_0:
0x88: {  	s2 =	sld [smem:$0x3FD9]  }
0x89: {  	s3 =	sld [smem:$0x3FFE];
	_ =	sdelay $0x1  }
0x8a: {  	s1 =	srdreg.scid  }
0x8b: {  	s0 =	sand.u32 $0x1, s1  }
0x8c: {  	s17 =	sshll.u32 s0, $0xA;
	s2 =	sadd.s32 s3, s2  }
0x8d: {  	s2 =	sadd.s32 s2, s17  }
0x8e: {  	[smem:$0x3FC5] =	sst s2  }
0x8f: {  	_ = 	snop  }
0x90: {  	s2 =	sld [smem:$0x3FC9]  }
0x91: {  	s18 =	sld [smem:$0x3FD0];
	(tm) =	ssettm $0x1  }
0x92: {  	s4 =	sld [smem:$0x3FFB];
	_ =	sdelay $0x3  }
0x93: {  	_ =	strace s4  }
0x94: {  	s4 =	sld [smem:$0x3FFC];
	_ =	sdelay $0x3  }
0x95: {  	_ =	strace s4  }
0x96: {  	s4 =	sld [smem:$0x3FFD];
	_ =	sdelay $0x3  }
0x97: {  	_ =	strace s4  }
0x98: {  	_ =	strace $0x8FFFFFFF  }
0x99: {  	s19 =	sld [smem:$0x3FDB];
	_ =	sdelay $0x1  }
0x9a: {  	s5 =	simm.s32 $_scs_section_size  }
0x9b: {  	s6 =	simm.s32 $_size__tile_overlayer_lowered;
	s7 =	simm.s32 $_tile_overlayer_lowered  }
0x9c: {  	s22 =	simm.s32 $0x1BFF;
	s21 =	sshll.u32 s7, $0x1;
	s4 =	sadd.s32 s5, s19  }
0x9d: {  	s8 =	simm.s32 $0x0;
	s20 =	sshll.u32 s6, $0x1;
	s6 =	sadd.s32 s21, s4  }
0x9e: {  	[timem:s8], [sflag:s22] =	dma.local [hbm:s6], s20  }
0x9f: {  	_ =	swait.ge [sflag:s22], s20  }
0xa0: {  	s5 =	ssub.s32 $0x0, s20;
	[sflag:s22] =	ssyncset.done $0x0  }
0xa1: {  	[sflag:s22] =	ssyncadd.s32 s5;
	_ =	sdelay $0x1  }
0xa2: {  	s23 =	simm.s32 $0x1B8B  }
0xa3: {  	_ =	swait.ge [sflag:s23], $0x1  }
0xa4: {  	[sflag:s23] =	ssyncset.done $0x0  }
0xa5: {  	s25 =	simm.s32 $0x1B8E;
	s24 =	sld [smem:$0x3FFE];
	[sflag:s23] =	ssyncadd.s32 $0xFFFFFFFF  }
0xa6: {  	s26 =	simm.s32 $execute0_lowered;
	[smem:$0x3FD2] =	sst s25  }
0xa7: {  	s6 =	sshll.u32 s26, $0x1;
	_ =	strace $0x80000046;
	[dreg:$0x1] =	wrdreg $0xFFFFFFFF  }
0xa8: {  	s28 =	simm.s32 $_size_execute0_lowered;
	s4 =	sadd.s32 s4, s6;
	[dreg:$0x0] =	wrdreg $0x0  }
0xa9: {  	s6 =	sshll.u32 s28, $0x1;
	[dreg:$0x2] =	wrdreg s4  }
0xaa: {  	[dreg:$0x3] =	wrdreg s6  }
0xab: {  	[dreg:$0x4] =	wrdreg $0xC0  }
0xac: {  	_ =	task [dreg:s8], $0x5FFFF  }
0xad: {  	[dreg:$0x1] =	wrdreg $0xFFFFFFFF  }
0xae: {  	[dreg:$0x0] =	wrdreg $0x60  }
0xaf: {  	[dreg:$0x2] =	wrdreg s2  }
0xb0: {  	[dreg:$0x3] =	wrdreg s24  }
0xb1: {  	[dreg:$0x4] =	wrdreg s18  }
0xb2: {  	[dreg:$0x5] =	wrdreg $0x9  }
0xb3: {  	_ =	task.clear_ibuf [dreg:s8], $0x6FFFF;
	_ =	strace $0x90000046  }
0xb4: {  	s29 =	simm.s32 $0x9;
	_ =	strace $0x80000048  }
0xb5: {  	_ =	swait.ge [sflag:s29], $0x1  }
0xb6: {  	[sflag:s29] =	ssyncadd.s32 $0xFFFFFFFF  }
0xb7: {  	_ =	strace $0x90000048  }
0xb8: {  	_ =	sfence  }
0xb9: {  	s30 =	sld [smem:$0x0];
	_ =	sdelay $0x2  }
0xba: {  	s31 =	sshll.u32 s1, $0xD;
	s1 =	sshrl.u32 s1, $0x2  }
0xbb: {  	s3 =	sand.u32 $0x4000, s31;
	s1 =	sadd.s32 s1, s30  }
0xbc: {  	s0 =	sor.u32 s3, s0;
	s1 =	sshll.u32 s1, $0x11  }
0xbd: {  	s0 =	sor.u32 s1, s0  }
0xbe: {  	s0 =	sadd.s32 $0x8F2B, s0  }
0xbf: {  	[sflag:s0] =	ssyncadd.remote.s32 $0x1  }
0xc0: {  	_ =	sfence.sel $0xFFFF  }
0xc1: {  	[dreg:$0x0] =	wrdreg $0xFFFFFFFF;
	(pc) =	sbr.abs _section_cstart, $3  }
0xc2: {  	[dreg:$0x1] =	wrdreg $0xFFFFFFFF  }
0xc3: {  	_ =	task.clear_ibuf [dreg:s8], $0x2FFFF;
	_ =	strace $0x9FFFFFFF  }
0xc4: {  	(tm) =	ssettm $0x7FFFFFFF  }
0xc5: {  	_ =	shalt  }
tec
execute0_lowered:
.L_overlay_start_1:
0x0: {  	(tag) =	ssettag $0x1  }
0x1: {  	s5 =	rddreg [dreg:$0x0]  }
0x2: {  	s4 =	rddreg [dreg:$0x1]  }
0x3: {  	s6 =	rddreg [dreg:$0x2]  }
0x4: {  	s0 =	rddreg [dreg:$0x3];
	s2 =	simm.s32 $0x0  }
0x5: {  	s3 =	srdreg.scid;
	s1 =	stileid.u32;
	s11 =	simm.s32 $0x800  }
0x6: {  	s12 =	simm.s32 $0x600;
	s13 =	simm.s32 $0x4800;
	s14 =	simm.s32 $0x1  }
0x7: {  	s15 =	simm.s32 $0x2;
	s16 =	simm.s32 $0x8800;
	s17 =	simm.s32 $0x0  }
0x8: {  	[smem:$0x7FF] =	sst s2;
	s7 =	sand.u32 $0x1, s3;
	s8 =	sshll.u32 s1, $0x1  }
0x9: {  	s3 =	sadd.s32 $0x600, s4;
	s4 =	sadd.s32 $0x3E0600, s4;
	s9 =	ssub.s32 $0x2, s7  }
0xa: {  	_ =	strace $0x80000047;
	s7 =	sor.u32 s7, s8;
	s31 =	sshrl.u32 s9, $0x1  }
0xb: {  	v0 =	vlaneseq.u32;
	s10 =	sshll.u32 s7, $0x7;
	s7 =	sshll.u32 s7, $0x6;
	s8 =	ssub.s32 s9, s31  }
0xc: {  	v0 =	vmul.u32 $0x20, v0;
	s5 =	sadd.s32 s5, s10;
	s6 =	sadd.s32 s6, s7;
	s9 =	simm.s32 $0x200  }
0xd: {  	s10 =	simm.s32 $0x400;
	s7 =	smax.u32 s8, $0x1;
	s8 =	simm.s32 $0x3  }
.LBB2_1:
0xe: {  	[tilespmem:s2], [sflag:$0x3] =	stream.linear.gather [hbm4b:s5+s2], $0x400, $0x38;
	[tilespmem:$0x8A00] =	vst v63  }
0xf: {  	_ =	swait.ge [sflag:s8], $0x400  }
0x10: {  	[sflag:s8] =	ssyncset.done $0x0  }
0x11: {  	[sflag:s8] =	ssyncadd.s32 $0xFFFFFC00  }
0x12: {  	v1 =	vld [tilespmem:$0x0]  }
0x13: {  	v2 =	vld [tilespmem:$0x80]  }
0x14: {  	v4 =	vld [tilespmem:$0x10]  }
0x15: {  	v6 =	vld [tilespmem:$0x90]  }
0x16: {  	v8 =	vld [tilespmem:$0x20]  }
0x17: {  	v36 =	vld [tilespmem:$0xA0]  }
0x18: {  	v9 =	vld [tilespmem:$0x30]  }
0x19: {  	v40 =	vld [tilespmem:$0xB0];
	v3 =	vshll.u32 v1, $0x2;
	v5 =	vand.u32 $0xFFFF8000, v1;
	v1 =	vshrl.u32 v1, $0xD  }
0x1a: {  	v11 =	vld [tilespmem:$0x40];
	v32 =	vshll.u32 v2, $0x2;
	v7 =	vand.u32 $0xFFFF8000, v2;
	v2 =	vshrl.u32 v2, $0xD  }
0x1b: {  	v12 =	vld [tilespmem:$0xC0];
	v34 =	vand.u32 $0xFFFF8000, v4;
	v35 =	vshll.u32 v6, $0x2;
	v37 =	vand.u32 $0xFFFF8000, v6  }
0x1c: {  	v47 =	vld [tilespmem:$0x50];
	v38 =	vshrl.u32 v6, $0xD;
	v39 =	vshll.u32 v8, $0x2;
	v10 =	vand.u32 $0xFFFF8000, v8  }
0x1d: {  	v14 =	vld [tilespmem:$0xD0];
	v8 =	vshrl.u32 v8, $0xD;
	v41 =	vshll.u32 v36, $0x2;
	v42 =	vand.u32 $0xFFFF8000, v36  }
0x1e: {  	v15 =	vld [tilespmem:$0x60];
	v43 =	vshll.u32 v9, $0x2;
	v44 =	vand.u32 $0xFFFF8000, v9;
	v45 =	vshrl.u32 v9, $0xD  }
0x1f: {  	v55 =	vld [tilespmem:$0xE0];
	v46 =	vshll.u32 v40, $0x2;
	v13 =	vand.u32 $0xFFFF8000, v40;
	v48 =	vshll.u32 v11, $0x2  }
0x20: {  	v17 =	vld [tilespmem:$0x70];
	v49 =	vand.u32 $0xFFFF8000, v11;
	v11 =	vshrl.u32 v11, $0xD;
	v51 =	vshll.u32 v12, $0x2  }
0x21: {  	v18 =	vld [tilespmem:$0xF0];
	v52 =	vand.u32 $0xFFFF8000, v12;
	v53 =	vshrl.u32 v12, $0xD;
	v54 =	vshll.u32 v47, $0x2  }
0x22: {  	v63 =	vld [tilespmem:$0x100];
	v16 =	vand.u32 $0xFFFF8000, v47;
	v56 =	vshll.u32 v14, $0x2;
	v57 =	vand.u32 $0xFFFF8000, v14  }
0x23: {  	v14 =	vshrl.u32 v14, $0xD;
	v59 =	vshll.u32 v15, $0x2;
	v60 =	vand.u32 $0xFFFF8000, v15  }
0x24: {  	v61 =	vshrl.u32 v15, $0xD;
	v62 =	vshll.u32 v55, $0x2;
	v19 =	vand.u32 $0xFFFF8000, v55  }
0x25: {  	v24 =	vshll.u32 v17, $0x2;
	v25 =	vand.u32 $0xFFFF8000, v17;
	v17 =	vshrl.u32 v17, $0xD  }
0x26: {  	v27 =	vshll.u32 v18, $0x2;
	v28 =	vand.u32 $0xFFFF8000, v18;
	v29 =	vshrl.u32 v18, $0xD  }
0x27: {  	v30 =	vshll.u32 v63, $0x2;
	v22 =	vand.u32 $0xFFFF8000, v63;
	v3 =	vand.u32 $0x7FFC, v3  }
0x28: {  	v1 =	vand.u32 $0x3, v1;
	v33 =	vand.u32 $0x3, v2;
	v6 =	vand.u32 $0x7FFC, v39  }
0x29: {  	v8 =	vand.u32 $0x3, v8;
	v9 =	vand.u32 $0x7FFC, v46;
	v50 =	vand.u32 $0x3, v11  }
0x2a: {  	v20 =	vld [tilespmem:$0x180];
	v11 =	vand.u32 $0x7FFC, v51;
	v12 =	vand.u32 $0x7FFC, v54;
	v58 =	vand.u32 $0x3, v14  }
0x2b: {  	v31 =	vld [tilespmem:$0x190];
	v14 =	vand.u32 $0x7FFC, v59;
	v15 =	vand.u32 $0x7FFC, v62;
	v26 =	vand.u32 $0x3, v17  }
0x2c: {  	v23 =	vld [tilespmem:$0x120];
	v17 =	vand.u32 $0x7FFC, v27;
	v18 =	vand.u32 $0x7FFC, v30;
	v3 =	vor.u32 v5, v3  }
0x2d: {  	v5 =	vand.u32 $0x7FFC, v32;
	v6 =	vor.u32 v10, v6;
	v10 =	vshrl.u32 v40, $0xD  }
0x2e: {  	v9 =	vor.u32 v13, v9;
	v13 =	vshrl.u32 v47, $0xD;
	v12 =	vor.u32 v16, v12  }
0x2f: {  	v21 =	vld [tilespmem:$0x110];
	v16 =	vshrl.u32 v55, $0xD;
	v15 =	vor.u32 v19, v15;
	v19 =	vshrl.u32 v63, $0xD  }
0x30: {  	v18 =	vor.u32 v22, v18;
	v32 =	vshll.u32 v20, $0x2;
	v22 =	vshrl.u32 v31, $0xD  }
0x31: {  	v40 =	vshll.u32 v23, $0x2;
	v5 =	vor.u32 v7, v5;
	v2 =	vor.u32 v1, v3  }
0x32: {  	v3 =	vshll.u32 v4, $0x2;
	v4 =	vshrl.u32 v4, $0xD;
	v7 =	vshrl.u32 v36, $0xD  }
0x33: {  	v10 =	vand.u32 $0x3, v10;
	v13 =	vand.u32 $0x3, v13;
	v16 =	vand.u32 $0x3, v16  }
0x34: {  	v39 =	vld [tilespmem:$0x130];
	v19 =	vand.u32 $0x3, v19;
	v36 =	vand.u32 $0xFFFF8000, v21;
	v22 =	vand.u32 $0x3, v22  }
0x35: {  	v27 =	vld [tilespmem:$0x140];
	v1 =	vor.u32 v33, v5;
	v3 =	vand.u32 $0x7FFC, v3;
	v4 =	vand.u32 $0x3, v4  }
0x36: {  	v30 =	vld [tilespmem:$0x1D0];
	v5 =	vand.u32 $0x7FFC, v35;
	v7 =	vand.u32 $0x3, v7;
	v33 =	vand.u32 $0xFFFF8000, v20  }
0x37: {  	v20 =	vshrl.u32 v20, $0xD;
	v35 =	vshll.u32 v21, $0x2;
	v3 =	vor.u32 v34, v3  }
0x38: {  	v47 =	vld [tilespmem:$0x1C0];
	v34 =	vand.u32 $0x3, v20;
	v20 =	vand.u32 $0x7FFC, v35;
	v3 =	vor.u32 v4, v3  }
0x39: {  	v55 =	vld [tilespmem:$0x160];
	v4 =	vor.u32 v37, v5;
	v5 =	vand.u32 $0x3, v38;
	v37 =	vshrl.u32 v21, $0xD  }
0x3a: {  	v38 =	vshll.u32 v31, $0x2;
	v46 =	vshll.u32 v39, $0x2;
	v51 =	vshll.u32 v27, $0x2  }
0x3b: {  	v59 =	vshll.u32 v30, $0x2;
	v5 =	vor.u32 v5, v4;
	v4 =	vor.u32 v8, v6  }
0x3c: {  	v6 =	vand.u32 $0x7FFC, v41;
	v8 =	vand.u32 $0x7FFC, v43;
	v21 =	vand.u32 $0x7FFC, v38  }
0x3d: {  	v41 =	vand.u32 $0xFFFF8000, v23;
	v23 =	vshrl.u32 v23, $0xD;
	v54 =	vshll.u32 v47, $0x2  }
0x3e: {  	v62 =	vshll.u32 v55, $0x2;
	v6 =	vor.u32 v42, v6;
	v42 =	vand.u32 $0x3, v23  }
0x3f: {  	v6 =	vor.u32 v7, v6;
	v7 =	vor.u32 v44, v8;
	v8 =	vand.u32 $0x3, v45  }
0x40: {  	v8 =	vor.u32 v8, v7;
	v7 =	vor.u32 v10, v9;
	v9 =	vand.u32 $0x7FFC, v48  }
0x41: {  	v10 =	vor.u32 v52, v11;
	v11 =	vand.u32 $0x3, v53;
	v52 =	vand.u32 $0xFFFF8000, v27  }
0x42: {  	v53 =	vshrl.u32 v27, $0xD;
	v27 =	vand.u32 $0x7FFC, v54;
	v9 =	vor.u32 v49, v9  }
0x43: {  	v11 =	vor.u32 v11, v10;
	v10 =	vor.u32 v13, v12;
	v12 =	vand.u32 $0x7FFC, v56  }
0x44: {  	v13 =	vor.u32 v60, v14;
	v14 =	vand.u32 $0x3, v61;
	v60 =	vand.u32 $0xFFFF8000, v30  }
0x45: {  	v61 =	vshrl.u32 v30, $0xD;
	v30 =	vand.u32 $0x7FFC, v62;
	v9 =	vor.u32 v50, v9  }
0x46: {  	v63 =	vld [tilespmem:$0x1F0];
	v12 =	vor.u32 v57, v12;
	v14 =	vor.u32 v14, v13;
	v13 =	vor.u32 v16, v15  }
0x47: {  	v15 =	vand.u32 $0x7FFC, v24;
	v16 =	vor.u32 v28, v17;
	v17 =	vand.u32 $0x3, v29  }
0x48: {  	v28 =	vand.u32 $0xFFFF8000, v39;
	v12 =	vor.u32 v58, v12;
	v15 =	vor.u32 v25, v15  }
0x49: {  	v17 =	vor.u32 v17, v16;
	v16 =	vor.u32 v19, v18;
	v18 =	vand.u32 $0x7FFC, v32  }
0x4a: {  	v19 =	vor.u32 v36, v20;
	v25 =	vand.u32 $0xFFFF8000, v31;
	v20 =	vand.u32 $0x3, v37  }
0x4b: {  	v31 =	vand.u32 $0xFFFF8000, v47;
	v37 =	vand.u32 $0xFFFF8000, v63;
	v15 =	vor.u32 v26, v15  }
0x4c: {  	v24 =	vld [tilespmem:$0x1A0];
	v18 =	vor.u32 v33, v18;
	v21 =	vor.u32 v25, v21;
	v20 =	vor.u32 v20, v19  }
0x4d: {  	v29 =	vld [tilespmem:$0x150];
	v25 =	vshrl.u32 v39, $0xD;
	v27 =	vor.u32 v31, v27;
	v31 =	vshrl.u32 v55, $0xD  }
0x4e: {  	v18 =	vor.u32 v34, v18;
	v19 =	vor.u32 v22, v21;
	v21 =	vand.u32 $0x7FFC, v40  }
0x4f: {  	v35 =	vld [tilespmem:$0x200];
	v25 =	vand.u32 $0x3, v25;
	v34 =	vand.u32 $0xFFFF8000, v55;
	v31 =	vand.u32 $0x3, v31  }
0x50: {  	v21 =	vor.u32 v41, v21;
	v30 =	vor.u32 v34, v30;
	v34 =	vshrl.u32 v63, $0xD  }
0x51: {  	v32 =	vld [tilespmem:$0x1E0];
	v43 =	vshll.u32 v24, $0x2;
	v21 =	vor.u32 v42, v21;
	v44 =	vand.u32 $0xFFFF8000, v24  }
0x52: {  	v45 =	vshrl.u32 v24, $0xD;
	v24 =	vand.u32 $0x7FFC, v46;
	v56 =	vshll.u32 v29, $0x2  }
0x53: {  	v26 =	vld [tilespmem:$0x1B0];
	v57 =	vand.u32 $0xFFFF8000, v29;
	v29 =	vshrl.u32 v29, $0xD;
	v34 =	vand.u32 $0x3, v34  }
0x54: {  	v46 =	vshll.u32 v35, $0x2;
	v23 =	vand.u32 $0x7FFC, v43;
	v24 =	vor.u32 v28, v24  }
0x55: {  	v33 =	vld [tilespmem:$0x170];
	v28 =	vshrl.u32 v47, $0xD;
	v58 =	vand.u32 $0x3, v29;
	v29 =	vand.u32 $0x7FFC, v59  }
0x56: {  	v38 =	vshll.u32 v32, $0x2;
	v39 =	vand.u32 $0xFFFF8000, v32;
	v32 =	vshrl.u32 v32, $0xD  }
0x57: {  	v47 =	vand.u32 $0xFFFF8000, v35;
	v35 =	vshrl.u32 v35, $0xD;
	v22 =	vor.u32 v44, v23  }
0x58: {  	v23 =	vand.u32 $0x3, v45;
	v48 =	vshll.u32 v26, $0x2;
	v49 =	vand.u32 $0xFFFF8000, v26  }
0x59: {  	v36 =	vld [tilespmem:$0x280];
	v26 =	vshrl.u32 v26, $0xD;
	v28 =	vand.u32 $0x3, v28;
	v40 =	vand.u32 $0x3, v32  }
0x5a: {  	v41 =	vshll.u32 v33, $0x2;
	v42 =	vand.u32 $0xFFFF8000, v33;
	v43 =	vshrl.u32 v33, $0xD  }
0x5b: {  	v44 =	vshll.u32 v63, $0x2;
	v23 =	vor.u32 v23, v22;
	v22 =	vor.u32 v25, v24  }
0x5c: {  	v24 =	vand.u32 $0x7FFC, v48;
	v50 =	vand.u32 $0x3, v26;
	v26 =	vand.u32 $0x7FFC, v51  }
0x5d: {  	v32 =	vand.u32 $0x7FFC, v41;
	v33 =	vand.u32 $0x7FFC, v44;
	v48 =	vand.u32 $0x3, v35  }
0x5e: {  	v51 =	vshrl.u32 v36, $0xD;
	v24 =	vor.u32 v49, v24;
	v25 =	vor.u32 v52, v26  }
0x5f: {  	v26 =	vand.u32 $0x3, v53;
	v33 =	vor.u32 v37, v33;
	v49 =	vshll.u32 v36, $0x2  }
0x60: {  	v24 =	vor.u32 v50, v24;
	v26 =	vor.u32 v26, v25;
	v25 =	vor.u32 v28, v27  }
0x61: {  	v45 =	vld [tilespmem:$0x210];
	v27 =	vand.u32 $0x7FFC, v56;
	v28 =	vor.u32 v60, v29;
	v29 =	vand.u32 $0x3, v61  }
0x62: {  	v50 =	vand.u32 $0xFFFF8000, v36;
	v35 =	vand.u32 $0x7FFC, v49;
	v27 =	vor.u32 v57, v27  }
0x63: {  	v29 =	vor.u32 v29, v28;
	v28 =	vor.u32 v31, v30;
	v30 =	vand.u32 $0x7FFC, v38  }
0x64: {  	v41 =	vld [tilespmem:$0x230];
	v31 =	vor.u32 v42, v32;
	v32 =	vand.u32 $0x3, v43;
	v27 =	vor.u32 v58, v27  }
0x65: {  	v63 =	vld [tilespmem:$0x240];
	v30 =	vor.u32 v39, v30;
	v32 =	vor.u32 v32, v31;
	v31 =	vor.u32 v34, v33  }
0x66: {  	v53 =	vld [tilespmem:$0x2A0];
	v33 =	vand.u32 $0x7FFC, v46;
	v34 =	vor.u32 v50, v35;
	v52 =	vshll.u32 v45, $0x2  }
0x67: {  	v37 =	vshrl.u32 v45, $0xD;
	v35 =	vand.u32 $0x3, v51;
	v30 =	vor.u32 v40, v30  }
0x68: {  	v33 =	vor.u32 v47, v33;
	v40 =	vand.u32 $0xFFFF8000, v45;
	v36 =	vand.u32 $0x7FFC, v52  }
0x69: {  	v38 =	vld [tilespmem:$0x290];
	v37 =	vand.u32 $0x3, v37;
	v35 =	vor.u32 v35, v34;
	v44 =	vshll.u32 v41, $0x2  }
0x6a: {  	[tilespmem:$0x410] =	vst v3;
	v42 =	vld [tilespmem:$0x2B0];
	v3 =	vand.u32 $0xFFFF8000, v41;
	v45 =	vshrl.u32 v41, $0xD;
	v52 =	vshll.u32 v63, $0x2  }
0x6b: {  	v39 =	vld [tilespmem:$0x220];
	v33 =	vor.u32 v48, v33;
	v36 =	vor.u32 v40, v36;
	v60 =	vshll.u32 v53, $0x2  }
0x6c: {  	v43 =	vand.u32 $0xFFFF8000, v53;
	v40 =	vshrl.u32 v53, $0xD;
	v46 =	vand.u32 $0x3, v45  }
0x6d: {  	[tilespmem:$0x620] =	vst v6;
	v6 =	vand.u32 $0x7FFC, v52;
	v34 =	vor.u32 v37, v36;
	v62 =	vand.u32 $0x3, v40  }
0x6e: {  	v54 =	vshll.u32 v38, $0x2;
	v55 =	vand.u32 $0xFFFF8000, v38;
	v38 =	vshrl.u32 v38, $0xD  }
0x6f: {  	v47 =	vshll.u32 v42, $0x2;
	v49 =	vand.u32 $0xFFFF8000, v42;
	v51 =	vshrl.u32 v42, $0xD  }
0x70: {  	v36 =	vand.u32 $0x7FFC, v54;
	v56 =	vand.u32 $0x3, v38;
	v57 =	vshll.u32 v39, $0x2  }
0x71: {  	v58 =	vand.u32 $0xFFFF8000, v39;
	v59 =	vshrl.u32 v39, $0xD;
	v39 =	vand.u32 $0x7FFC, v60  }
0x72: {  	[tilespmem:$0x610] =	vst v5;
	v48 =	vld [tilespmem:$0x2C0];
	v50 =	vand.u32 $0x7FFC, v47;
	v54 =	vand.u32 $0xFFFF8000, v63;
	v5 =	vand.u32 $0x3, v51  }
0x73: {  	[tilespmem:$0x400] =	vst v2;
	v53 =	vld [tilespmem:$0x250];
	v36 =	vor.u32 v55, v36;
	v38 =	vand.u32 $0x7FFC, v57;
	v2 =	vand.u32 $0x3, v59  }
0x74: {  	[tilespmem:$0x420] =	vst v4;
	v52 =	vld [tilespmem:$0x380];
	v61 =	vor.u32 v43, v39;
	v4 =	vor.u32 v49, v50;
	v55 =	vshrl.u32 v63, $0xD  }
0x75: {  	[tilespmem:$0x600] =	vst v1;
	v6 =	vor.u32 v54, v6;
	v36 =	vor.u32 v56, v36;
	v37 =	vor.u32 v58, v38  }
0x76: {  	[tilespmem:$0x430] =	vst v8;
	v40 =	vld [tilespmem:$0x2E0];
	v1 =	vor.u32 v62, v61;
	v56 =	vand.u32 $0x3, v55;
	v5 =	vor.u32 v5, v4  }
0x77: {  	[tilespmem:$0x650] =	vst v12;
	v58 =	vshll.u32 v48, $0x2;
	v59 =	vand.u32 $0xFFFF8000, v48;
	v60 =	vshrl.u32 v48, $0xD  }
0x78: {  	[tilespmem:$0x6D0] =	vst v29;
	v29 =	vld [tilespmem:$0x3A0];
	v62 =	vshll.u32 v53, $0x2;
	v12 =	vand.u32 $0xFFFF8000, v53;
	v38 =	vshrl.u32 v53, $0xD  }
0x79: {  	[tilespmem:$0x480] =	vst v16;
	v16 =	vshrl.u32 v52, $0xD;
	v2 =	vor.u32 v2, v37;
	v37 =	vand.u32 $0x7FFC, v44  }
0x7a: {  	[tilespmem:$0x630] =	vst v7;
	v42 =	vld [tilespmem:$0x270];
	v4 =	vor.u32 v56, v6;
	v6 =	vand.u32 $0x7FFC, v58;
	v61 =	vand.u32 $0x3, v60  }
0x7b: {  	[tilespmem:$0x440] =	vst v9;
	v9 =	vand.u32 $0x7FFC, v62;
	v45 =	vshll.u32 v40, $0x2;
	v47 =	vand.u32 $0xFFFF8000, v40  }
0x7c: {  	[tilespmem:$0x640] =	vst v11;
	v48 =	vshrl.u32 v40, $0xD;
	v60 =	vshll.u32 v52, $0x2;
	v62 =	vand.u32 $0xFFFF8000, v52  }
0x7d: {  	v57 =	vld [tilespmem:$0x2D0];
	v16 =	vand.u32 $0x3, v16;
	[tilespmem:$0x720] =	vst v1;
	v1 =	vand.u32 $0xFFFF8000, v29;
	v40 =	vshrl.u32 v29, $0xD  }
0x7e: {  	[tilespmem:$0x450] =	vst v10;
	v63 =	vld [tilespmem:$0x260];
	v3 =	vor.u32 v3, v37;
	v6 =	vor.u32 v59, v6;
	v7 =	vor.u32 v12, v9  }
0x7f: {  	[tilespmem:$0x660] =	vst v13;
	v9 =	vand.u32 $0x3, v38;
	v49 =	vshll.u32 v42, $0x2;
	v51 =	vand.u32 $0xFFFF8000, v42  }
0x80: {  	[tilespmem:$0x470] =	vst v15;
	v50 =	vld [tilespmem:$0x300];
	v13 =	vshrl.u32 v42, $0xD;
	v15 =	vand.u32 $0x7FFC, v60;
	v3 =	vor.u32 v46, v3  }
0x81: {  	[tilespmem:$0x460] =	vst v14;
	v6 =	vor.u32 v61, v6;
	v7 =	vor.u32 v9, v7;
	v12 =	vand.u32 $0x7FFC, v49  }
0x82: {  	[tilespmem:$0x670] =	vst v17;
	v13 =	vand.u32 $0x3, v13;
	v15 =	vor.u32 v62, v15;
	v39 =	vshll.u32 v57, $0x2  }
0x83: {  	[tilespmem:$0x490] =	vst v20;
	v20 =	vld [tilespmem:$0x3F0];
	v41 =	vand.u32 $0xFFFF8000, v57;
	v8 =	vshrl.u32 v57, $0xD;
	v43 =	vshll.u32 v63, $0x2  }
0x84: {  	[tilespmem:$0x500] =	vst v33;
	v33 =	vld [tilespmem:$0x330];
	v44 =	vand.u32 $0xFFFF8000, v63;
	v10 =	vshrl.u32 v63, $0xD;
	v12 =	vor.u32 v51, v12  }
0x85: {  	[tilespmem:$0x6B0] =	vst v24;
	v56 =	vshll.u32 v50, $0x2;
	v58 =	vand.u32 $0xFFFF8000, v50;
	v59 =	vshrl.u32 v50, $0xD  }
0x86: {  	v37 =	vld [tilespmem:$0x3B0];
	v24 =	vor.u32 v16, v15;
	[tilespmem:$0x530] =	vst v3;
	v3 =	vand.u32 $0x3, v40;
	v11 =	vand.u32 $0x7FFC, v39  }
0x87: {  	[tilespmem:$0x680] =	vst v18;
	v42 =	vld [tilespmem:$0x340];
	v8 =	vand.u32 $0x3, v8;
	v9 =	vand.u32 $0x7FFC, v43;
	v10 =	vand.u32 $0x3, v10  }
0x88: {  	[tilespmem:$0x690] =	vst v19;
	v46 =	vld [tilespmem:$0x2F0];
	v39 =	vshll.u32 v29, $0x2;
	v29 =	vshrl.u32 v20, $0xD;
	v11 =	vor.u32 v41, v11  }
0x89: {  	[tilespmem:$0x4A0] =	vst v21;
	v61 =	vld [tilespmem:$0x390];
	v9 =	vor.u32 v44, v9;
	v41 =	vshll.u32 v33, $0x2;
	v44 =	vshrl.u32 v33, $0xD  }
0x8a: {  	[tilespmem:$0x6A0] =	vst v23;
	v8 =	vor.u32 v8, v11;
	v9 =	vor.u32 v10, v9;
	v11 =	vand.u32 $0x7FFC, v45  }
0x8b: {  	[tilespmem:$0x540] =	vst v4;
	v43 =	vand.u32 $0x7FFC, v41;
	v45 =	vshll.u32 v37, $0x2;
	v4 =	vand.u32 $0x3, v44  }
0x8c: {  	[tilespmem:$0x4E0] =	vst v28;
	v57 =	vld [tilespmem:$0x310];
	v52 =	vshll.u32 v42, $0x2;
	v10 =	vor.u32 v47, v11;
	v11 =	vand.u32 $0x3, v48  }
0x8d: {  	[tilespmem:$0x6F0] =	vst v31;
	v63 =	vld [tilespmem:$0x320];
	v53 =	vshll.u32 v46, $0x2;
	v54 =	vand.u32 $0xFFFF8000, v46;
	v14 =	vshrl.u32 v46, $0xD  }
0x8e: {  	[tilespmem:$0x6E0] =	vst v30;
	v28 =	vshll.u32 v61, $0x2;
	v30 =	vand.u32 $0xFFFF8000, v61;
	v31 =	vshrl.u32 v61, $0xD  }
0x8f: {  	[tilespmem:$0x730] =	vst v5;
	v50 =	vld [tilespmem:$0x350];
	v47 =	vand.u32 $0xFFFF8000, v37;
	v5 =	vand.u32 $0x7FFC, v45;
	v48 =	vshrl.u32 v37, $0xD  }
0x90: {  	[tilespmem:$0x4C0] =	vst v26;
	v10 =	vor.u32 v11, v10;
	v11 =	vor.u32 v13, v12;
	v12 =	vand.u32 $0x7FFC, v53  }
0x91: {  	[tilespmem:$0x6C0] =	vst v25;
	v55 =	vand.u32 $0x3, v14;
	v14 =	vand.u32 $0x7FFC, v56;
	v25 =	vshll.u32 v57, $0x2  }
0x92: {  	[tilespmem:$0x4F0] =	vst v32;
	v26 =	vand.u32 $0xFFFF8000, v57;
	v17 =	vshrl.u32 v57, $0xD;
	v32 =	vshll.u32 v63, $0x2  }
0x93: {  	[tilespmem:$0x700] =	vst v35;
	v35 =	vand.u32 $0xFFFF8000, v63;
	v19 =	vshrl.u32 v63, $0xD;
	v5 =	vor.u32 v47, v5  }
0x94: {  	[tilespmem:$0x4B0] =	vst v22;
	v49 =	vand.u32 $0x3, v48;
	v53 =	vand.u32 $0xFFFF8000, v42;
	v60 =	vshll.u32 v50, $0x2  }
0x95: {  	[tilespmem:$0x550] =	vst v7;
	v62 =	vand.u32 $0xFFFF8000, v50;
	v7 =	vshrl.u32 v50, $0xD;
	v12 =	vor.u32 v54, v12  }
0x96: {  	[tilespmem:$0x4D0] =	vst v27;
	v13 =	vor.u32 v58, v14;
	v14 =	vand.u32 $0x3, v59;
	v15 =	vand.u32 $0x7FFC, v25  }
0x97: {  	[tilespmem:$0x510] =	vst v34;
	v27 =	vand.u32 $0x3, v17;
	v17 =	vand.u32 $0x7FFC, v28;
	v18 =	vand.u32 $0x7FFC, v32  }
0x98: {  	[tilespmem:$0x710] =	vst v36;
	v19 =	vand.u32 $0x3, v19;
	v51 =	vor.u32 v49, v5;
	v5 =	vand.u32 $0x7FFC, v52  }
0x99: {  	v54 =	vshrl.u32 v42, $0xD;
	[tilespmem:$0x760] =	vst v10;
	v10 =	vand.u32 $0x7FFC, v60;
	v7 =	vand.u32 $0x3, v7  }
0x9a: {  	[tilespmem:$0x520] =	vst v2;
	v46 =	vld [tilespmem:$0x3C0];
	v28 =	vshll.u32 v20, $0x2;
	v12 =	vor.u32 v55, v12;
	v13 =	vor.u32 v14, v13  }
0x9b: {  	[tilespmem:$0x740] =	vst v6;
	v61 =	vld [tilespmem:$0x360];
	v15 =	vor.u32 v26, v15;
	v16 =	vor.u32 v30, v17;
	v17 =	vand.u32 $0x3, v31  }
0x9c: {  	[tilespmem:$0x780] =	vst v24;
	v18 =	vor.u32 v35, v18;
	v5 =	vor.u32 v53, v5;
	v55 =	vand.u32 $0x3, v54  }
0x9d: {  	[tilespmem:$0x750] =	vst v8;
	v57 =	vld [tilespmem:$0x3D0];
	v10 =	vor.u32 v62, v10;
	v15 =	vor.u32 v27, v15;
	v2 =	vor.u32 v17, v16  }
0x9e: {  	[tilespmem:$0x560] =	vst v9;
	v63 =	vld [tilespmem:$0x3E0];
	v38 =	vor.u32 v19, v18;
	v17 =	vand.u32 $0x7FFC, v39;
	v5 =	vor.u32 v55, v5  }
0x9f: {  	[tilespmem:$0x570] =	vst v11;
	v7 =	vor.u32 v7, v10;
	v1 =	vor.u32 v1, v17;
	v56 =	vshll.u32 v46, $0x2  }
0xa0: {  	[tilespmem:$0x7B0] =	vst v51;
	v58 =	vand.u32 $0xFFFF8000, v46;
	v59 =	vshrl.u32 v46, $0xD;
	v16 =	vshll.u32 v61, $0x2  }
0xa1: {  	[tilespmem:$0x5C0] =	vst v5;
	v5 =	vand.u32 $0x7FFC, v28;
	v1 =	vor.u32 v3, v1;
	v3 =	vand.u32 $0xFFFF8000, v33  }
0xa2: {  	[tilespmem:$0x790] =	vst v2;
	v8 =	vand.u32 $0x7FFC, v56;
	v14 =	vshll.u32 v57, $0x2;
	v2 =	vand.u32 $0xFFFF8000, v57  }
0xa3: {  	[tilespmem:$0x770] =	vst v12;
	v9 =	vshrl.u32 v57, $0xD;
	v18 =	vand.u32 $0x7FFC, v16;
	v19 =	vshll.u32 v63, $0x2  }
0xa4: {  	[tilespmem:$0x580] =	vst v13;
	v17 =	vld [tilespmem:$0x370];
	v21 =	vand.u32 $0xFFFF8000, v63;
	v22 =	vshrl.u32 v63, $0xD;
	v3 =	vor.u32 v3, v43  }
0xa5: {  	[tilespmem:$0x590] =	vst v15;
	v6 =	vor.u32 v58, v8;
	v8 =	vand.u32 $0x3, v59;
	v15 =	vand.u32 $0x3, v9  }
0xa6: {  	[tilespmem:$0x5A0] =	vst v38;
	v3 =	vor.u32 v4, v3;
	v6 =	vor.u32 v8, v6;
	v8 =	vand.u32 $0x7FFC, v14  }
0xa7: {  	v23 =	vand.u32 $0x3, v22;
	v2 =	vor.u32 v2, v8;
	[tilespmem:$0x5B0] =	vst v3;
	v3 =	vshrl.u32 v61, $0xD  }
0xa8: {  	[tilespmem:$0x7A0] =	vst v1;
	v8 =	vand.u32 $0x7FFC, v19;
	v1 =	vor.u32 v15, v2;
	v2 =	vand.u32 $0xFFFF8000, v61  }
0xa9: {  	[tilespmem:$0x5D0] =	vst v7;
	v3 =	vand.u32 $0x3, v3;
	v4 =	vor.u32 v21, v8;
	v24 =	vshll.u32 v17, $0x2  }
0xaa: {  	[tilespmem:$0x7C0] =	vst v6;
	v25 =	vand.u32 $0xFFFF8000, v17;
	v26 =	vshrl.u32 v17, $0xD;
	v2 =	vor.u32 v2, v18  }
0xab: {  	[tilespmem:$0x7D0] =	vst v1;
	v2 =	vor.u32 v3, v2;
	v3 =	vor.u32 v23, v4;
	v4 =	vand.u32 $0x7FFC, v24  }
0xac: {  	v27 =	vand.u32 $0x3, v26;
	v1 =	vor.u32 v25, v4;
	[tilespmem:$0x5E0] =	vst v2;
	v2 =	vand.u32 $0xFFFF8000, v20  }
0xad: {  	[tilespmem:$0x7E0] =	vst v3;
	v3 =	vand.u32 $0x3, v29;
	v1 =	vor.u32 v27, v1;
	v2 =	vor.u32 v2, v5  }
0xae: {  	[tilespmem:$0x5F0] =	vst v1;
	v1 =	vor.u32 v3, v2  }
0xaf: {  	[tilespmem:$0x7F0] =	vst v1  }
0xb0: {  	[tilespmem:s11], [sflag:$0x1] =	stream.indirect.gather [hbm4b:s3+s9], $0x20, s10, s9, $0xb8;
	[tilespmem:$0x8A00] =	vst v63  }
0xb1: {  	_ = 	snop  }
0xb2: {  	v1 =	vmov s2;
	[tilespmem:s13], [sflag:$0x2] =	stream.indirect.gather [hbm4b:s4+s9], $0x20, s12, s9, $0xb8;
	[tilespmem:$0x8A00] =	vst v63  }
0xb3: {  	v1 =	vshll.u32 v1, $0x5;
	_ =	swait.ge [sflag:s14], $0x4000  }
0xb4: {  	v1 =	vor.u32 v0, v1;
	[sflag:s14] =	ssyncset.done $0x0  }
0xb5: {  	[sflag:s14] =	ssyncadd.s32 $0xFFFFC000  }
0xb6: {  	v2 =	vor.u32 $0x1, v1;
	_ =	swait.ge [sflag:s15], $0x4000  }
0xb7: {  	[sflag:s15] =	ssyncset.done $0x0  }
0xb8: {  	v3 =	vor.u32 $0x2, v1;
	[sflag:s15] =	ssyncadd.s32 $0xFFFFC000  }
0xb9: {  	v30 =	vld.idx.msk [tilespmem:v1+s13+$0x0], $0xffff  }
0xba: {  	v32 =	vor.u32 $0x3, v1;
	v31 =	vld.idx.msk [tilespmem:v1+s11+$0x0], $0xffff  }
0xbb: {  	v33 =	vld.idx.msk [tilespmem:v2+s11+$0x0], $0xffff  }
0xbc: {  	v34 =	vor.u32 $0x4, v1;
	v2 =	vld.idx.msk [tilespmem:v2+s13+$0x0], $0xffff  }
0xbd: {  	v35 =	vld.idx.msk [tilespmem:v3+s11+$0x0], $0xffff  }
0xbe: {  	v36 =	vor.u32 $0x5, v1;
	v3 =	vld.idx.msk [tilespmem:v3+s13+$0x0], $0xffff  }
0xbf: {  	v37 =	vld.idx.msk [tilespmem:v32+s11+$0x0], $0xffff;
	v4 =	vmul.f32 v30, v31  }
0xc0: {  	v39 =	vor.u32 $0x6, v1;
	v38 =	vld.idx.msk [tilespmem:v32+s13+$0x0], $0xffff  }
0xc1: {  	v40 =	vld.idx.msk [tilespmem:v34+s11+$0x0], $0xffff;
	v2 =	vmul.f32 v2, v33;
	v4 =	vadd.f32 $0.0e+00, v4  }
0xc2: {  	v42 =	vor.u32 $0x7, v1;
	v41 =	vld.idx.msk [tilespmem:v34+s13+$0x0], $0xffff  }
0xc3: {  	v43 =	vld.idx.msk [tilespmem:v36+s11+$0x0], $0xffff;
	v3 =	vmul.f32 v3, v35;
	v2 =	vadd.f32 v2, v4  }
0xc4: {  	v45 =	vor.u32 $0x8, v1;
	v44 =	vld.idx.msk [tilespmem:v36+s13+$0x0], $0xffff  }
0xc5: {  	v46 =	vld.idx.msk [tilespmem:v39+s11+$0x0], $0xffff;
	v2 =	vadd.f32 v3, v2;
	v3 =	vmul.f32 v38, v37  }
0xc6: {  	v48 =	vor.u32 $0x9, v1;
	v47 =	vld.idx.msk [tilespmem:v39+s13+$0x0], $0xffff  }
0xc7: {  	v49 =	vld.idx.msk [tilespmem:v42+s11+$0x0], $0xffff;
	v2 =	vadd.f32 v3, v2;
	v3 =	vmul.f32 v41, v40  }
0xc8: {  	v51 =	vor.u32 $0xA, v1;
	v50 =	vld.idx.msk [tilespmem:v42+s13+$0x0], $0xffff  }
0xc9: {  	v52 =	vld.idx.msk [tilespmem:v45+s11+$0x0], $0xffff;
	v2 =	vadd.f32 v3, v2;
	v3 =	vmul.f32 v44, v43  }
0xca: {  	v54 =	vor.u32 $0xB, v1;
	v53 =	vld.idx.msk [tilespmem:v45+s13+$0x0], $0xffff  }
0xcb: {  	v55 =	vld.idx.msk [tilespmem:v48+s11+$0x0], $0xffff;
	v2 =	vadd.f32 v3, v2;
	v3 =	vmul.f32 v47, v46  }
0xcc: {  	v57 =	vor.u32 $0xC, v1;
	v56 =	vld.idx.msk [tilespmem:v48+s13+$0x0], $0xffff  }
0xcd: {  	v58 =	vld.idx.msk [tilespmem:v51+s11+$0x0], $0xffff;
	v2 =	vadd.f32 v3, v2;
	v3 =	vmul.f32 v50, v49  }
0xce: {  	v60 =	vor.u32 $0xD, v1;
	v59 =	vld.idx.msk [tilespmem:v51+s13+$0x0], $0xffff  }
0xcf: {  	v61 =	vld.idx.msk [tilespmem:v54+s11+$0x0], $0xffff;
	v2 =	vadd.f32 v3, v2;
	v3 =	vmul.f32 v53, v52  }
0xd0: {  	v63 =	vor.u32 $0xE, v1;
	v62 =	vld.idx.msk [tilespmem:v54+s13+$0x0], $0xffff  }
0xd1: {  	v16 =	vld.idx.msk [tilespmem:v57+s11+$0x0], $0xffff;
	v2 =	vadd.f32 v3, v2;
	v3 =	vmul.f32 v56, v55  }
0xd2: {  	v18 =	vor.u32 $0xF, v1;
	v17 =	vld.idx.msk [tilespmem:v57+s13+$0x0], $0xffff  }
0xd3: {  	v19 =	vld.idx.msk [tilespmem:v60+s11+$0x0], $0xffff;
	v2 =	vadd.f32 v3, v2;
	v3 =	vmul.f32 v59, v58  }
0xd4: {  	v21 =	vor.u32 $0x10, v1;
	v20 =	vld.idx.msk [tilespmem:v60+s13+$0x0], $0xffff  }
0xd5: {  	v22 =	vld.idx.msk [tilespmem:v63+s11+$0x0], $0xffff;
	v2 =	vadd.f32 v3, v2;
	v3 =	vmul.f32 v62, v61  }
0xd6: {  	v24 =	vor.u32 $0x11, v1;
	v23 =	vld.idx.msk [tilespmem:v63+s13+$0x0], $0xffff  }
0xd7: {  	v25 =	vld.idx.msk [tilespmem:v18+s11+$0x0], $0xffff;
	v2 =	vadd.f32 v3, v2;
	v3 =	vmul.f32 v17, v16  }
0xd8: {  	v27 =	vor.u32 $0x12, v1;
	v26 =	vld.idx.msk [tilespmem:v18+s13+$0x0], $0xffff  }
0xd9: {  	v28 =	vld.idx.msk [tilespmem:v21+s11+$0x0], $0xffff;
	v2 =	vadd.f32 v3, v2;
	v3 =	vmul.f32 v20, v19  }
0xda: {  	v29 =	vld.idx.msk [tilespmem:v21+s13+$0x0], $0xffff;
	v30 =	vor.u32 $0x13, v1  }
0xdb: {  	v32 =	vld.idx.msk [tilespmem:v24+s13+$0x0], $0xffff;
	v2 =	vadd.f32 v3, v2;
	v3 =	vmul.f32 v23, v22  }
0xdc: {  	v31 =	vld.idx.msk [tilespmem:v24+s11+$0x0], $0xffff;
	v33 =	vor.u32 $0x14, v1  }
0xdd: {  	v34 =	vld.idx.msk [tilespmem:v27+s11+$0x0], $0xffff;
	v2 =	vadd.f32 v3, v2;
	v3 =	vmul.f32 v26, v25  }
0xde: {  	v36 =	vor.u32 $0x15, v1;
	v35 =	vld.idx.msk [tilespmem:v27+s13+$0x0], $0xffff  }
0xdf: {  	v37 =	vld.idx.msk [tilespmem:v30+s11+$0x0], $0xffff;
	v2 =	vadd.f32 v3, v2;
	v3 =	vmul.f32 v29, v28  }
0xe0: {  	v39 =	vor.u32 $0x16, v1;
	v38 =	vld.idx.msk [tilespmem:v30+s13+$0x0], $0xffff  }
0xe1: {  	v40 =	vld.idx.msk [tilespmem:v33+s11+$0x0], $0xffff;
	v2 =	vadd.f32 v3, v2;
	v3 =	vmul.f32 v32, v31  }
0xe2: {  	v42 =	vor.u32 $0x17, v1;
	v41 =	vld.idx.msk [tilespmem:v33+s13+$0x0], $0xffff  }
0xe3: {  	v43 =	vld.idx.msk [tilespmem:v36+s11+$0x0], $0xffff;
	v2 =	vadd.f32 v3, v2;
	v3 =	vmul.f32 v35, v34  }
0xe4: {  	v45 =	vor.u32 $0x18, v1;
	v44 =	vld.idx.msk [tilespmem:v36+s13+$0x0], $0xffff  }
0xe5: {  	v46 =	vld.idx.msk [tilespmem:v39+s11+$0x0], $0xffff;
	v2 =	vadd.f32 v3, v2;
	v3 =	vmul.f32 v38, v37  }
0xe6: {  	v48 =	vor.u32 $0x19, v1;
	v47 =	vld.idx.msk [tilespmem:v39+s13+$0x0], $0xffff  }
0xe7: {  	v49 =	vld.idx.msk [tilespmem:v42+s11+$0x0], $0xffff;
	v2 =	vadd.f32 v3, v2;
	v3 =	vmul.f32 v41, v40  }
0xe8: {  	v51 =	vor.u32 $0x1A, v1;
	v50 =	vld.idx.msk [tilespmem:v42+s13+$0x0], $0xffff  }
0xe9: {  	v52 =	vld.idx.msk [tilespmem:v45+s11+$0x0], $0xffff;
	v2 =	vadd.f32 v3, v2;
	v3 =	vmul.f32 v44, v43  }
0xea: {  	v54 =	vor.u32 $0x1B, v1;
	v53 =	vld.idx.msk [tilespmem:v45+s13+$0x0], $0xffff  }
0xeb: {  	v55 =	vld.idx.msk [tilespmem:v48+s11+$0x0], $0xffff;
	v2 =	vadd.f32 v3, v2;
	v3 =	vmul.f32 v47, v46  }
0xec: {  	v57 =	vor.u32 $0x1C, v1;
	v56 =	vld.idx.msk [tilespmem:v48+s13+$0x0], $0xffff  }
0xed: {  	v58 =	vld.idx.msk [tilespmem:v51+s11+$0x0], $0xffff;
	v2 =	vadd.f32 v3, v2;
	v3 =	vmul.f32 v50, v49  }
0xee: {  	v60 =	vor.u32 $0x1D, v1;
	v59 =	vld.idx.msk [tilespmem:v51+s13+$0x0], $0xffff  }
0xef: {  	v61 =	vld.idx.msk [tilespmem:v54+s11+$0x0], $0xffff;
	v2 =	vadd.f32 v3, v2;
	v3 =	vmul.f32 v53, v52  }
0xf0: {  	v63 =	vor.u32 $0x1E, v1;
	v62 =	vld.idx.msk [tilespmem:v54+s13+$0x0], $0xffff  }
0xf1: {  	v16 =	vld.idx.msk [tilespmem:v57+s11+$0x0], $0xffff;
	v2 =	vadd.f32 v3, v2;
	v3 =	vmul.f32 v56, v55  }
0xf2: {  	v1 =	vor.u32 $0x1F, v1;
	v17 =	vld.idx.msk [tilespmem:v57+s13+$0x0], $0xffff  }
0xf3: {  	v18 =	vld.idx.msk [tilespmem:v60+s11+$0x0], $0xffff;
	v2 =	vadd.f32 v3, v2;
	v3 =	vmul.f32 v59, v58  }
0xf4: {  	v19 =	vld.idx.msk [tilespmem:v60+s13+$0x0], $0xffff  }
0xf5: {  	v21 =	vld.idx.msk [tilespmem:v63+s13+$0x0], $0xffff;
	v2 =	vadd.f32 v3, v2;
	v3 =	vmul.f32 v62, v61  }
0xf6: {  	v20 =	vld.idx.msk [tilespmem:v63+s11+$0x0], $0xffff  }
0xf7: {  	v22 =	vld.idx.msk [tilespmem:v1+s11+$0x0], $0xffff;
	v2 =	vadd.f32 v3, v2;
	v3 =	vmul.f32 v17, v16  }
0xf8: {  	v1 =	vld.idx.msk [tilespmem:v1+s13+$0x0], $0xffff  }
0xf9: {  	v2 =	vadd.f32 v3, v2;
	v3 =	vmul.f32 v19, v18;
	_ =	sdelay $0x1  }
0xfa: {  	v2 =	vadd.f32 v3, v2;
	v3 =	vmul.f32 v21, v20;
	_ =	sdelay $0x1  }
0xfb: {  	v1 =	vmul.f32 v1, v22;
	v2 =	vadd.f32 v3, v2;
	_ =	sdelay $0x1  }
0xfc: {  	v1 =	vadd.f32 v1, v2;
	_ =	sdelay $0x1  }
0xfd: {  	v1 =	vsub.f32 $0.0e+00, v1;
	_ =	sdelay $0x1  }
0xfe: {  	v1 =	vmul.f32 $1.442695020e+00, v1;
	_ =	sdelay $0x1  }
0xff: {  	(erf) = vpow2.f32 v1;
	_ =	sdelay $0x8  }
0x100: {  	v1 =	vpop (erf)  }
0x101: {  	v1 =	vadd.f32 $1.000000000e+00, v1;
	_ =	sdelay $0x1  }
0x102: {  	(erf) = vrcp.f32 v1;
	_ =	sdelay $0x2  }
0x103: {  	s18 =	simm.s32 $0x10  }
0x104: {  	v1 =	vmov s18  }
0x105: {  	v1 =	vshll.u32 v1, $0x5  }
0x106: {  	v1 =	vor.u32 v0, v1;
	_ =	sdelay $0x1  }
0x107: {  	v2 =	vor.u32 $0x1, v1  }
0x108: {  	v3 =	vpop (erf)  }
0x109: {  	v23 =	vor.u32 $0x2, v1;
	[tilespmem:s16+$0x0] =	vst v3  }
0x10a: {  	v3 =	vld.idx.msk [tilespmem:v1+s13+$0x0], $0xffff  }
0x10b: {  	v25 =	vor.u32 $0x3, v1;
	v24 =	vld.idx.msk [tilespmem:v1+s11+$0x0], $0xffff  }
0x10c: {  	v26 =	vld.idx.msk [tilespmem:v2+s11+$0x0], $0xffff  }
0x10d: {  	v27 =	vor.u32 $0x4, v1;
	v2 =	vld.idx.msk [tilespmem:v2+s13+$0x0], $0xffff  }
0x10e: {  	v28 =	vld.idx.msk [tilespmem:v23+s11+$0x0], $0xffff  }
0x10f: {  	v29 =	vor.u32 $0x5, v1;
	v4 =	vld.idx.msk [tilespmem:v23+s13+$0x0], $0xffff  }
0x110: {  	v30 =	vld.idx.msk [tilespmem:v25+s11+$0x0], $0xffff;
	v3 =	vmul.f32 v3, v24  }
0x111: {  	v32 =	vor.u32 $0x6, v1;
	v31 =	vld.idx.msk [tilespmem:v25+s13+$0x0], $0xffff  }
0x112: {  	v33 =	vld.idx.msk [tilespmem:v27+s11+$0x0], $0xffff;
	v2 =	vmul.f32 v2, v26;
	v3 =	vadd.f32 $0.0e+00, v3  }
0x113: {  	v35 =	vor.u32 $0x7, v1;
	v34 =	vld.idx.msk [tilespmem:v27+s13+$0x0], $0xffff  }
0x114: {  	v36 =	vld.idx.msk [tilespmem:v29+s11+$0x0], $0xffff;
	v2 =	vadd.f32 v2, v3;
	v3 =	vmul.f32 v4, v28  }
0x115: {  	v38 =	vor.u32 $0x8, v1;
	v37 =	vld.idx.msk [tilespmem:v29+s13+$0x0], $0xffff  }
0x116: {  	v39 =	vld.idx.msk [tilespmem:v32+s11+$0x0], $0xffff;
	v2 =	vadd.f32 v3, v2;
	v3 =	vmul.f32 v31, v30  }
0x117: {  	v41 =	vor.u32 $0x9, v1;
	v40 =	vld.idx.msk [tilespmem:v32+s13+$0x0], $0xffff  }
0x118: {  	v42 =	vld.idx.msk [tilespmem:v35+s11+$0x0], $0xffff;
	v2 =	vadd.f32 v3, v2;
	v3 =	vmul.f32 v34, v33  }
0x119: {  	v44 =	vor.u32 $0xA, v1;
	v43 =	vld.idx.msk [tilespmem:v35+s13+$0x0], $0xffff  }
0x11a: {  	v45 =	vld.idx.msk [tilespmem:v38+s11+$0x0], $0xffff;
	v2 =	vadd.f32 v3, v2;
	v3 =	vmul.f32 v37, v36  }
0x11b: {  	v47 =	vor.u32 $0xB, v1;
	v46 =	vld.idx.msk [tilespmem:v38+s13+$0x0], $0xffff  }
0x11c: {  	v48 =	vld.idx.msk [tilespmem:v41+s11+$0x0], $0xffff;
	v2 =	vadd.f32 v3, v2;
	v3 =	vmul.f32 v40, v39  }
0x11d: {  	v50 =	vor.u32 $0xC, v1;
	v49 =	vld.idx.msk [tilespmem:v41+s13+$0x0], $0xffff  }
0x11e: {  	v51 =	vld.idx.msk [tilespmem:v44+s11+$0x0], $0xffff;
	v2 =	vadd.f32 v3, v2;
	v3 =	vmul.f32 v43, v42  }
0x11f: {  	v53 =	vor.u32 $0xD, v1;
	v52 =	vld.idx.msk [tilespmem:v44+s13+$0x0], $0xffff  }
0x120: {  	v54 =	vld.idx.msk [tilespmem:v47+s11+$0x0], $0xffff;
	v2 =	vadd.f32 v3, v2;
	v3 =	vmul.f32 v46, v45  }
0x121: {  	v56 =	vor.u32 $0xE, v1;
	v55 =	vld.idx.msk [tilespmem:v47+s13+$0x0], $0xffff  }
0x122: {  	v57 =	vld.idx.msk [tilespmem:v50+s11+$0x0], $0xffff;
	v2 =	vadd.f32 v3, v2;
	v3 =	vmul.f32 v49, v48  }
0x123: {  	v59 =	vor.u32 $0xF, v1;
	v58 =	vld.idx.msk [tilespmem:v50+s13+$0x0], $0xffff  }
0x124: {  	v60 =	vld.idx.msk [tilespmem:v53+s11+$0x0], $0xffff;
	v2 =	vadd.f32 v3, v2;
	v3 =	vmul.f32 v52, v51  }
0x125: {  	v62 =	vor.u32 $0x10, v1;
	v61 =	vld.idx.msk [tilespmem:v53+s13+$0x0], $0xffff  }
0x126: {  	v63 =	vld.idx.msk [tilespmem:v56+s11+$0x0], $0xffff;
	v2 =	vadd.f32 v3, v2;
	v3 =	vmul.f32 v55, v54  }
0x127: {  	v17 =	vor.u32 $0x11, v1;
	v16 =	vld.idx.msk [tilespmem:v56+s13+$0x0], $0xffff  }
0x128: {  	v18 =	vld.idx.msk [tilespmem:v59+s11+$0x0], $0xffff;
	v2 =	vadd.f32 v3, v2;
	v3 =	vmul.f32 v58, v57  }
0x129: {  	v20 =	vor.u32 $0x12, v1;
	v19 =	vld.idx.msk [tilespmem:v59+s13+$0x0], $0xffff  }
0x12a: {  	v21 =	vld.idx.msk [tilespmem:v62+s11+$0x0], $0xffff;
	v2 =	vadd.f32 v3, v2;
	v3 =	vmul.f32 v61, v60  }
0x12b: {  	v22 =	vld.idx.msk [tilespmem:v62+s13+$0x0], $0xffff;
	v23 =	vor.u32 $0x13, v1  }
0x12c: {  	v25 =	vld.idx.msk [tilespmem:v17+s13+$0x0], $0xffff;
	v2 =	vadd.f32 v3, v2;
	v3 =	vmul.f32 v16, v63  }
0x12d: {  	v24 =	vld.idx.msk [tilespmem:v17+s11+$0x0], $0xffff;
	v26 =	vor.u32 $0x14, v1  }
0x12e: {  	v27 =	vld.idx.msk [tilespmem:v20+s11+$0x0], $0xffff;
	v2 =	vadd.f32 v3, v2;
	v3 =	vmul.f32 v19, v18  }
0x12f: {  	v29 =	vor.u32 $0x15, v1;
	v28 =	vld.idx.msk [tilespmem:v20+s13+$0x0], $0xffff  }
0x130: {  	v30 =	vld.idx.msk [tilespmem:v23+s11+$0x0], $0xffff;
	v2 =	vadd.f32 v3, v2;
	v3 =	vmul.f32 v22, v21  }
0x131: {  	v32 =	vor.u32 $0x16, v1;
	v31 =	vld.idx.msk [tilespmem:v23+s13+$0x0], $0xffff  }
0x132: {  	v33 =	vld.idx.msk [tilespmem:v26+s11+$0x0], $0xffff;
	v2 =	vadd.f32 v3, v2;
	v3 =	vmul.f32 v25, v24  }
0x133: {  	v35 =	vor.u32 $0x17, v1;
	v34 =	vld.idx.msk [tilespmem:v26+s13+$0x0], $0xffff  }
0x134: {  	v36 =	vld.idx.msk [tilespmem:v29+s11+$0x0], $0xffff;
	v2 =	vadd.f32 v3, v2;
	v3 =	vmul.f32 v28, v27  }
0x135: {  	v38 =	vor.u32 $0x18, v1;
	v37 =	vld.idx.msk [tilespmem:v29+s13+$0x0], $0xffff  }
0x136: {  	v39 =	vld.idx.msk [tilespmem:v32+s11+$0x0], $0xffff;
	v2 =	vadd.f32 v3, v2;
	v3 =	vmul.f32 v31, v30  }
0x137: {  	v41 =	vor.u32 $0x19, v1;
	v40 =	vld.idx.msk [tilespmem:v32+s13+$0x0], $0xffff  }
0x138: {  	v42 =	vld.idx.msk [tilespmem:v35+s11+$0x0], $0xffff;
	v2 =	vadd.f32 v3, v2;
	v3 =	vmul.f32 v34, v33  }
0x139: {  	v44 =	vor.u32 $0x1A, v1;
	v43 =	vld.idx.msk [tilespmem:v35+s13+$0x0], $0xffff  }
0x13a: {  	v45 =	vld.idx.msk [tilespmem:v38+s11+$0x0], $0xffff;
	v2 =	vadd.f32 v3, v2;
	v3 =	vmul.f32 v37, v36  }
0x13b: {  	v47 =	vor.u32 $0x1B, v1;
	v46 =	vld.idx.msk [tilespmem:v38+s13+$0x0], $0xffff  }
0x13c: {  	v48 =	vld.idx.msk [tilespmem:v41+s11+$0x0], $0xffff;
	v2 =	vadd.f32 v3, v2;
	v3 =	vmul.f32 v40, v39  }
0x13d: {  	v50 =	vor.u32 $0x1C, v1;
	v49 =	vld.idx.msk [tilespmem:v41+s13+$0x0], $0xffff  }
0x13e: {  	v51 =	vld.idx.msk [tilespmem:v44+s11+$0x0], $0xffff;
	v2 =	vadd.f32 v3, v2;
	v3 =	vmul.f32 v43, v42  }
0x13f: {  	v53 =	vor.u32 $0x1D, v1;
	v52 =	vld.idx.msk [tilespmem:v44+s13+$0x0], $0xffff  }
0x140: {  	v54 =	vld.idx.msk [tilespmem:v47+s11+$0x0], $0xffff;
	v2 =	vadd.f32 v3, v2;
	v3 =	vmul.f32 v46, v45  }
0x141: {  	v56 =	vor.u32 $0x1E, v1;
	v55 =	vld.idx.msk [tilespmem:v47+s13+$0x0], $0xffff  }
0x142: {  	v57 =	vld.idx.msk [tilespmem:v50+s11+$0x0], $0xffff;
	v2 =	vadd.f32 v3, v2;
	v3 =	vmul.f32 v49, v48  }
0x143: {  	v1 =	vor.u32 $0x1F, v1;
	v58 =	vld.idx.msk [tilespmem:v50+s13+$0x0], $0xffff  }
0x144: {  	v59 =	vld.idx.msk [tilespmem:v53+s11+$0x0], $0xffff;
	v2 =	vadd.f32 v3, v2;
	v3 =	vmul.f32 v52, v51  }
0x145: {  	v60 =	vld.idx.msk [tilespmem:v53+s13+$0x0], $0xffff  }
0x146: {  	v62 =	vld.idx.msk [tilespmem:v56+s13+$0x0], $0xffff;
	v2 =	vadd.f32 v3, v2;
	v3 =	vmul.f32 v55, v54  }
0x147: {  	v61 =	vld.idx.msk [tilespmem:v56+s11+$0x0], $0xffff  }
0x148: {  	v63 =	vld.idx.msk [tilespmem:v1+s11+$0x0], $0xffff;
	v2 =	vadd.f32 v3, v2;
	v3 =	vmul.f32 v58, v57  }
0x149: {  	v1 =	vld.idx.msk [tilespmem:v1+s13+$0x0], $0xffff  }
0x14a: {  	v2 =	vadd.f32 v3, v2;
	v3 =	vmul.f32 v60, v59;
	_ =	sdelay $0x1  }
0x14b: {  	v2 =	vadd.f32 v3, v2;
	v3 =	vmul.f32 v62, v61;
	_ =	sdelay $0x1  }
0x14c: {  	v1 =	vmul.f32 v1, v63;
	v2 =	vadd.f32 v3, v2;
	_ =	sdelay $0x1  }
0x14d: {  	v1 =	vadd.f32 v1, v2;
	_ =	sdelay $0x1  }
0x14e: {  	v1 =	vsub.f32 $0.0e+00, v1;
	_ =	sdelay $0x1  }
0x14f: {  	v1 =	vmul.f32 $1.442695020e+00, v1;
	_ =	sdelay $0x1  }
0x150: {  	(erf) = vpow2.f32 v1;
	_ =	sdelay $0x8  }
0x151: {  	v1 =	vpop (erf)  }
0x152: {  	v1 =	vadd.f32 $1.000000000e+00, v1;
	_ =	sdelay $0x1  }
0x153: {  	(erf) = vrcp.f32 v1;
	_ =	sdelay $0x2  }
0x154: {  	s31 =	simm.s32 $0x20  }
0x155: {  	v2 =	vmov s31  }
0x156: {  	s19 =	simm.s32 $0x30;
	s18 =	simm.s32 $0x8800;
	v1 =	vshll.u32 v2, $0x5  }
.LBB2_2:
0x157: {  	p0 =	sne.s32 s19, $0x1F0;
	v1 =	vor.u32 v0, v1;
	_ =	sdelay $0x1  }
0x158: {  	v2 =	vor.u32 $0x1, v1  }
0x159: {  	s18 =	sadd.s32 $0x10, s18;
	v3 =	vpop (erf)  }
0x15a: {  	v4 =	vor.u32 $0x2, v1;
	[tilespmem:s18+$0x0] =	vst v3  }
0x15b: {  	v3 =	vld.idx.msk [tilespmem:v1+s13+$0x0], $0xffff  }
0x15c: {  	v6 =	vor.u32 $0x3, v1;
	v5 =	vld.idx.msk [tilespmem:v1+s11+$0x0], $0xffff  }
0x15d: {  	v7 =	vld.idx.msk [tilespmem:v2+s11+$0x0], $0xffff  }
0x15e: {  	v8 =	vor.u32 $0x4, v1;
	v2 =	vld.idx.msk [tilespmem:v2+s13+$0x0], $0xffff  }
0x15f: {  	v9 =	vld.idx.msk [tilespmem:v4+s11+$0x0], $0xffff  }
0x160: {  	v10 =	vor.u32 $0x5, v1;
	v4 =	vld.idx.msk [tilespmem:v4+s13+$0x0], $0xffff  }
0x161: {  	v11 =	vld.idx.msk [tilespmem:v6+s11+$0x0], $0xffff  }
0x162: {  	v3 =	vmul.f32 v3, v5;
	v5 =	vld.idx.msk [tilespmem:v6+s13+$0x0], $0xffff;
	v6 =	vor.u32 $0x6, v1  }
0x163: {  	v12 =	vld.idx.msk [tilespmem:v8+s11+$0x0], $0xffff  }
0x164: {  	v3 =	vadd.f32 $0.0e+00, v3;
	v2 =	vmul.f32 v2, v7;
	v7 =	vld.idx.msk [tilespmem:v8+s13+$0x0], $0xffff;
	v8 =	vor.u32 $0x7, v1  }
0x165: {  	v13 =	vld.idx.msk [tilespmem:v10+s11+$0x0], $0xffff  }
0x166: {  	v2 =	vadd.f32 v2, v3;
	v3 =	vmul.f32 v4, v9;
	v9 =	vor.u32 $0x8, v1;
	v4 =	vld.idx.msk [tilespmem:v10+s13+$0x0], $0xffff  }
0x167: {  	v10 =	vld.idx.msk [tilespmem:v6+s11+$0x0], $0xffff  }
0x168: {  	v2 =	vadd.f32 v3, v2;
	v3 =	vmul.f32 v5, v11;
	v5 =	vld.idx.msk [tilespmem:v6+s13+$0x0], $0xffff;
	v6 =	vor.u32 $0x9, v1  }
0x169: {  	v11 =	vld.idx.msk [tilespmem:v8+s11+$0x0], $0xffff  }
0x16a: {  	v2 =	vadd.f32 v3, v2;
	v3 =	vmul.f32 v7, v12;
	v7 =	vld.idx.msk [tilespmem:v8+s13+$0x0], $0xffff;
	v8 =	vor.u32 $0xA, v1  }
0x16b: {  	v12 =	vld.idx.msk [tilespmem:v9+s11+$0x0], $0xffff  }
0x16c: {  	v2 =	vadd.f32 v3, v2;
	v3 =	vmul.f32 v4, v13;
	v4 =	vld.idx.msk [tilespmem:v9+s13+$0x0], $0xffff;
	v9 =	vor.u32 $0xB, v1  }
0x16d: {  	v13 =	vld.idx.msk [tilespmem:v6+s11+$0x0], $0xffff  }
0x16e: {  	v2 =	vadd.f32 v3, v2;
	v3 =	vmul.f32 v5, v10;
	v5 =	vld.idx.msk [tilespmem:v6+s13+$0x0], $0xffff;
	v6 =	vor.u32 $0xC, v1  }
0x16f: {  	v10 =	vld.idx.msk [tilespmem:v8+s11+$0x0], $0xffff  }
0x170: {  	v2 =	vadd.f32 v3, v2;
	v3 =	vmul.f32 v7, v11;
	v7 =	vld.idx.msk [tilespmem:v8+s13+$0x0], $0xffff;
	v8 =	vor.u32 $0xD, v1  }
0x171: {  	v11 =	vld.idx.msk [tilespmem:v9+s11+$0x0], $0xffff  }
0x172: {  	v2 =	vadd.f32 v3, v2;
	v3 =	vmul.f32 v4, v12;
	v4 =	vld.idx.msk [tilespmem:v9+s13+$0x0], $0xffff;
	v9 =	vor.u32 $0xE, v1  }
0x173: {  	v12 =	vld.idx.msk [tilespmem:v6+s11+$0x0], $0xffff  }
0x174: {  	v2 =	vadd.f32 v3, v2;
	v3 =	vmul.f32 v5, v13;
	v5 =	vld.idx.msk [tilespmem:v6+s13+$0x0], $0xffff;
	v6 =	vor.u32 $0xF, v1  }
0x175: {  	v13 =	vld.idx.msk [tilespmem:v8+s11+$0x0], $0xffff  }
0x176: {  	v2 =	vadd.f32 v3, v2;
	v3 =	vmul.f32 v7, v10;
	v7 =	vld.idx.msk [tilespmem:v8+s13+$0x0], $0xffff;
	v8 =	vor.u32 $0x10, v1  }
0x177: {  	v10 =	vld.idx.msk [tilespmem:v9+s11+$0x0], $0xffff  }
0x178: {  	v2 =	vadd.f32 v3, v2;
	v3 =	vmul.f32 v4, v11;
	v4 =	vld.idx.msk [tilespmem:v9+s13+$0x0], $0xffff;
	v9 =	vor.u32 $0x11, v1  }
0x179: {  	v11 =	vld.idx.msk [tilespmem:v6+s11+$0x0], $0xffff  }
0x17a: {  	v2 =	vadd.f32 v3, v2;
	v3 =	vmul.f32 v5, v12;
	v5 =	vld.idx.msk [tilespmem:v6+s13+$0x0], $0xffff;
	v6 =	vor.u32 $0x12, v1  }
0x17b: {  	v12 =	vld.idx.msk [tilespmem:v8+s11+$0x0], $0xffff  }
0x17c: {  	v2 =	vadd.f32 v3, v2;
	v3 =	vmul.f32 v7, v13;
	v7 =	vld.idx.msk [tilespmem:v8+s13+$0x0], $0xffff;
	v8 =	vor.u32 $0x13, v1  }
0x17d: {  	v13 =	vld.idx.msk [tilespmem:v9+s11+$0x0], $0xffff  }
0x17e: {  	v2 =	vadd.f32 v3, v2;
	v3 =	vmul.f32 v4, v10;
	v4 =	vld.idx.msk [tilespmem:v9+s13+$0x0], $0xffff;
	v9 =	vor.u32 $0x14, v1  }
0x17f: {  	v10 =	vld.idx.msk [tilespmem:v6+s11+$0x0], $0xffff  }
0x180: {  	v2 =	vadd.f32 v3, v2;
	v3 =	vmul.f32 v5, v11;
	v5 =	vld.idx.msk [tilespmem:v6+s13+$0x0], $0xffff;
	v6 =	vor.u32 $0x15, v1  }
0x181: {  	v11 =	vld.idx.msk [tilespmem:v8+s11+$0x0], $0xffff  }
0x182: {  	v2 =	vadd.f32 v3, v2;
	v3 =	vmul.f32 v7, v12;
	v7 =	vld.idx.msk [tilespmem:v8+s13+$0x0], $0xffff;
	v8 =	vor.u32 $0x16, v1  }
0x183: {  	v12 =	vld.idx.msk [tilespmem:v9+s11+$0x0], $0xffff  }
0x184: {  	v2 =	vadd.f32 v3, v2;
	v3 =	vmul.f32 v4, v13;
	v4 =	vld.idx.msk [tilespmem:v9+s13+$0x0], $0xffff;
	v9 =	vor.u32 $0x17, v1  }
0x185: {  	v13 =	vld.idx.msk [tilespmem:v6+s11+$0x0], $0xffff  }
0x186: {  	v2 =	vadd.f32 v3, v2;
	v3 =	vmul.f32 v5, v10;
	v5 =	vld.idx.msk [tilespmem:v6+s13+$0x0], $0xffff;
	v6 =	vor.u32 $0x18, v1  }
0x187: {  	v10 =	vld.idx.msk [tilespmem:v8+s11+$0x0], $0xffff  }
0x188: {  	v2 =	vadd.f32 v3, v2;
	v3 =	vmul.f32 v7, v11;
	v7 =	vld.idx.msk [tilespmem:v8+s13+$0x0], $0xffff;
	v8 =	vor.u32 $0x19, v1  }
0x189: {  	v11 =	vld.idx.msk [tilespmem:v9+s11+$0x0], $0xffff  }
0x18a: {  	v2 =	vadd.f32 v3, v2;
	v3 =	vmul.f32 v4, v12;
	v4 =	vld.idx.msk [tilespmem:v9+s13+$0x0], $0xffff;
	v9 =	vor.u32 $0x1A, v1  }
0x18b: {  	v12 =	vld.idx.msk [tilespmem:v6+s11+$0x0], $0xffff  }
0x18c: {  	v2 =	vadd.f32 v3, v2;
	v3 =	vmul.f32 v5, v13;
	v5 =	vld.idx.msk [tilespmem:v6+s13+$0x0], $0xffff;
	v6 =	vor.u32 $0x1B, v1  }
0x18d: {  	v13 =	vld.idx.msk [tilespmem:v8+s11+$0x0], $0xffff  }
0x18e: {  	v2 =	vadd.f32 v3, v2;
	v3 =	vmul.f32 v7, v10;
	v7 =	vld.idx.msk [tilespmem:v8+s13+$0x0], $0xffff;
	v8 =	vor.u32 $0x1C, v1  }
0x18f: {  	v10 =	vld.idx.msk [tilespmem:v9+s11+$0x0], $0xffff  }
0x190: {  	v2 =	vadd.f32 v3, v2;
	v3 =	vmul.f32 v4, v11;
	v4 =	vld.idx.msk [tilespmem:v9+s13+$0x0], $0xffff;
	v9 =	vor.u32 $0x1D, v1  }
0x191: {  	v11 =	vld.idx.msk [tilespmem:v6+s11+$0x0], $0xffff  }
0x192: {  	v2 =	vadd.f32 v3, v2;
	v3 =	vmul.f32 v5, v12;
	v5 =	vld.idx.msk [tilespmem:v6+s13+$0x0], $0xffff;
	v6 =	vor.u32 $0x1E, v1  }
0x193: {  	v12 =	vld.idx.msk [tilespmem:v8+s11+$0x0], $0xffff  }
0x194: {  	v1 =	vor.u32 $0x1F, v1;
	v2 =	vadd.f32 v3, v2;
	v3 =	vmul.f32 v7, v13;
	v7 =	vld.idx.msk [tilespmem:v8+s13+$0x0], $0xffff  }
0x195: {  	v8 =	vld.idx.msk [tilespmem:v9+s11+$0x0], $0xffff  }
0x196: {  	v2 =	vadd.f32 v3, v2;
	v3 =	vmul.f32 v4, v10;
	v4 =	vld.idx.msk [tilespmem:v9+s13+$0x0], $0xffff  }
0x197: {  	v9 =	vld.idx.msk [tilespmem:v6+s11+$0x0], $0xffff  }
0x198: {  	v2 =	vadd.f32 v3, v2;
	v3 =	vmul.f32 v5, v11;
	v5 =	vld.idx.msk [tilespmem:v6+s13+$0x0], $0xffff  }
0x199: {  	v6 =	vld.idx.msk [tilespmem:v1+s11+$0x0], $0xffff  }
0x19a: {  	v2 =	vadd.f32 v3, v2;
	v3 =	vmul.f32 v7, v12;
	v1 =	vld.idx.msk [tilespmem:v1+s13+$0x0], $0xffff;
	_ =	sdelay $0x1  }
0x19b: {  	v2 =	vadd.f32 v3, v2;
	v3 =	vmul.f32 v4, v8;
	_ =	sdelay $0x1  }
0x19c: {  	v2 =	vadd.f32 v3, v2;
	v3 =	vmul.f32 v5, v9;
	_ =	sdelay $0x1  }
0x19d: {  	v2 =	vadd.f32 v3, v2;
	v1 =	vmul.f32 v1, v6;
	_ =	sdelay $0x1  }
0x19e: {  	v1 =	vadd.f32 v1, v2;
	_ =	sdelay $0x1  }
0x19f: {  	v1 =	vsub.f32 $0.0e+00, v1;
	_ =	sdelay $0x1  }
0x1a0: {  	v1 =	vmul.f32 $1.442695020e+00, v1;
	_ =	sdelay $0x1  }
0x1a1: {  	(erf) = vpow2.f32 v1;
	_ =	sdelay $0x8  }
0x1a2: {  	v1 =	vpop (erf)  }
0x1a3: {  	v1 =	vadd.f32 $1.000000000e+00, v1;
	_ =	sdelay $0x1  }
0x1a4: {  	(erf) = vrcp.f32 v1  }
.Ltmp0:
0x1a5: {  	(pc) =	sbr.rel @p0 .LBB2_2-.Ltmp0, $3  }
0x1a6: {  	_ =	sdelay $0x1  }
0x1a7: {  	v1 =	vmov s19  }
0x1a8: {  	s19 =	sadd.s32 $0x10, s19;
	v1 =	vshll.u32 v1, $0x5  }
0x1a9: {  	v1 =	vor.u32 v0, v1;
	_ =	sdelay $0x1  }
0x1aa: {  	v2 =	vor.u32 $0x1, v1  }
0x1ab: {  	s18 =	sadd.s32 $0x10, s18;
	v3 =	vpop (erf)  }
0x1ac: {  	v4 =	vor.u32 $0x2, v1;
	[tilespmem:s18+$0x0] =	vst v3  }
0x1ad: {  	v3 =	vld.idx.msk [tilespmem:v1+s13+$0x0], $0xffff  }
0x1ae: {  	v6 =	vor.u32 $0x3, v1;
	v5 =	vld.idx.msk [tilespmem:v1+s11+$0x0], $0xffff  }
0x1af: {  	v7 =	vld.idx.msk [tilespmem:v2+s11+$0x0], $0xffff  }
0x1b0: {  	v8 =	vor.u32 $0x4, v1;
	v2 =	vld.idx.msk [tilespmem:v2+s13+$0x0], $0xffff  }
0x1b1: {  	v9 =	vld.idx.msk [tilespmem:v4+s11+$0x0], $0xffff  }
0x1b2: {  	v10 =	vor.u32 $0x5, v1;
	v4 =	vld.idx.msk [tilespmem:v4+s13+$0x0], $0xffff  }
0x1b3: {  	v11 =	vld.idx.msk [tilespmem:v6+s11+$0x0], $0xffff;
	v3 =	vmul.f32 v3, v5  }
0x1b4: {  	v34 =	vor.u32 $0x6, v1;
	v33 =	vld.idx.msk [tilespmem:v6+s13+$0x0], $0xffff  }
0x1b5: {  	v12 =	vld.idx.msk [tilespmem:v8+s11+$0x0], $0xffff;
	v2 =	vmul.f32 v2, v7;
	v3 =	vadd.f32 $0.0e+00, v3  }
0x1b6: {  	v36 =	vor.u32 $0x7, v1;
	v35 =	vld.idx.msk [tilespmem:v8+s13+$0x0], $0xffff  }
0x1b7: {  	v13 =	vld.idx.msk [tilespmem:v10+s11+$0x0], $0xffff;
	v2 =	vadd.f32 v2, v3;
	v3 =	vmul.f32 v4, v9  }
0x1b8: {  	v38 =	vor.u32 $0x8, v1;
	v37 =	vld.idx.msk [tilespmem:v10+s13+$0x0], $0xffff  }
0x1b9: {  	v39 =	vld.idx.msk [tilespmem:v34+s11+$0x0], $0xffff;
	v2 =	vadd.f32 v3, v2;
	v3 =	vmul.f32 v33, v11  }
0x1ba: {  	v41 =	vor.u32 $0x9, v1;
	v40 =	vld.idx.msk [tilespmem:v34+s13+$0x0], $0xffff  }
0x1bb: {  	v42 =	vld.idx.msk [tilespmem:v36+s11+$0x0], $0xffff;
	v2 =	vadd.f32 v3, v2;
	v3 =	vmul.f32 v35, v12  }
0x1bc: {  	v44 =	vor.u32 $0xA, v1;
	v43 =	vld.idx.msk [tilespmem:v36+s13+$0x0], $0xffff  }
0x1bd: {  	v45 =	vld.idx.msk [tilespmem:v38+s11+$0x0], $0xffff;
	v2 =	vadd.f32 v3, v2;
	v3 =	vmul.f32 v37, v13  }
0x1be: {  	v47 =	vor.u32 $0xB, v1;
	v46 =	vld.idx.msk [tilespmem:v38+s13+$0x0], $0xffff  }
0x1bf: {  	v48 =	vld.idx.msk [tilespmem:v41+s11+$0x0], $0xffff;
	v2 =	vadd.f32 v3, v2;
	v3 =	vmul.f32 v40, v39  }
0x1c0: {  	v50 =	vor.u32 $0xC, v1;
	v49 =	vld.idx.msk [tilespmem:v41+s13+$0x0], $0xffff  }
0x1c1: {  	v51 =	vld.idx.msk [tilespmem:v44+s11+$0x0], $0xffff;
	v2 =	vadd.f32 v3, v2;
	v3 =	vmul.f32 v43, v42  }
0x1c2: {  	v53 =	vor.u32 $0xD, v1;
	v52 =	vld.idx.msk [tilespmem:v44+s13+$0x0], $0xffff  }
0x1c3: {  	v54 =	vld.idx.msk [tilespmem:v47+s11+$0x0], $0xffff;
	v2 =	vadd.f32 v3, v2;
	v3 =	vmul.f32 v46, v45  }
0x1c4: {  	v56 =	vor.u32 $0xE, v1;
	v55 =	vld.idx.msk [tilespmem:v47+s13+$0x0], $0xffff  }
0x1c5: {  	v57 =	vld.idx.msk [tilespmem:v50+s11+$0x0], $0xffff;
	v2 =	vadd.f32 v3, v2;
	v3 =	vmul.f32 v49, v48  }
0x1c6: {  	v59 =	vor.u32 $0xF, v1;
	v58 =	vld.idx.msk [tilespmem:v50+s13+$0x0], $0xffff  }
0x1c7: {  	v60 =	vld.idx.msk [tilespmem:v53+s11+$0x0], $0xffff;
	v2 =	vadd.f32 v3, v2;
	v3 =	vmul.f32 v52, v51  }
0x1c8: {  	v62 =	vor.u32 $0x10, v1;
	v61 =	vld.idx.msk [tilespmem:v53+s13+$0x0], $0xffff  }
0x1c9: {  	v63 =	vld.idx.msk [tilespmem:v56+s11+$0x0], $0xffff;
	v2 =	vadd.f32 v3, v2;
	v3 =	vmul.f32 v55, v54  }
0x1ca: {  	v17 =	vor.u32 $0x11, v1;
	v16 =	vld.idx.msk [tilespmem:v56+s13+$0x0], $0xffff  }
0x1cb: {  	v18 =	vld.idx.msk [tilespmem:v59+s11+$0x0], $0xffff;
	v2 =	vadd.f32 v3, v2;
	v3 =	vmul.f32 v58, v57  }
0x1cc: {  	v20 =	vor.u32 $0x12, v1;
	v19 =	vld.idx.msk [tilespmem:v59+s13+$0x0], $0xffff  }
0x1cd: {  	v21 =	vld.idx.msk [tilespmem:v62+s11+$0x0], $0xffff;
	v2 =	vadd.f32 v3, v2;
	v3 =	vmul.f32 v61, v60  }
0x1ce: {  	v23 =	vor.u32 $0x13, v1;
	v22 =	vld.idx.msk [tilespmem:v62+s13+$0x0], $0xffff  }
0x1cf: {  	v24 =	vld.idx.msk [tilespmem:v17+s11+$0x0], $0xffff;
	v2 =	vadd.f32 v3, v2;
	v3 =	vmul.f32 v16, v63  }
0x1d0: {  	v26 =	vor.u32 $0x14, v1;
	v25 =	vld.idx.msk [tilespmem:v17+s13+$0x0], $0xffff  }
0x1d1: {  	v27 =	vld.idx.msk [tilespmem:v20+s11+$0x0], $0xffff;
	v2 =	vadd.f32 v3, v2;
	v3 =	vmul.f32 v19, v18  }
0x1d2: {  	v29 =	vor.u32 $0x15, v1;
	v28 =	vld.idx.msk [tilespmem:v20+s13+$0x0], $0xffff  }
0x1d3: {  	v30 =	vld.idx.msk [tilespmem:v23+s11+$0x0], $0xffff;
	v2 =	vadd.f32 v3, v2;
	v3 =	vmul.f32 v22, v21  }
0x1d4: {  	v32 =	vor.u32 $0x16, v1;
	v31 =	vld.idx.msk [tilespmem:v23+s13+$0x0], $0xffff  }
0x1d5: {  	v34 =	vld.idx.msk [tilespmem:v26+s13+$0x0], $0xffff;
	v2 =	vadd.f32 v3, v2;
	v3 =	vmul.f32 v25, v24  }
0x1d6: {  	v33 =	vld.idx.msk [tilespmem:v26+s11+$0x0], $0xffff;
	v35 =	vor.u32 $0x17, v1  }
0x1d7: {  	v36 =	vld.idx.msk [tilespmem:v29+s11+$0x0], $0xffff;
	v2 =	vadd.f32 v3, v2;
	v3 =	vmul.f32 v28, v27  }
0x1d8: {  	v38 =	vor.u32 $0x18, v1;
	v37 =	vld.idx.msk [tilespmem:v29+s13+$0x0], $0xffff  }
0x1d9: {  	v39 =	vld.idx.msk [tilespmem:v32+s11+$0x0], $0xffff;
	v2 =	vadd.f32 v3, v2;
	v3 =	vmul.f32 v31, v30  }
0x1da: {  	v41 =	vor.u32 $0x19, v1;
	v40 =	vld.idx.msk [tilespmem:v32+s13+$0x0], $0xffff  }
0x1db: {  	v42 =	vld.idx.msk [tilespmem:v35+s11+$0x0], $0xffff;
	v2 =	vadd.f32 v3, v2;
	v3 =	vmul.f32 v34, v33  }
0x1dc: {  	v44 =	vor.u32 $0x1A, v1;
	v43 =	vld.idx.msk [tilespmem:v35+s13+$0x0], $0xffff  }
0x1dd: {  	v45 =	vld.idx.msk [tilespmem:v38+s11+$0x0], $0xffff;
	v2 =	vadd.f32 v3, v2;
	v3 =	vmul.f32 v37, v36  }
0x1de: {  	v47 =	vor.u32 $0x1B, v1;
	v46 =	vld.idx.msk [tilespmem:v38+s13+$0x0], $0xffff  }
0x1df: {  	v48 =	vld.idx.msk [tilespmem:v41+s11+$0x0], $0xffff;
	v2 =	vadd.f32 v3, v2;
	v3 =	vmul.f32 v40, v39  }
0x1e0: {  	v50 =	vor.u32 $0x1C, v1;
	v49 =	vld.idx.msk [tilespmem:v41+s13+$0x0], $0xffff  }
0x1e1: {  	v51 =	vld.idx.msk [tilespmem:v44+s11+$0x0], $0xffff;
	v2 =	vadd.f32 v3, v2;
	v3 =	vmul.f32 v43, v42  }
0x1e2: {  	v53 =	vor.u32 $0x1D, v1;
	v52 =	vld.idx.msk [tilespmem:v44+s13+$0x0], $0xffff  }
0x1e3: {  	v54 =	vld.idx.msk [tilespmem:v47+s11+$0x0], $0xffff;
	v2 =	vadd.f32 v3, v2;
	v3 =	vmul.f32 v46, v45  }
0x1e4: {  	v56 =	vor.u32 $0x1E, v1;
	v55 =	vld.idx.msk [tilespmem:v47+s13+$0x0], $0xffff  }
0x1e5: {  	v57 =	vld.idx.msk [tilespmem:v50+s11+$0x0], $0xffff;
	v2 =	vadd.f32 v3, v2;
	v3 =	vmul.f32 v49, v48  }
0x1e6: {  	v1 =	vor.u32 $0x1F, v1;
	v58 =	vld.idx.msk [tilespmem:v50+s13+$0x0], $0xffff  }
0x1e7: {  	v59 =	vld.idx.msk [tilespmem:v53+s11+$0x0], $0xffff;
	v2 =	vadd.f32 v3, v2;
	v3 =	vmul.f32 v52, v51  }
0x1e8: {  	v60 =	vld.idx.msk [tilespmem:v53+s13+$0x0], $0xffff  }
0x1e9: {  	v62 =	vld.idx.msk [tilespmem:v56+s13+$0x0], $0xffff;
	v2 =	vadd.f32 v3, v2;
	v3 =	vmul.f32 v55, v54  }
0x1ea: {  	v61 =	vld.idx.msk [tilespmem:v56+s11+$0x0], $0xffff  }
0x1eb: {  	v63 =	vld.idx.msk [tilespmem:v1+s11+$0x0], $0xffff;
	v2 =	vadd.f32 v3, v2;
	v3 =	vmul.f32 v58, v57  }
0x1ec: {  	v1 =	vld.idx.msk [tilespmem:v1+s13+$0x0], $0xffff  }
0x1ed: {  	v2 =	vadd.f32 v3, v2;
	v3 =	vmul.f32 v60, v59;
	_ =	sdelay $0x1  }
0x1ee: {  	v2 =	vadd.f32 v3, v2;
	v3 =	vmul.f32 v62, v61;
	_ =	sdelay $0x1  }
0x1ef: {  	v1 =	vmul.f32 v1, v63;
	v2 =	vadd.f32 v3, v2;
	_ =	sdelay $0x1  }
0x1f0: {  	v1 =	vadd.f32 v1, v2;
	_ =	sdelay $0x1  }
0x1f1: {  	v1 =	vsub.f32 $0.0e+00, v1;
	_ =	sdelay $0x1  }
0x1f2: {  	v1 =	vmul.f32 $1.442695020e+00, v1;
	_ =	sdelay $0x1  }
0x1f3: {  	(erf) = vpow2.f32 v1;
	_ =	sdelay $0x8  }
0x1f4: {  	v1 =	vpop (erf)  }
0x1f5: {  	v1 =	vadd.f32 $1.000000000e+00, v1;
	_ =	sdelay $0x1  }
0x1f6: {  	(erf) = vrcp.f32 v1;
	_ =	sdelay $0x7  }
0x1f7: {  	s17 =	sadd.s32 $0x1, s17  }
0x1f8: {  	p0 =	sne.s32 s17, s7;
	s18 =	sadd.s32 $0x10, s18;
	v1 =	vpop (erf)  }
.Ltmp1:
0x1f9: {  	[tilespmem:s18+$0x0] =	vst v1;
	(pc) =	sbr.rel @p0 .LBB2_1-.Ltmp1, $4  }
0x1fa: {  	[hbm4b:s6+s2] =	stream.linear.scatter [tilespmem:s16], [sflag:$0x3], $0x200, $0x38;
	[tilespmem:$0x8A00] =	vst v63  }
0x1fb: {  	_ =	swait.ge [sflag:s8], $0x200  }
0x1fc: {  	[sflag:s8] =	ssyncset.done $0x0  }
0x1fd: {  	[sflag:s8] =	ssyncadd.s32 $0xFFFFFE00  }
0x1fe: {  	_ =	sfence.sel $0x180000  }
0x1ff: {  	[bflag:$0x0] =	sbarrier.arrive $0xFFFF  }
0x200: {  	p0 =	sne.s32 s1, $0x0;
	_ =	strace $0x90000047  }
0x201: {  	s0 =	sadd.s32 @!p0 $0x100000, s0;
	[bflag:$0x2] =	sbarrier.arrive $0xFFFF  }
0x202: {  	[sflag:s0] =	ssyncadd.tile.s32 @!p0 $0x1;
	_ =	shalt  }
.Lfunc_end2:
_tile_overlayer_lowered:
.L_overlay_start_2:
0x203: {  	(tag) =	ssettag $0x2  }
0x204: {  	s0 =	rddreg [dreg:$0x0];
	s2 =	stileid.u32  }
0x205: {  	s1 =	rddreg [dreg:$0x1];
	p0 =	sne.s32 s2, $0x0  }
0x206: {  	s3 =	rddreg [dreg:$0x2];
	[bflag:$0x3] =	sbarrier.arrive $0xFFFF;
	s2 =	simm.s32 @!p0 $0x1C03  }
0x207: {  	[timem:s3], [sflag:s2] =	dma.local @!p0 [hbm:s0], s1  }
0x208: {  	s0 =	simm.s32 @!p0 $0x3  }
0x209: {  	_ =	swait.ge @!p0 [sflag:s0], s1  }
0x20a: {  	s1 =	ssub.s32 @!p0 $0x0, s1;
	[sflag:s0] =	ssyncset.done @!p0 $0x0  }
0x20b: {  	[sflag:s0] =	ssyncadd.s32 @!p0 s1  }
0x20c: {  	[bflag:$0x3] =	sbarrier.arrive $0xFFFF  }
0x20d: {  	_ =	shalt  }

</sc_bundles>
